<compile_context>
chip_gen: v7x
topology: tpu7x:2x2x1
jax: 0.10.2.dev20260603
libtpu: 0.0.44.dev20260713+nightly
codegen_flags: <defaults>
</compile_context>

<pallas_src>
import jax
import jax.numpy as jnp
from jax import lax
from jax.experimental import pallas as pl
from jax.experimental.pallas import tpu as pltpu
from jax.experimental.pallas import tpu_sc as plsc

N = 10000
E = 160000
NP = 10240
EPAD = 163840
EPT = EPAD // 32
CH = 64
CPT = EPT // CH
NPT = 10240 // 16
ROWS = EPAD // CH
RB = 512
NC, NS = 2, 16
NW = NC * NS



def _sc_push_body(pay_hbm, e_hbm, src_hbm, dst_hbm, out_hbm, den_hbm,
                  src_v, dst_v, rows0, rows1, ev0, ev1, zden, acc, den_sp,
                  gr0, gr1, ge0, ge1, sr0, sr1, se0, se1):
    c = lax.axis_index("c")
    s = lax.axis_index("s")
    w = s * NC + c
    rows = (rows0, rows1)
    ev = (ev0, ev1)
    sem_g = (gr0, gr1)
    sem_e = (ge0, ge1)
    sem_s = (sr0, sr1)
    sem_d = (se0, se1)

    def _z(i, _):
        def _zc(j, _):
            rows0[i, pl.ds(j * 16, 16)] = jnp.zeros((16,), jnp.float32)
            return 0
        lax.fori_loop(0, 8, _zc, 0)
        return 0
    lax.fori_loop(0, CH, _z, 0)

    def _zd(i, _):
        zden[pl.ds(i * 16, 16)] = jnp.zeros((16,), jnp.float32)
        return 0
    lax.fori_loop(0, NPT // 16, _zd, 0)

    def _fill(i, _):
        pltpu.async_copy(rows0, acc.at[pl.ds(s * NPT + i * CH, CH)], sr0)
        return 0
    lax.fori_loop(0, NPT // CH, _fill, 0)
    pltpu.async_copy(zden, den_sp.at[pl.ds(s * NPT, NPT)], se0)

    pltpu.sync_copy(src_hbm.at[pl.ds(w * CPT, CPT)], src_v)
    pltpu.sync_copy(dst_hbm.at[pl.ds(w * CPT, CPT)], dst_v)

    def _filldrain(i, _):
        pltpu.make_async_copy(rows0, acc.at[pl.ds(s * NPT + i * CH, CH)],
                              sr0).wait()
        return 0
    lax.fori_loop(0, NPT // CH, _filldrain, 0)
    pltpu.make_async_copy(zden, den_sp.at[pl.ds(s * NPT, NPT)], se0).wait()
    plsc.subcore_barrier()

    pltpu.async_copy(pay_hbm.at[src_v.at[0]], rows0, gr0)
    pltpu.async_copy(e_hbm.at[src_v.at[0]], ev0, ge0)
    pltpu.async_copy(pay_hbm.at[src_v.at[1]], rows1, gr1)
    pltpu.async_copy(e_hbm.at[src_v.at[1]], ev1, ge1)

    def _pair(h, _):
        for b in (0, 1):
            g = h * 2 + b
            pltpu.make_async_copy(pay_hbm.at[src_v.at[g]], rows[b],
                                  sem_g[b]).wait()
            pltpu.make_async_copy(e_hbm.at[src_v.at[g]], ev[b],
                                  sem_e[b]).wait()
            pltpu.async_copy(rows[b], acc.at[dst_v.at[g]], sem_s[b],
                             add=True)
            pltpu.async_copy(ev[b], den_sp.at[dst_v.at[g]], sem_d[b],
                             add=True)
            pltpu.make_async_copy(rows[b], acc.at[dst_v.at[g]],
                                  sem_s[b]).wait()
            pltpu.make_async_copy(ev[b], den_sp.at[dst_v.at[g]],
                                  sem_d[b]).wait()

            @pl.when(g + 2 < CPT)
            def _():
                pltpu.async_copy(pay_hbm.at[src_v.at[g + 2]], rows[b],
                                 sem_g[b])
                pltpu.async_copy(e_hbm.at[src_v.at[g + 2]], ev[b],
                                 sem_e[b])
        return 0
    lax.fori_loop(0, CPT // 2, _pair, 0)

    plsc.subcore_barrier()
    pltpu.sync_copy(acc.at[pl.ds(s * NPT, NPT)],
                    out_hbm.at[c].at[pl.ds(s * NPT, NPT)])
    pltpu.sync_copy(den_sp.at[pl.ds(s * NPT, NPT)],
                    den_hbm.at[c].at[pl.ds(s * NPT, NPT)])


def _sc_push(payload, e, src2d, dst2d):
    mesh = plsc.VectorSubcoreMesh(core_axis_name="c", subcore_axis_name="s")
    return pl.kernel(
        _sc_push_body,
        out_type=[jax.ShapeDtypeStruct((NC, NP, 128), jnp.float32),
                  jax.ShapeDtypeStruct((NC, NP), jnp.float32)],
        mesh=mesh,
        compiler_params=pltpu.CompilerParams(needs_layout_passes=False),
        scratch_types=[
            pltpu.VMEM((CPT, CH), jnp.int32),
            pltpu.VMEM((CPT, CH), jnp.int32),
            pltpu.VMEM((CH, 128), jnp.float32),
            pltpu.VMEM((CH, 128), jnp.float32),
            pltpu.VMEM((CH,), jnp.float32),
            pltpu.VMEM((CH,), jnp.float32),
            pltpu.VMEM((NPT,), jnp.float32),
            pltpu.VMEM_SHARED((NP, 128), jnp.float32),
            pltpu.VMEM_SHARED((NP,), jnp.float32),
            pltpu.SemaphoreType.DMA,
            pltpu.SemaphoreType.DMA,
            pltpu.SemaphoreType.DMA,
            pltpu.SemaphoreType.DMA,
            pltpu.SemaphoreType.DMA,
            pltpu.SemaphoreType.DMA,
            pltpu.SemaphoreType.DMA,
            pltpu.SemaphoreType.DMA,
        ],
    )(payload, e, src2d, dst2d)



def _leaky_exp(a):
    return jnp.exp(jnp.where(a > 0, a, 0.2 * a))


def _combine(sb, den, xs):
    num = sb[0] + sb[1]
    out = num / (den + 1e-16) + xs
    nrm = jnp.sqrt(jnp.sum(out * out, axis=1, keepdims=True))
    return out / jnp.maximum(nrm, 1e-12)


def _tc1_body(x_ref, wm_ref, bm_ref, av_ref, ws_ref, bs_ref,
              p_ref, e_ref, xs_ref):
    xb = x_ref[...]
    m = jnp.dot(xb, wm_ref[...], preferred_element_type=jnp.float32) + bm_ref[...]
    a = jnp.dot(m, av_ref[...], preferred_element_type=jnp.float32)
    e = _leaky_exp(a)
    p_ref[...] = m * e
    e_ref[...] = e[:, 0]
    xs_ref[...] = jnp.dot(xb, ws_ref[...], preferred_element_type=jnp.float32) + bs_ref[...]


def _tc2_body(s_ref, d_ref, xs_ref, wm_ref, bm_ref, av_ref,
              h_ref, p_ref, e_ref):
    den = jnp.sum(d_ref[...], axis=0)[:, None]
    h = jax.nn.relu(_combine(s_ref[...], den, xs_ref[...]))
    h_ref[...] = h
    m = jnp.dot(h, wm_ref[...], preferred_element_type=jnp.float32) + bm_ref[...]
    e = _leaky_exp(jnp.dot(m, av_ref[...], preferred_element_type=jnp.float32))
    p_ref[...] = m * e
    e_ref[...] = e[:, 0]


def _tc3_body(s_ref, d_ref, h1_ref, wm_ref, bm_ref, av_ref, ws_ref, bs_ref,
              p_ref, e_ref, xs_ref):
    den = jnp.sum(d_ref[...], axis=0)[:, None]
    h = jax.nn.relu(_combine(s_ref[...], den, h1_ref[...]))
    m = jnp.dot(h, wm_ref[...], preferred_element_type=jnp.float32) + bm_ref[...]
    e = _leaky_exp(jnp.dot(m, av_ref[...], preferred_element_type=jnp.float32))
    me = m * e
    col = jax.lax.broadcasted_iota(jnp.int32, me.shape, 1)
    p_ref[...] = me + jnp.where(col == 9, e, 0.0)
    e_ref[...] = e[:, 0]
    xs_ref[...] = jnp.dot(h, ws_ref[...], preferred_element_type=jnp.float32) + bs_ref[...]


def _tc4_body(s_ref, xs_ref, o_ref):
    sb = s_ref[...]
    num = sb[0, :, :9] + sb[1, :, :9]
    den = (sb[0, :, 9] + sb[1, :, 9])[:, None]
    o = num / (den + 1e-16) + xs_ref[..., :9]
    nrm = jnp.sqrt(jnp.sum(o * o, axis=1, keepdims=True))
    o = o / jnp.maximum(nrm, 1e-12)
    col = jax.lax.broadcasted_iota(jnp.int32, (o.shape[0], 16), 1)
    om = jnp.where(col < 9, jnp.pad(o, ((0, 0), (0, 7))), -jnp.inf)
    om = om - jnp.max(om, axis=1, keepdims=True)
    o_ref[...] = om - jnp.log(jnp.sum(jnp.exp(om), axis=1, keepdims=True))


def _row_spec(width):
    return pl.BlockSpec((RB, width), lambda i: (i, 0))


def _vec_spec():
    return pl.BlockSpec((RB,), lambda i: (i,))


def _full_spec(shape):
    return pl.BlockSpec(shape, lambda i: tuple(0 for _ in shape))


def _part_spec(width):
    return pl.BlockSpec((NC, RB, width), lambda i: (0, i, 0))


def _den_spec():
    return pl.BlockSpec((NC, RB), lambda i: (0, i))


_GRID = NP // RB


def _tc1(x, wm, bm, av, ws, bs):
    return pl.pallas_call(
        _tc1_body,
        grid=(_GRID,),
        in_specs=[_row_spec(1024), _full_spec((1024, 128)), _full_spec((1, 128)),
                  _full_spec((128, 1)), _full_spec((1024, 128)), _full_spec((1, 128))],
        out_specs=[_row_spec(128), _vec_spec(), _row_spec(128)],
        out_shape=[jax.ShapeDtypeStruct((NP, 128), jnp.float32),
                   jax.ShapeDtypeStruct((NP,), jnp.float32),
                   jax.ShapeDtypeStruct((NP, 128), jnp.float32)],
    )(x, wm, bm, av, ws, bs)


def _tc2(s1, d1, xs1, wm, bm, av):
    return pl.pallas_call(
        _tc2_body,
        grid=(_GRID,),
        in_specs=[_part_spec(128), _den_spec(), _row_spec(128),
                  _full_spec((128, 128)), _full_spec((1, 128)), _full_spec((128, 1))],
        out_specs=[_row_spec(128), _row_spec(128), _vec_spec()],
        out_shape=[jax.ShapeDtypeStruct((NP, 128), jnp.float32),
                   jax.ShapeDtypeStruct((NP, 128), jnp.float32),
                   jax.ShapeDtypeStruct((NP,), jnp.float32)],
    )(s1, d1, xs1, wm, bm, av)


def _tc3(s2, d2, h1, wm, bm, av, ws, bs):
    return pl.pallas_call(
        _tc3_body,
        grid=(_GRID,),
        in_specs=[_part_spec(128), _den_spec(), _row_spec(128),
                  _full_spec((128, 128)), _full_spec((1, 128)),
                  _full_spec((128, 1)), _full_spec((128, 16)), _full_spec((1, 16))],
        out_specs=[_row_spec(128), _vec_spec(), _row_spec(16)],
        out_shape=[jax.ShapeDtypeStruct((NP, 128), jnp.float32),
                   jax.ShapeDtypeStruct((NP,), jnp.float32),
                   jax.ShapeDtypeStruct((NP, 16), jnp.float32)],
    )(s2, d2, h1, wm, bm, av, ws, bs)


def _tc4(s3, xs3):
    return pl.pallas_call(
        _tc4_body,
        grid=(_GRID,),
        in_specs=[_part_spec(128), _row_spec(16)],
        out_specs=_row_spec(16),
        out_shape=jax.ShapeDtypeStruct((NP, 16), jnp.float32),
    )(s3, xs3)



def kernel(x, edge_index, W1_msg, b1_msg, att1, W1_self, b1_self,
           W2_msg, b2_msg, att2, W3_msg, b3_msg, att3, W3_self, b3_self):
    xp = jnp.pad(x, ((0, NP - N), (0, 0)))
    src = jnp.pad(edge_index[0], (0, EPAD - E)).reshape(ROWS, CH)
    dst = jnp.pad(edge_index[1], (0, EPAD - E),
                  constant_values=N).reshape(ROWS, CH)

    w1m = W1_msg.T
    w1s = W1_self.T
    a1 = att1[0, 0].reshape(128, 1)
    w2m = W2_msg.T
    a2 = att2[0, 0].reshape(128, 1)
    w3m = jnp.pad(W3_msg.T, ((0, 0), (0, 119)))
    b3m = jnp.pad(b3_msg, (0, 119)).reshape(1, 128)
    a3 = jnp.pad(att3[0, 0], (0, 119)).reshape(128, 1)
    w3s = jnp.pad(W3_self.T, ((0, 0), (0, 7)))
    b3s = jnp.pad(b3_self, (0, 7)).reshape(1, 16)

    p1, e1, xs1 = _tc1(xp, w1m, b1_msg.reshape(1, 128), a1, w1s,
                       b1_self.reshape(1, 128))
    s1, d1 = _sc_push(p1, e1, src, dst)
    h1, p2, e2 = _tc2(s1, d1, xs1, w2m, b2_msg.reshape(1, 128), a2)
    s2, d2 = _sc_push(p2, e2, src, dst)
    p3, e3, xs3 = _tc3(s2, d2, h1, w3m, b3m, a3, w3s, b3s)
    s3, _ = _sc_push(p3, e3, src, dst)
    out = _tc4(s3, xs3)
    return out[:N, :9]

# --- scband reference (transcript-rebuilt; emitter-appended) ---
"""Pipeline reference for scband-general-gcn-52450140619485 (READ-ONLY COPY).

The authoritative reference and input builder live on the scoring server;
editing this copy changes nothing except your own understanding.
"""

import jax, jax.numpy as jnp
import numpy as np

N = 10000
E = 160000

def _conv(x, edge_index, W_msg, b_msg, att, W_self, b_self):
    src = edge_index[0]
    dst = edge_index[1]
    n = x.shape[0]
    # message: lin_msg applied to gathered source features (per-edge)
    m = x[src] @ W_msg.T + b_msg
    # additive attention with heads=1: alpha = sum(m * att_msg, -1)
    alpha = jnp.sum(m * att[0, 0][None, :], axis=-1)
    # leaky_relu with negative_slope=0.2
    alpha = jnp.where(alpha > 0, alpha, 0.2 * alpha)
    # segment softmax over destination nodes
    amax = jax.ops.segment_max(alpha, dst, num_segments=n)
    amax = jnp.where(jnp.isfinite(amax), amax, 0.0)
    ex = jnp.exp(alpha - amax[dst])
    denom = jax.ops.segment_sum(ex, dst, num_segments=n)
    w = ex / (denom[dst] + 1e-16)
    # sum aggregation of attention-weighted messages
    out = jax.ops.segment_sum(m * w[:, None], dst, num_segments=n)
    # heads=1 so mean over heads is identity; add self connection
    if W_self is None:
        x_self = x  # Identity when in_channels == out_channels
    else:
        x_self = x @ W_self.T + b_self
    out = out + x_self
    # l2 normalize (F.normalize p=2, dim=-1, eps=1e-12)
    nrm = jnp.sqrt(jnp.sum(out * out, axis=-1, keepdims=True))
    return out / jnp.maximum(nrm, 1e-12)

def setup_inputs(seed: int = 0):
    key = jax.random.key(seed)
    ks = jax.random.split(key, 20)
    x = jax.random.normal(ks[0], (N, 1024), dtype=jnp.float32)
    edge_index = jax.random.randint(ks[1], (2, E), 0, N, dtype=jnp.int32)
    s = 0.05
    inp = {"x": x, "edge_index": edge_index}
    inp["W1_msg"] = jax.random.normal(ks[2], (128, 1024), dtype=jnp.float32) * s
    inp["b1_msg"] = jnp.zeros((128,), dtype=jnp.float32)
    inp["att1"] = jax.random.normal(ks[3], (1, 1, 128), dtype=jnp.float32) * s
    inp["W1_self"] = jax.random.normal(ks[4], (128, 1024), dtype=jnp.float32) * s
    inp["b1_self"] = jnp.zeros((128,), dtype=jnp.float32)
    inp["W2_msg"] = jax.random.normal(ks[5], (128, 128), dtype=jnp.float32) * s
    inp["b2_msg"] = jnp.zeros((128,), dtype=jnp.float32)
    inp["att2"] = jax.random.normal(ks[6], (1, 1, 128), dtype=jnp.float32) * s
    inp["W3_msg"] = jax.random.normal(ks[7], (9, 128), dtype=jnp.float32) * s
    inp["b3_msg"] = jnp.zeros((9,), dtype=jnp.float32)
    inp["att3"] = jax.random.normal(ks[8], (1, 1, 9), dtype=jnp.float32) * s
    inp["W3_self"] = jax.random.normal(ks[9], (9, 128), dtype=jnp.float32) * s
    inp["b3_self"] = jnp.zeros((9,), dtype=jnp.float32)
    return inp

def reference(x, edge_index, W1_msg, b1_msg, att1, W1_self, b1_self, W2_msg, b2_msg, att2, W3_msg, b3_msg, att3, W3_self, b3_self):
    h = _conv(x, edge_index, W1_msg, b1_msg, att1, W1_self, b1_self)
    h = jax.nn.relu(h)
    h = _conv(h, edge_index, W2_msg, b2_msg, att2, None, None)
    h = jax.nn.relu(h)
    h = _conv(h, edge_index, W3_msg, b3_msg, att3, W3_self, b3_self)
    return jax.nn.log_softmax(h, axis=1)

if __name__ == "__main__":
    import jax
    _d = setup_inputs()
    print(jax.jit(kernel)(*tuple(_d.values())))

</pallas_src>

<mosaic_0001>
#map = affine_map<(d0, d1) -> (0, 0)>
#map1 = affine_map<(d0, d1) -> (0)>
#map2 = affine_map<(d0, d1) -> (0, 0, 0)>
module attributes {stable_mosaic.version = 14 : i64} {
  func.func @_sc_push_body(%arg0: i32, %arg1: i32, %arg2: memref<10240x128xf32, #tpu.memory_space<hbm>>, %arg3: memref<10240xf32, #tpu.memory_space<hbm>>, %arg4: memref<2560x64xi32, #tpu.memory_space<hbm>>, %arg5: memref<2560x64xi32, #tpu.memory_space<hbm>>, %arg6: memref<2x10240x128xf32, #tpu.memory_space<hbm>>, %arg7: memref<2x10240xf32, #tpu.memory_space<hbm>>, %arg8: memref<80x64xi32, #tpu.memory_space<vmem>>, %arg9: memref<80x64xi32, #tpu.memory_space<vmem>>, %arg10: memref<64x128xf32, #tpu.memory_space<vmem>>, %arg11: memref<64x128xf32, #tpu.memory_space<vmem>>, %arg12: memref<64xf32, #tpu.memory_space<vmem>>, %arg13: memref<64xf32, #tpu.memory_space<vmem>>, %arg14: memref<640xf32, #tpu.memory_space<vmem>>, %arg15: memref<10240x128xf32, #tpu.memory_space<vmem_shared>>, %arg16: memref<10240xf32, #tpu.memory_space<vmem_shared>>, %arg17: memref<!tpu.dma_semaphore, #tpu.memory_space<semaphore_mem>>, %arg18: memref<!tpu.dma_semaphore, #tpu.memory_space<semaphore_mem>>, %arg19: memref<!tpu.dma_semaphore, #tpu.memory_space<semaphore_mem>>, %arg20: memref<!tpu.dma_semaphore, #tpu.memory_space<semaphore_mem>>, %arg21: memref<!tpu.dma_semaphore, #tpu.memory_space<semaphore_mem>>, %arg22: memref<!tpu.dma_semaphore, #tpu.memory_space<semaphore_mem>>, %arg23: memref<!tpu.dma_semaphore, #tpu.memory_space<semaphore_mem>>, %arg24: memref<!tpu.dma_semaphore, #tpu.memory_space<semaphore_mem>>) attributes {dimension_semantics = [#tpu.dimension_semantics<core_parallel>, #tpu.dimension_semantics<subcore_parallel>], iteration_bounds = array<i64: 2, 16>, scalar_prefetch = 0 : i64, scratch_operands = 17 : i64, tpu.core_type = #tpu.core_type<sc_vector_subcore>, window_params = [{transform_indices = #map}, {transform_indices = #map1}, {transform_indices = #map}, {transform_indices = #map}, {transform_indices = #map2}, {transform_indices = #map}]} {
    %mul3A = arith.constant 2 : i32
    %mul3A_0 = arith.muli %arg1, %mul3A : i32
    %add3A = arith.addi %mul3A_0, %arg0 : i32
    %scan3A = arith.constant 0 : i32
    %scan3A_1 = arith.constant 0 : i32
    %scan3A_2 = arith.constant 64 : i32
    %scan3A_3 = arith.addi %scan3A_1, %scan3A_2 : i32
    %scan3A_4 = arith.constant 1 : i32
    %scan3A_5 = scf.for %scan3A_80 = %scan3A_1 to %scan3A_3 step %scan3A_4 iter_args(%scan3A_81 = %scan3A) -> (i32)  : i32 {
      %scan3A_82 = arith.constant 0 : i32
      %scan3A_83 = arith.constant 0 : i32
      %scan3A_84 = arith.constant 8 : i32
      %scan3A_85 = arith.addi %scan3A_83, %scan3A_84 : i32
      %scan3A_86 = arith.constant 1 : i32
      %scan3A_87 = scf.for %scan3A_90 = %scan3A_83 to %scan3A_85 step %scan3A_86 iter_args(%scan3A_91 = %scan3A_82) -> (i32)  : i32 {
        %broadcast_in_dim3A = arith.constant 0.000000e+00 : f32
        %broadcast_in_dim3A_92 = vector.broadcast %broadcast_in_dim3A : f32 to vector<16xf32>
        %mul3A_93 = arith.constant 16 : i32
        %mul3A_94 = arith.muli %scan3A_90, %mul3A_93 : i32
        %swap3A = arith.index_cast %scan3A_80 : i32 to index
        %swap3A_95 = arith.index_cast %mul3A_94 : i32 to index
        %swap3A_96 = tpu.vector_load %arg10[%swap3A, %swap3A_95] {strides = array<i32>} : memref<64x128xf32, #tpu.memory_space<vmem>>, vector<16xf32>,
        tpu.vector_store %arg10[%swap3A, %swap3A_95], %broadcast_in_dim3A_92 {strides = array<i32>} : memref<64x128xf32, #tpu.memory_space<vmem>>, vector<16xf32>,
        %scan3A_97 = arith.constant 0 : i32
        scf.yield %scan3A_97 : i32
      }
      %scan3A_88 = arith.constant 8 : i32
      %scan3A_89 = arith.constant 0 : i32
      scf.yield %scan3A_89 : i32
    }
    %scan3A_6 = arith.constant 64 : i32
    %scan3A_7 = arith.constant 0 : i32
    %scan3A_8 = arith.constant 0 : i32
    %scan3A_9 = arith.constant 40 : i32
    %scan3A_10 = arith.addi %scan3A_8, %scan3A_9 : i32
    %scan3A_11 = arith.constant 1 : i32
    %scan3A_12 = scf.for %scan3A_80 = %scan3A_8 to %scan3A_10 step %scan3A_11 iter_args(%scan3A_81 = %scan3A_7) -> (i32)  : i32 {
      %broadcast_in_dim3A = arith.constant 0.000000e+00 : f32
      %broadcast_in_dim3A_82 = vector.broadcast %broadcast_in_dim3A : f32 to vector<16xf32>
      %mul3A_83 = arith.constant 16 : i32
      %mul3A_84 = arith.muli %scan3A_80, %mul3A_83 : i32
      %swap3A = arith.index_cast %mul3A_84 : i32 to index
      %swap3A_85 = tpu.vector_load %arg14[%swap3A] {strides = array<i32>} : memref<640xf32, #tpu.memory_space<vmem>>, vector<16xf32>,
      tpu.vector_store %arg14[%swap3A], %broadcast_in_dim3A_82 {strides = array<i32>} : memref<640xf32, #tpu.memory_space<vmem>>, vector<16xf32>,
      %scan3A_86 = arith.constant 0 : i32
      scf.yield %scan3A_86 : i32
    }
    %scan3A_13 = arith.constant 40 : i32
    %scan3A_14 = arith.constant 0 : i32
    %scan3A_15 = arith.constant 0 : i32
    %scan3A_16 = arith.constant 10 : i32
    %scan3A_17 = arith.addi %scan3A_15, %scan3A_16 : i32
    %scan3A_18 = arith.constant 1 : i32
    %scan3A_19 = scf.for %scan3A_80 = %scan3A_15 to %scan3A_17 step %scan3A_18 iter_args(%scan3A_81 = %scan3A_14) -> (i32)  : i32 {
      %mul3A_82 = arith.constant 640 : i32
      %mul3A_83 = arith.muli %arg1, %mul3A_82 : i32
      %mul3A_84 = arith.constant 64 : i32
      %mul3A_85 = arith.muli %scan3A_80, %mul3A_84 : i32
      %add3A_86 = arith.addi %mul3A_83, %mul3A_85 : i32
      %dma_start3A_87 = arith.constant 0 : i32
      %dma_start3A_88 = tpu.memref_slice %arg15[%add3A_86, %dma_start3A_87] : memref<10240x128xf32, #tpu.memory_space<vmem_shared>> -> memref<64x128xf32, #tpu.memory_space<vmem_shared>>
      %dma_start3A_89 = arith.constant 0 : i32
      %dma_start3A_90 = tpu.memref_slice %arg15[%add3A_86, %dma_start3A_89] : memref<10240x128xf32, #tpu.memory_space<vmem_shared>> -> memref<64x128xf32, #tpu.memory_space<vmem_shared>>
      tpu.enqueue_dma source(%arg10 : memref<64x128xf32, #tpu.memory_space<vmem>>) target(%dma_start3A_90 : memref<64x128xf32, #tpu.memory_space<vmem_shared>>) target_semaphore(%arg21 : memref<!tpu.dma_semaphore, #tpu.memory_space<semaphore_mem>>)
      %scan3A_91 = arith.constant 0 : i32
      scf.yield %scan3A_91 : i32
    }
    %scan3A_20 = arith.constant 10 : i32
    %mul3A_21 = arith.constant 640 : i32
    %mul3A_22 = arith.muli %arg1, %mul3A_21 : i32
    %dma_start3A = tpu.memref_slice %arg16[%mul3A_22] : memref<10240xf32, #tpu.memory_space<vmem_shared>> -> memref<640xf32, #tpu.memory_space<vmem_shared>>
    %dma_start3A_23 = tpu.memref_slice %arg16[%mul3A_22] : memref<10240xf32, #tpu.memory_space<vmem_shared>> -> memref<640xf32, #tpu.memory_space<vmem_shared>>
    tpu.enqueue_dma source(%arg14 : memref<640xf32, #tpu.memory_space<vmem>>) target(%dma_start3A_23 : memref<640xf32, #tpu.memory_space<vmem_shared>>) target_semaphore(%arg23 : memref<!tpu.dma_semaphore, #tpu.memory_space<semaphore_mem>>)
    %mul3A_24 = arith.constant 80 : i32
    %mul3A_25 = arith.muli %add3A, %mul3A_24 : i32
    "tpu.region"() ({
      %run_scoped3A = tpu.sem_alloc : memref<!tpu.dma_semaphore, #tpu.memory_space<semaphore_mem>>
      %dma_start3A_80 = arith.constant 0 : i32
      %dma_start3A_81 = tpu.memref_slice %arg4[%mul3A_25, %dma_start3A_80] : memref<2560x64xi32, #tpu.memory_space<hbm>> -> memref<80x64xi32, #tpu.memory_space<hbm>>
      %dma_start3A_82 = arith.constant 0 : i32
      %dma_start3A_83 = tpu.memref_slice %arg4[%mul3A_25, %dma_start3A_82] : memref<2560x64xi32, #tpu.memory_space<hbm>> -> memref<80x64xi32, #tpu.memory_space<hbm>>
      tpu.enqueue_dma source(%dma_start3A_83 : memref<80x64xi32, #tpu.memory_space<hbm>>) target(%arg8 : memref<80x64xi32, #tpu.memory_space<vmem>>) target_semaphore(%run_scoped3A : memref<!tpu.dma_semaphore, #tpu.memory_space<semaphore_mem>>)
      %dma_wait3A_84 = arith.constant 0 : i32
      %dma_wait3A_85 = tpu.memref_slice %arg4[%mul3A_25, %dma_wait3A_84] : memref<2560x64xi32, #tpu.memory_space<hbm>> -> memref<80x64xi32, #tpu.memory_space<hbm>>
      %dma_wait3A_86 = arith.constant 0 : i32
      %dma_wait3A_87 = tpu.memref_slice %arg4[%mul3A_25, %dma_wait3A_86] : memref<2560x64xi32, #tpu.memory_space<hbm>> -> memref<80x64xi32, #tpu.memory_space<hbm>>
      tpu.wait_dma2 semaphore(%run_scoped3A : memref<!tpu.dma_semaphore, #tpu.memory_space<semaphore_mem>>) src(%dma_wait3A_87 : memref<80x64xi32, #tpu.memory_space<hbm>>) dst(%arg8 : memref<80x64xi32, #tpu.memory_space<vmem>>)
      tpu.yield
    }) : () -> ()
    %mul3A_26 = arith.constant 80 : i32
    %mul3A_27 = arith.muli %add3A, %mul3A_26 : i32
    "tpu.region"() ({
      %run_scoped3A = tpu.sem_alloc : memref<!tpu.dma_semaphore, #tpu.memory_space<semaphore_mem>>
      %dma_start3A_80 = arith.constant 0 : i32
      %dma_start3A_81 = tpu.memref_slice %arg5[%mul3A_27, %dma_start3A_80] : memref<2560x64xi32, #tpu.memory_space<hbm>> -> memref<80x64xi32, #tpu.memory_space<hbm>>
      %dma_start3A_82 = arith.constant 0 : i32
      %dma_start3A_83 = tpu.memref_slice %arg5[%mul3A_27, %dma_start3A_82] : memref<2560x64xi32, #tpu.memory_space<hbm>> -> memref<80x64xi32, #tpu.memory_space<hbm>>
      tpu.enqueue_dma source(%dma_start3A_83 : memref<80x64xi32, #tpu.memory_space<hbm>>) target(%arg9 : memref<80x64xi32, #tpu.memory_space<vmem>>) target_semaphore(%run_scoped3A : memref<!tpu.dma_semaphore, #tpu.memory_space<semaphore_mem>>)
      %dma_wait3A_84 = arith.constant 0 : i32
      %dma_wait3A_85 = tpu.memref_slice %arg5[%mul3A_27, %dma_wait3A_84] : memref<2560x64xi32, #tpu.memory_space<hbm>> -> memref<80x64xi32, #tpu.memory_space<hbm>>
      %dma_wait3A_86 = arith.constant 0 : i32
      %dma_wait3A_87 = tpu.memref_slice %arg5[%mul3A_27, %dma_wait3A_86] : memref<2560x64xi32, #tpu.memory_space<hbm>> -> memref<80x64xi32, #tpu.memory_space<hbm>>
      tpu.wait_dma2 semaphore(%run_scoped3A : memref<!tpu.dma_semaphore, #tpu.memory_space<semaphore_mem>>) src(%dma_wait3A_87 : memref<80x64xi32, #tpu.memory_space<hbm>>) dst(%arg9 : memref<80x64xi32, #tpu.memory_space<vmem>>)
      tpu.yield
    }) : () -> ()
    %scan3A_28 = arith.constant 0 : i32
    %scan3A_29 = arith.constant 0 : i32
    %scan3A_30 = arith.constant 10 : i32
    %scan3A_31 = arith.addi %scan3A_29, %scan3A_30 : i32
    %scan3A_32 = arith.constant 1 : i32
    %scan3A_33 = scf.for %scan3A_80 = %scan3A_29 to %scan3A_31 step %scan3A_32 iter_args(%scan3A_81 = %scan3A_28) -> (i32)  : i32 {
      %mul3A_82 = arith.constant 640 : i32
      %mul3A_83 = arith.muli %arg1, %mul3A_82 : i32
      %mul3A_84 = arith.constant 64 : i32
      %mul3A_85 = arith.muli %scan3A_80, %mul3A_84 : i32
      %add3A_86 = arith.addi %mul3A_83, %mul3A_85 : i32
      %dma_wait3A_87 = arith.constant 0 : i32
      %dma_wait3A_88 = tpu.memref_slice %arg15[%add3A_86, %dma_wait3A_87] : memref<10240x128xf32, #tpu.memory_space<vmem_shared>> -> memref<64x128xf32, #tpu.memory_space<vmem_shared>>
      %dma_wait3A_89 = arith.constant 0 : i32
      %dma_wait3A_90 = tpu.memref_slice %arg15[%add3A_86, %dma_wait3A_89] : memref<10240x128xf32, #tpu.memory_space<vmem_shared>> -> memref<64x128xf32, #tpu.memory_space<vmem_shared>>
      tpu.wait_dma2 semaphore(%arg21 : memref<!tpu.dma_semaphore, #tpu.memory_space<semaphore_mem>>) src(%arg10 : memref<64x128xf32, #tpu.memory_space<vmem>>) dst(%dma_wait3A_90 : memref<64x128xf32, #tpu.memory_space<vmem_shared>>)
      %scan3A_91 = arith.constant 0 : i32
      scf.yield %scan3A_91 : i32
    }
    %scan3A_34 = arith.constant 10 : i32
    %mul3A_35 = arith.constant 640 : i32
    %mul3A_36 = arith.muli %arg1, %mul3A_35 : i32
    %dma_wait3A = tpu.memref_slice %arg16[%mul3A_36] : memref<10240xf32, #tpu.memory_space<vmem_shared>> -> memref<640xf32, #tpu.memory_space<vmem_shared>>
    %dma_wait3A_37 = tpu.memref_slice %arg16[%mul3A_36] : memref<10240xf32, #tpu.memory_space<vmem_shared>> -> memref<640xf32, #tpu.memory_space<vmem_shared>>
    tpu.wait_dma2 semaphore(%arg23 : memref<!tpu.dma_semaphore, #tpu.memory_space<semaphore_mem>>) src(%arg14 : memref<640xf32, #tpu.memory_space<vmem>>) dst(%dma_wait3A_37 : memref<640xf32, #tpu.memory_space<vmem_shared>>)
    %barrier3A = arith.constant 0 : index
    tpu.barrier barrier_id(%barrier3A)
    %dma_start3A_38 = arith.constant 0 : i32
    %dma_start3A_39 = arith.constant 0 : i32
    %dma_start3A_40 = tpu.memref_slice %arg8[%dma_start3A_38, %dma_start3A_39] : memref<80x64xi32, #tpu.memory_space<vmem>> -> memref<1x64xi32, #tpu.memory_space<vmem>>
    %dma_start3A_41 = tpu.memref_squeeze %dma_start3A_40 : memref<1x64xi32, #tpu.memory_space<vmem>> -> memref<64xi32, #tpu.memory_space<vmem>>
    %dma_start3A_42 = arith.constant 0 : i32
    %dma_start3A_43 = arith.constant 0 : i32
    %dma_start3A_44 = tpu.memref_slice %arg2[%dma_start3A_42, %dma_start3A_43] : memref<10240x128xf32, #tpu.memory_space<hbm>> -> memref<10240x128xf32, #tpu.memory_space<hbm>>
    tpu.enqueue_indirect_dma source(%dma_start3A_44 : memref<10240x128xf32, #tpu.memory_space<hbm>>) target(%arg10 : memref<64x128xf32, #tpu.memory_space<vmem>>) offsets(%dma_start3A_41 : memref<64xi32, #tpu.memory_space<vmem>>) semaphore(%arg17 : memref<!tpu.dma_semaphore, #tpu.memory_space<semaphore_mem>>)
    %dma_start3A_45 = arith.constant 0 : i32
    %dma_start3A_46 = arith.constant 0 : i32
    %dma_start3A_47 = tpu.memref_slice %arg8[%dma_start3A_45, %dma_start3A_46] : memref<80x64xi32, #tpu.memory_space<vmem>> -> memref<1x64xi32, #tpu.memory_space<vmem>>
    %dma_start3A_48 = tpu.memref_squeeze %dma_start3A_47 : memref<1x64xi32, #tpu.memory_space<vmem>> -> memref<64xi32, #tpu.memory_space<vmem>>
    %dma_start3A_49 = arith.constant 0 : i32
    %dma_start3A_50 = tpu.memref_slice %arg3[%dma_start3A_49] : memref<10240xf32, #tpu.memory_space<hbm>> -> memref<10240xf32, #tpu.memory_space<hbm>>
    tpu.enqueue_indirect_dma source(%dma_start3A_50 : memref<10240xf32, #tpu.memory_space<hbm>>) target(%arg12 : memref<64xf32, #tpu.memory_space<vmem>>) offsets(%dma_start3A_48 : memref<64xi32, #tpu.memory_space<vmem>>) semaphore(%arg19 : memref<!tpu.dma_semaphore, #tpu.memory_space<semaphore_mem>>)
    %dma_start3A_51 = arith.constant 1 : i32
    %dma_start3A_52 = arith.constant 0 : i32
    %dma_start3A_53 = tpu.memref_slice %arg8[%dma_start3A_51, %dma_start3A_52] : memref<80x64xi32, #tpu.memory_space<vmem>> -> memref<1x64xi32, #tpu.memory_space<vmem>>
    %dma_start3A_54 = tpu.memref_squeeze %dma_start3A_53 : memref<1x64xi32, #tpu.memory_space<vmem>> -> memref<64xi32, #tpu.memory_space<vmem>>
    %dma_start3A_55 = arith.constant 0 : i32
    %dma_start3A_56 = arith.constant 0 : i32
    %dma_start3A_57 = tpu.memref_slice %arg2[%dma_start3A_55, %dma_start3A_56] : memref<10240x128xf32, #tpu.memory_space<hbm>> -> memref<10240x128xf32, #tpu.memory_space<hbm>>
    tpu.enqueue_indirect_dma source(%dma_start3A_57 : memref<10240x128xf32, #tpu.memory_space<hbm>>) target(%arg11 : memref<64x128xf32, #tpu.memory_space<vmem>>) offsets(%dma_start3A_54 : memref<64xi32, #tpu.memory_space<vmem>>) semaphore(%arg18 : memref<!tpu.dma_semaphore, #tpu.memory_space<semaphore_mem>>)
    %dma_start3A_58 = arith.constant 1 : i32
    %dma_start3A_59 = arith.constant 0 : i32
    %dma_start3A_60 = tpu.memref_slice %arg8[%dma_start3A_58, %dma_start3A_59] : memref<80x64xi32, #tpu.memory_space<vmem>> -> memref<1x64xi32, #tpu.memory_space<vmem>>
    %dma_start3A_61 = tpu.memref_squeeze %dma_start3A_60 : memref<1x64xi32, #tpu.memory_space<vmem>> -> memref<64xi32, #tpu.memory_space<vmem>>
    %dma_start3A_62 = arith.constant 0 : i32
    %dma_start3A_63 = tpu.memref_slice %arg3[%dma_start3A_62] : memref<10240xf32, #tpu.memory_space<hbm>> -> memref<10240xf32, #tpu.memory_space<hbm>>
    tpu.enqueue_indirect_dma source(%dma_start3A_63 : memref<10240xf32, #tpu.memory_space<hbm>>) target(%arg13 : memref<64xf32, #tpu.memory_space<vmem>>) offsets(%dma_start3A_61 : memref<64xi32, #tpu.memory_space<vmem>>) semaphore(%arg20 : memref<!tpu.dma_semaphore, #tpu.memory_space<semaphore_mem>>)
    %scan3A_64 = arith.constant 0 : i32
    %scan3A_65 = arith.constant 0 : i32
    %scan3A_66 = arith.constant 40 : i32
    %scan3A_67 = arith.addi %scan3A_65, %scan3A_66 : i32
    %scan3A_68 = arith.constant 1 : i32
    %scan3A_69 = scf.for %scan3A_80 = %scan3A_65 to %scan3A_67 step %scan3A_68 iter_args(%scan3A_81 = %scan3A_64) -> (i32)  : i32 {
      %mul3A_82 = arith.constant 2 : i32
      %mul3A_83 = arith.muli %scan3A_80, %mul3A_82 : i32
      %add3A_84 = arith.constant 0 : i32
      %add3A_85 = arith.addi %mul3A_83, %add3A_84 : i32
      %dma_wait3A_86 = arith.constant 0 : i32
      %dma_wait3A_87 = tpu.memref_slice %arg8[%add3A_85, %dma_wait3A_86] : memref<80x64xi32, #tpu.memory_space<vmem>> -> memref<1x64xi32, #tpu.memory_space<vmem>>
      %dma_wait3A_88 = tpu.memref_squeeze %dma_wait3A_87 : memref<1x64xi32, #tpu.memory_space<vmem>> -> memref<64xi32, #tpu.memory_space<vmem>>
      %dma_wait3A_89 = arith.constant 0 : i32
      %dma_wait3A_90 = arith.constant 0 : i32
      %dma_wait3A_91 = tpu.memref_slice %arg2[%dma_wait3A_89, %dma_wait3A_90] : memref<10240x128xf32, #tpu.memory_space<hbm>> -> memref<10240x128xf32, #tpu.memory_space<hbm>>
      tpu.wait_indirect_dma semaphore(%arg17 : memref<!tpu.dma_semaphore, #tpu.memory_space<semaphore_mem>>) src(%dma_wait3A_91 : memref<10240x128xf32, #tpu.memory_space<hbm>>) dst(%arg10 : memref<64x128xf32, #tpu.memory_space<vmem>>)
      %dma_wait3A_92 = arith.constant 0 : i32
      %dma_wait3A_93 = tpu.memref_slice %arg8[%add3A_85, %dma_wait3A_92] : memref<80x64xi32, #tpu.memory_space<vmem>> -> memref<1x64xi32, #tpu.memory_space<vmem>>
      %dma_wait3A_94 = tpu.memref_squeeze %dma_wait3A_93 : memref<1x64xi32, #tpu.memory_space<vmem>> -> memref<64xi32, #tpu.memory_space<vmem>>
      %dma_wait3A_95 = arith.constant 0 : i32
      %dma_wait3A_96 = tpu.memref_slice %arg3[%dma_wait3A_95] : memref<10240xf32, #tpu.memory_space<hbm>> -> memref<10240xf32, #tpu.memory_space<hbm>>
      tpu.wait_indirect_dma semaphore(%arg19 : memref<!tpu.dma_semaphore, #tpu.memory_space<semaphore_mem>>) src(%dma_wait3A_96 : memref<10240xf32, #tpu.memory_space<hbm>>) dst(%arg12 : memref<64xf32, #tpu.memory_space<vmem>>)
      %dma_start3A_97 = arith.constant 0 : i32
      %dma_start3A_98 = tpu.memref_slice %arg9[%add3A_85, %dma_start3A_97] : memref<80x64xi32, #tpu.memory_space<vmem>> -> memref<1x64xi32, #tpu.memory_space<vmem>>
      %dma_start3A_99 = tpu.memref_squeeze %dma_start3A_98 : memref<1x64xi32, #tpu.memory_space<vmem>> -> memref<64xi32, #tpu.memory_space<vmem>>
      %dma_start3A_100 = arith.constant 0 : i32
      %dma_start3A_101 = arith.constant 0 : i32
      %dma_start3A_102 = tpu.memref_slice %arg15[%dma_start3A_100, %dma_start3A_101] : memref<10240x128xf32, #tpu.memory_space<vmem_shared>> -> memref<10240x128xf32, #tpu.memory_space<vmem_shared>>
      tpu.enqueue_indirect_dma source(%arg10 : memref<64x128xf32, #tpu.memory_space<vmem>>) target(%dma_start3A_102 : memref<10240x128xf32, #tpu.memory_space<vmem_shared>>) offsets(%dma_start3A_99 : memref<64xi32, #tpu.memory_space<vmem>>) semaphore(%arg21 : memref<!tpu.dma_semaphore, #tpu.memory_space<semaphore_mem>>) {add = true}
      %dma_start3A_103 = arith.constant 0 : i32
      %dma_start3A_104 = tpu.memref_slice %arg9[%add3A_85, %dma_start3A_103] : memref<80x64xi32, #tpu.memory_space<vmem>> -> memref<1x64xi32, #tpu.memory_space<vmem>>
      %dma_start3A_105 = tpu.memref_squeeze %dma_start3A_104 : memref<1x64xi32, #tpu.memory_space<vmem>> -> memref<64xi32, #tpu.memory_space<vmem>>
      %dma_start3A_106 = arith.constant 0 : i32
      %dma_start3A_107 = tpu.memref_slice %arg16[%dma_start3A_106] : memref<10240xf32, #tpu.memory_space<vmem_shared>> -> memref<10240xf32, #tpu.memory_space<vmem_shared>>
      tpu.enqueue_indirect_dma source(%arg12 : memref<64xf32, #tpu.memory_space<vmem>>) target(%dma_start3A_107 : memref<10240xf32, #tpu.memory_space<vmem_shared>>) offsets(%dma_start3A_105 : memref<64xi32, #tpu.memory_space<vmem>>) semaphore(%arg23 : memref<!tpu.dma_semaphore, #tpu.memory_space<semaphore_mem>>) {add = true}
      %dma_wait3A_108 = arith.constant 0 : i32
      %dma_wait3A_109 = tpu.memref_slice %arg9[%add3A_85, %dma_wait3A_108] : memref<80x64xi32, #tpu.memory_space<vmem>> -> memref<1x64xi32, #tpu.memory_space<vmem>>
      %dma_wait3A_110 = tpu.memref_squeeze %dma_wait3A_109 : memref<1x64xi32, #tpu.memory_space<vmem>> -> memref<64xi32, #tpu.memory_space<vmem>>
      %dma_wait3A_111 = arith.constant 0 : i32
      %dma_wait3A_112 = arith.constant 0 : i32
      %dma_wait3A_113 = tpu.memref_slice %arg15[%dma_wait3A_111, %dma_wait3A_112] : memref<10240x128xf32, #tpu.memory_space<vmem_shared>> -> memref<10240x128xf32, #tpu.memory_space<vmem_shared>>
      tpu.wait_indirect_dma semaphore(%arg21 : memref<!tpu.dma_semaphore, #tpu.memory_space<semaphore_mem>>) src(%arg10 : memref<64x128xf32, #tpu.memory_space<vmem>>) dst(%dma_wait3A_113 : memref<10240x128xf32, #tpu.memory_space<vmem_shared>>)
      %dma_wait3A_114 = arith.constant 0 : i32
      %dma_wait3A_115 = tpu.memref_slice %arg9[%add3A_85, %dma_wait3A_114] : memref<80x64xi32, #tpu.memory_space<vmem>> -> memref<1x64xi32, #tpu.memory_space<vmem>>
      %dma_wait3A_116 = tpu.memref_squeeze %dma_wait3A_115 : memref<1x64xi32, #tpu.memory_space<vmem>> -> memref<64xi32, #tpu.memory_space<vmem>>
      %dma_wait3A_117 = arith.constant 0 : i32
      %dma_wait3A_118 = tpu.memref_slice %arg16[%dma_wait3A_117] : memref<10240xf32, #tpu.memory_space<vmem_shared>> -> memref<10240xf32, #tpu.memory_space<vmem_shared>>
      tpu.wait_indirect_dma semaphore(%arg23 : memref<!tpu.dma_semaphore, #tpu.memory_space<semaphore_mem>>) src(%arg12 : memref<64xf32, #tpu.memory_space<vmem>>) dst(%dma_wait3A_118 : memref<10240xf32, #tpu.memory_space<vmem_shared>>)
      %add3A_119 = arith.constant 2 : i32
      %add3A_120 = arith.addi %add3A_85, %add3A_119 : i32
      %lt3A = arith.constant 80 : i32
      %lt3A_121 = arith.cmpi slt, %add3A_120, %lt3A : i32
      %convert_element_type3A = arith.extui %lt3A_121 : i1 to i32
      %cond3A = arith.constant 0 : i32
      %cond3A_122 = arith.cmpi ne, %convert_element_type3A, %cond3A : i32
      scf.if %cond3A_122 {
        %add3A_168 = arith.constant 2 : i32
        %add3A_169 = arith.addi %add3A_85, %add3A_168 : i32
        %dma_start3A_170 = arith.constant 0 : i32
        %dma_start3A_171 = tpu.memref_slice %arg8[%add3A_169, %dma_start3A_170] : memref<80x64xi32, #tpu.memory_space<vmem>> -> memref<1x64xi32, #tpu.memory_space<vmem>>
        %dma_start3A_172 = tpu.memref_squeeze %dma_start3A_171 : memref<1x64xi32, #tpu.memory_space<vmem>> -> memref<64xi32, #tpu.memory_space<vmem>>
        %dma_start3A_173 = arith.constant 0 : i32
        %dma_start3A_174 = arith.constant 0 : i32
        %dma_start3A_175 = tpu.memref_slice %arg2[%dma_start3A_173, %dma_start3A_174] : memref<10240x128xf32, #tpu.memory_space<hbm>> -> memref<10240x128xf32, #tpu.memory_space<hbm>>
        tpu.enqueue_indirect_dma source(%dma_start3A_175 : memref<10240x128xf32, #tpu.memory_space<hbm>>) target(%arg10 : memref<64x128xf32, #tpu.memory_space<vmem>>) offsets(%dma_start3A_172 : memref<64xi32, #tpu.memory_space<vmem>>) semaphore(%arg17 : memref<!tpu.dma_semaphore, #tpu.memory_space<semaphore_mem>>)
        %add3A_176 = arith.constant 2 : i32
        %add3A_177 = arith.addi %add3A_85, %add3A_176 : i32
        %dma_start3A_178 = arith.constant 0 : i32
        %dma_start3A_179 = tpu.memref_slice %arg8[%add3A_177, %dma_start3A_178] : memref<80x64xi32, #tpu.memory_space<vmem>> -> memref<1x64xi32, #tpu.memory_space<vmem>>
        %dma_start3A_180 = tpu.memref_squeeze %dma_start3A_179 : memref<1x64xi32, #tpu.memory_space<vmem>> -> memref<64xi32, #tpu.memory_space<vmem>>
        %dma_start3A_181 = arith.constant 0 : i32
        %dma_start3A_182 = tpu.memref_slice %arg3[%dma_start3A_181] : memref<10240xf32, #tpu.memory_space<hbm>> -> memref<10240xf32, #tpu.memory_space<hbm>>
        tpu.enqueue_indirect_dma source(%dma_start3A_182 : memref<10240xf32, #tpu.memory_space<hbm>>) target(%arg12 : memref<64xf32, #tpu.memory_space<vmem>>) offsets(%dma_start3A_180 : memref<64xi32, #tpu.memory_space<vmem>>) semaphore(%arg19 : memref<!tpu.dma_semaphore, #tpu.memory_space<semaphore_mem>>)
      } else {
      }
      %mul3A_123 = arith.constant 2 : i32
      %mul3A_124 = arith.muli %scan3A_80, %mul3A_123 : i32
      %add3A_125 = arith.constant 1 : i32
      %add3A_126 = arith.addi %mul3A_124, %add3A_125 : i32
      %dma_wait3A_127 = arith.constant 0 : i32
      %dma_wait3A_128 = tpu.memref_slice %arg8[%add3A_126, %dma_wait3A_127] : memref<80x64xi32, #tpu.memory_space<vmem>> -> memref<1x64xi32, #tpu.memory_space<vmem>>
      %dma_wait3A_129 = tpu.memref_squeeze %dma_wait3A_128 : memref<1x64xi32, #tpu.memory_space<vmem>> -> memref<64xi32, #tpu.memory_space<vmem>>
      %dma_wait3A_130 = arith.constant 0 : i32
      %dma_wait3A_131 = arith.constant 0 : i32
      %dma_wait3A_132 = tpu.memref_slice %arg2[%dma_wait3A_130, %dma_wait3A_131] : memref<10240x128xf32, #tpu.memory_space<hbm>> -> memref<10240x128xf32, #tpu.memory_space<hbm>>
      tpu.wait_indirect_dma semaphore(%arg18 : memref<!tpu.dma_semaphore, #tpu.memory_space<semaphore_mem>>) src(%dma_wait3A_132 : memref<10240x128xf32, #tpu.memory_space<hbm>>) dst(%arg11 : memref<64x128xf32, #tpu.memory_space<vmem>>)
      %dma_wait3A_133 = arith.constant 0 : i32
      %dma_wait3A_134 = tpu.memref_slice %arg8[%add3A_126, %dma_wait3A_133] : memref<80x64xi32, #tpu.memory_space<vmem>> -> memref<1x64xi32, #tpu.memory_space<vmem>>
      %dma_wait3A_135 = tpu.memref_squeeze %dma_wait3A_134 : memref<1x64xi32, #tpu.memory_space<vmem>> -> memref<64xi32, #tpu.memory_space<vmem>>
      %dma_wait3A_136 = arith.constant 0 : i32
      %dma_wait3A_137 = tpu.memref_slice %arg3[%dma_wait3A_136] : memref<10240xf32, #tpu.memory_space<hbm>> -> memref<10240xf32, #tpu.memory_space<hbm>>
      tpu.wait_indirect_dma semaphore(%arg20 : memref<!tpu.dma_semaphore, #tpu.memory_space<semaphore_mem>>) src(%dma_wait3A_137 : memref<10240xf32, #tpu.memory_space<hbm>>) dst(%arg13 : memref<64xf32, #tpu.memory_space<vmem>>)
      %dma_start3A_138 = arith.constant 0 : i32
      %dma_start3A_139 = tpu.memref_slice %arg9[%add3A_126, %dma_start3A_138] : memref<80x64xi32, #tpu.memory_space<vmem>> -> memref<1x64xi32, #tpu.memory_space<vmem>>
      %dma_start3A_140 = tpu.memref_squeeze %dma_start3A_139 : memref<1x64xi32, #tpu.memory_space<vmem>> -> memref<64xi32, #tpu.memory_space<vmem>>
      %dma_start3A_141 = arith.constant 0 : i32
      %dma_start3A_142 = arith.constant 0 : i32
      %dma_start3A_143 = tpu.memref_slice %arg15[%dma_start3A_141, %dma_start3A_142] : memref<10240x128xf32, #tpu.memory_space<vmem_shared>> -> memref<10240x128xf32, #tpu.memory_space<vmem_shared>>
      tpu.enqueue_indirect_dma source(%arg11 : memref<64x128xf32, #tpu.memory_space<vmem>>) target(%dma_start3A_143 : memref<10240x128xf32, #tpu.memory_space<vmem_shared>>) offsets(%dma_start3A_140 : memref<64xi32, #tpu.memory_space<vmem>>) semaphore(%arg22 : memref<!tpu.dma_semaphore, #tpu.memory_space<semaphore_mem>>) {add = true}
      %dma_start3A_144 = arith.constant 0 : i32
      %dma_start3A_145 = tpu.memref_slice %arg9[%add3A_126, %dma_start3A_144] : memref<80x64xi32, #tpu.memory_space<vmem>> -> memref<1x64xi32, #tpu.memory_space<vmem>>
      %dma_start3A_146 = tpu.memref_squeeze %dma_start3A_145 : memref<1x64xi32, #tpu.memory_space<vmem>> -> memref<64xi32, #tpu.memory_space<vmem>>
      %dma_start3A_147 = arith.constant 0 : i32
      %dma_start3A_148 = tpu.memref_slice %arg16[%dma_start3A_147] : memref<10240xf32, #tpu.memory_space<vmem_shared>> -> memref<10240xf32, #tpu.memory_space<vmem_shared>>
      tpu.enqueue_indirect_dma source(%arg13 : memref<64xf32, #tpu.memory_space<vmem>>) target(%dma_start3A_148 : memref<10240xf32, #tpu.memory_space<vmem_shared>>) offsets(%dma_start3A_146 : memref<64xi32, #tpu.memory_space<vmem>>) semaphore(%arg24 : memref<!tpu.dma_semaphore, #tpu.memory_space<semaphore_mem>>) {add = true}
      %dma_wait3A_149 = arith.constant 0 : i32
      %dma_wait3A_150 = tpu.memref_slice %arg9[%add3A_126, %dma_wait3A_149] : memref<80x64xi32, #tpu.memory_space<vmem>> -> memref<1x64xi32, #tpu.memory_space<vmem>>
      %dma_wait3A_151 = tpu.memref_squeeze %dma_wait3A_150 : memref<1x64xi32, #tpu.memory_space<vmem>> -> memref<64xi32, #tpu.memory_space<vmem>>
      %dma_wait3A_152 = arith.constant 0 : i32
      %dma_wait3A_153 = arith.constant 0 : i32
      %dma_wait3A_154 = tpu.memref_slice %arg15[%dma_wait3A_152, %dma_wait3A_153] : memref<10240x128xf32, #tpu.memory_space<vmem_shared>> -> memref<10240x128xf32, #tpu.memory_space<vmem_shared>>
      tpu.wait_indirect_dma semaphore(%arg22 : memref<!tpu.dma_semaphore, #tpu.memory_space<semaphore_mem>>) src(%arg11 : memref<64x128xf32, #tpu.memory_space<vmem>>) dst(%dma_wait3A_154 : memref<10240x128xf32, #tpu.memory_space<vmem_shared>>)
      %dma_wait3A_155 = arith.constant 0 : i32
      %dma_wait3A_156 = tpu.memref_slice %arg9[%add3A_126, %dma_wait3A_155] : memref<80x64xi32, #tpu.memory_space<vmem>> -> memref<1x64xi32, #tpu.memory_space<vmem>>
      %dma_wait3A_157 = tpu.memref_squeeze %dma_wait3A_156 : memref<1x64xi32, #tpu.memory_space<vmem>> -> memref<64xi32, #tpu.memory_space<vmem>>
      %dma_wait3A_158 = arith.constant 0 : i32
      %dma_wait3A_159 = tpu.memref_slice %arg16[%dma_wait3A_158] : memref<10240xf32, #tpu.memory_space<vmem_shared>> -> memref<10240xf32, #tpu.memory_space<vmem_shared>>
      tpu.wait_indirect_dma semaphore(%arg24 : memref<!tpu.dma_semaphore, #tpu.memory_space<semaphore_mem>>) src(%arg13 : memref<64xf32, #tpu.memory_space<vmem>>) dst(%dma_wait3A_159 : memref<10240xf32, #tpu.memory_space<vmem_shared>>)
      %add3A_160 = arith.constant 2 : i32
      %add3A_161 = arith.addi %add3A_126, %add3A_160 : i32
      %lt3A_162 = arith.constant 80 : i32
      %lt3A_163 = arith.cmpi slt, %add3A_161, %lt3A_162 : i32
      %convert_element_type3A_164 = arith.extui %lt3A_163 : i1 to i32
      %cond3A_165 = arith.constant 0 : i32
      %cond3A_166 = arith.cmpi ne, %convert_element_type3A_164, %cond3A_165 : i32
      scf.if %cond3A_166 {
        %add3A_168 = arith.constant 2 : i32
        %add3A_169 = arith.addi %add3A_126, %add3A_168 : i32
        %dma_start3A_170 = arith.constant 0 : i32
        %dma_start3A_171 = tpu.memref_slice %arg8[%add3A_169, %dma_start3A_170] : memref<80x64xi32, #tpu.memory_space<vmem>> -> memref<1x64xi32, #tpu.memory_space<vmem>>
        %dma_start3A_172 = tpu.memref_squeeze %dma_start3A_171 : memref<1x64xi32, #tpu.memory_space<vmem>> -> memref<64xi32, #tpu.memory_space<vmem>>
        %dma_start3A_173 = arith.constant 0 : i32
        %dma_start3A_174 = arith.constant 0 : i32
        %dma_start3A_175 = tpu.memref_slice %arg2[%dma_start3A_173, %dma_start3A_174] : memref<10240x128xf32, #tpu.memory_space<hbm>> -> memref<10240x128xf32, #tpu.memory_space<hbm>>
        tpu.enqueue_indirect_dma source(%dma_start3A_175 : memref<10240x128xf32, #tpu.memory_space<hbm>>) target(%arg11 : memref<64x128xf32, #tpu.memory_space<vmem>>) offsets(%dma_start3A_172 : memref<64xi32, #tpu.memory_space<vmem>>) semaphore(%arg18 : memref<!tpu.dma_semaphore, #tpu.memory_space<semaphore_mem>>)
        %add3A_176 = arith.constant 2 : i32
        %add3A_177 = arith.addi %add3A_126, %add3A_176 : i32
        %dma_start3A_178 = arith.constant 0 : i32
        %dma_start3A_179 = tpu.memref_slice %arg8[%add3A_177, %dma_start3A_178] : memref<80x64xi32, #tpu.memory_space<vmem>> -> memref<1x64xi32, #tpu.memory_space<vmem>>
        %dma_start3A_180 = tpu.memref_squeeze %dma_start3A_179 : memref<1x64xi32, #tpu.memory_space<vmem>> -> memref<64xi32, #tpu.memory_space<vmem>>
        %dma_start3A_181 = arith.constant 0 : i32
        %dma_start3A_182 = tpu.memref_slice %arg3[%dma_start3A_181] : memref<10240xf32, #tpu.memory_space<hbm>> -> memref<10240xf32, #tpu.memory_space<hbm>>
        tpu.enqueue_indirect_dma source(%dma_start3A_182 : memref<10240xf32, #tpu.memory_space<hbm>>) target(%arg13 : memref<64xf32, #tpu.memory_space<vmem>>) offsets(%dma_start3A_180 : memref<64xi32, #tpu.memory_space<vmem>>) semaphore(%arg20 : memref<!tpu.dma_semaphore, #tpu.memory_space<semaphore_mem>>)
      } else {
      }
      %scan3A_167 = arith.constant 0 : i32
      scf.yield %scan3A_167 : i32
    }
    %scan3A_70 = arith.constant 40 : i32
    %barrier3A_71 = arith.constant 0 : index
    tpu.barrier barrier_id(%barrier3A_71)
    %mul3A_72 = arith.constant 640 : i32
    %mul3A_73 = arith.muli %arg1, %mul3A_72 : i32
    %mul3A_74 = arith.constant 640 : i32
    %mul3A_75 = arith.muli %arg1, %mul3A_74 : i32
    "tpu.region"() ({
      %run_scoped3A = tpu.sem_alloc : memref<!tpu.dma_semaphore, #tpu.memory_space<semaphore_mem>>
      %dma_start3A_80 = arith.constant 0 : i32
      %dma_start3A_81 = arith.constant 0 : i32
      %dma_start3A_82 = tpu.memref_slice %arg6[%arg0, %dma_start3A_80, %dma_start3A_81] : memref<2x10240x128xf32, #tpu.memory_space<hbm>> -> memref<1x10240x128xf32, #tpu.memory_space<hbm>>
      %dma_start3A_83 = tpu.memref_squeeze %dma_start3A_82 : memref<1x10240x128xf32, #tpu.memory_space<hbm>> -> memref<10240x128xf32, #tpu.memory_space<hbm>>
      %dma_start3A_84 = arith.constant 0 : i32
      %dma_start3A_85 = tpu.memref_slice %dma_start3A_83[%mul3A_75, %dma_start3A_84] : memref<10240x128xf32, #tpu.memory_space<hbm>> -> memref<640x128xf32, #tpu.memory_space<hbm>>
      %dma_start3A_86 = arith.constant 0 : i32
      %dma_start3A_87 = tpu.memref_slice %arg15[%mul3A_73, %dma_start3A_86] : memref<10240x128xf32, #tpu.memory_space<vmem_shared>> -> memref<640x128xf32, #tpu.memory_space<vmem_shared>>
      tpu.enqueue_dma source(%dma_start3A_87 : memref<640x128xf32, #tpu.memory_space<vmem_shared>>) target(%dma_start3A_85 : memref<640x128xf32, #tpu.memory_space<hbm>>) target_semaphore(%run_scoped3A : memref<!tpu.dma_semaphore, #tpu.memory_space<semaphore_mem>>)
      %dma_wait3A_88 = arith.constant 0 : i32
      %dma_wait3A_89 = arith.constant 0 : i32
      %dma_wait3A_90 = tpu.memref_slice %arg6[%arg0, %dma_wait3A_88, %dma_wait3A_89] : memref<2x10240x128xf32, #tpu.memory_space<hbm>> -> memref<1x10240x128xf32, #tpu.memory_space<hbm>>
      %dma_wait3A_91 = tpu.memref_squeeze %dma_wait3A_90 : memref<1x10240x128xf32, #tpu.memory_space<hbm>> -> memref<10240x128xf32, #tpu.memory_space<hbm>>
      %dma_wait3A_92 = arith.constant 0 : i32
      %dma_wait3A_93 = tpu.memref_slice %dma_wait3A_91[%mul3A_75, %dma_wait3A_92] : memref<10240x128xf32, #tpu.memory_space<hbm>> -> memref<640x128xf32, #tpu.memory_space<hbm>>
      %dma_wait3A_94 = arith.constant 0 : i32
      %dma_wait3A_95 = tpu.memref_slice %arg15[%mul3A_73, %dma_wait3A_94] : memref<10240x128xf32, #tpu.memory_space<vmem_shared>> -> memref<640x128xf32, #tpu.memory_space<vmem_shared>>
      tpu.wait_dma2 semaphore(%run_scoped3A : memref<!tpu.dma_semaphore, #tpu.memory_space<semaphore_mem>>) src(%dma_wait3A_95 : memref<640x128xf32, #tpu.memory_space<vmem_shared>>) dst(%dma_wait3A_93 : memref<640x128xf32, #tpu.memory_space<hbm>>)
      tpu.yield
    }) : () -> ()
    %mul3A_76 = arith.constant 640 : i32
    %mul3A_77 = arith.muli %arg1, %mul3A_76 : i32
    %mul3A_78 = arith.constant 640 : i32
    %mul3A_79 = arith.muli %arg1, %mul3A_78 : i32
    "tpu.region"() ({
      %run_scoped3A = tpu.sem_alloc : memref<!tpu.dma_semaphore, #tpu.memory_space<semaphore_mem>>
      %dma_start3A_80 = arith.constant 0 : i32
      %dma_start3A_81 = tpu.memref_slice %arg7[%arg0, %dma_start3A_80] : memref<2x10240xf32, #tpu.memory_space<hbm>> -> memref<1x10240xf32, #tpu.memory_space<hbm>>
      %dma_start3A_82 = tpu.memref_squeeze %dma_start3A_81 : memref<1x10240xf32, #tpu.memory_space<hbm>> -> memref<10240xf32, #tpu.memory_space<hbm>>
      %dma_start3A_83 = tpu.memref_slice %dma_start3A_82[%mul3A_79] : memref<10240xf32, #tpu.memory_space<hbm>> -> memref<640xf32, #tpu.memory_space<hbm>>
      %dma_start3A_84 = tpu.memref_slice %arg16[%mul3A_77] : memref<10240xf32, #tpu.memory_space<vmem_shared>> -> memref<640xf32, #tpu.memory_space<vmem_shared>>
      tpu.enqueue_dma source(%dma_start3A_84 : memref<640xf32, #tpu.memory_space<vmem_shared>>) target(%dma_start3A_83 : memref<640xf32, #tpu.memory_space<hbm>>) target_semaphore(%run_scoped3A : memref<!tpu.dma_semaphore, #tpu.memory_space<semaphore_mem>>)
      %dma_wait3A_85 = arith.constant 0 : i32
      %dma_wait3A_86 = tpu.memref_slice %arg7[%arg0, %dma_wait3A_85] : memref<2x10240xf32, #tpu.memory_space<hbm>> -> memref<1x10240xf32, #tpu.memory_space<hbm>>
      %dma_wait3A_87 = tpu.memref_squeeze %dma_wait3A_86 : memref<1x10240xf32, #tpu.memory_space<hbm>> -> memref<10240xf32, #tpu.memory_space<hbm>>
      %dma_wait3A_88 = tpu.memref_slice %dma_wait3A_87[%mul3A_79] : memref<10240xf32, #tpu.memory_space<hbm>> -> memref<640xf32, #tpu.memory_space<hbm>>
      %dma_wait3A_89 = tpu.memref_slice %arg16[%mul3A_77] : memref<10240xf32, #tpu.memory_space<vmem_shared>> -> memref<640xf32, #tpu.memory_space<vmem_shared>>
      tpu.wait_dma2 semaphore(%run_scoped3A : memref<!tpu.dma_semaphore, #tpu.memory_space<semaphore_mem>>) src(%dma_wait3A_89 : memref<640xf32, #tpu.memory_space<vmem_shared>>) dst(%dma_wait3A_88 : memref<640xf32, #tpu.memory_space<hbm>>)
      tpu.yield
    }) : () -> ()
    return
  }
}

#map = affine_map<(d0, d1) -> (0, 0)>
#map1 = affine_map<(d0, d1) -> (0)>
#map2 = affine_map<(d0, d1) -> (0, 0, 0)>
module attributes {stable_mosaic.version = 14 : i64} {
  func.func @_sc_push_body(%arg0: i32, %arg1: i32, %arg2: memref<10240x128xf32, #tpu.memory_space<hbm>>, %arg3: memref<10240xf32, #tpu.memory_space<hbm>>, %arg4: memref<2560x64xi32, #tpu.memory_space<hbm>>, %arg5: memref<2560x64xi32, #tpu.memory_space<hbm>>, %arg6: memref<2x10240x128xf32, #tpu.memory_space<hbm>>, %arg7: memref<2x10240xf32, #tpu.memory_space<hbm>>, %arg8: memref<80x64xi32, #tpu.memory_space<vmem>>, %arg9: memref<80x64xi32, #tpu.memory_space<vmem>>, %arg10: memref<64x128xf32, #tpu.memory_space<vmem>>, %arg11: memref<64x128xf32, #tpu.memory_space<vmem>>, %arg12: memref<64xf32, #tpu.memory_space<vmem>>, %arg13: memref<64xf32, #tpu.memory_space<vmem>>, %arg14: memref<640xf32, #tpu.memory_space<vmem>>, %arg15: memref<10240x128xf32, #tpu.memory_space<vmem_shared>>, %arg16: memref<10240xf32, #tpu.memory_space<vmem_shared>>, %arg17: memref<!tpu.dma_semaphore, #tpu.memory_space<semaphore_mem>>, %arg18: memref<!tpu.dma_semaphore, #tpu.memory_space<semaphore_mem>>, %arg19: memref<!tpu.dma_semaphore, #tpu.memory_space<semaphore_mem>>, %arg20: memref<!tpu.dma_semaphore, #tpu.memory_space<semaphore_mem>>, %arg21: memref<!tpu.dma_semaphore, #tpu.memory_space<semaphore_mem>>, %arg22: memref<!tpu.dma_semaphore, #tpu.memory_space<semaphore_mem>>, %arg23: memref<!tpu.dma_semaphore, #tpu.memory_space<semaphore_mem>>, %arg24: memref<!tpu.dma_semaphore, #tpu.memory_space<semaphore_mem>>) attributes {dimension_semantics = [#tpu.dimension_semantics<core_parallel>, #tpu.dimension_semantics<subcore_parallel>], iteration_bounds = array<i64: 2, 16>, scalar_prefetch = 0 : i64, scratch_operands = 17 : i64, tpu.core_type = #tpu.core_type<sc_vector_subcore>, window_params = [{transform_indices = #map}, {transform_indices = #map1}, {transform_indices = #map}, {transform_indices = #map}, {transform_indices = #map2}, {transform_indices = #map}]} {
    %mul3A = arith.constant 2 : i32
    %mul3A_0 = arith.muli %arg1, %mul3A : i32
    %add3A = arith.addi %mul3A_0, %arg0 : i32
    %scan3A = arith.constant 0 : i32
    %scan3A_1 = arith.constant 0 : i32
    %scan3A_2 = arith.constant 64 : i32
    %scan3A_3 = arith.addi %scan3A_1, %scan3A_2 : i32
    %scan3A_4 = arith.constant 1 : i32
    %scan3A_5 = scf.for %scan3A_80 = %scan3A_1 to %scan3A_3 step %scan3A_4 iter_args(%scan3A_81 = %scan3A) -> (i32)  : i32 {
      %scan3A_82 = arith.constant 0 : i32
      %scan3A_83 = arith.constant 0 : i32
      %scan3A_84 = arith.constant 8 : i32
      %scan3A_85 = arith.addi %scan3A_83, %scan3A_84 : i32
      %scan3A_86 = arith.constant 1 : i32
      %scan3A_87 = scf.for %scan3A_90 = %scan3A_83 to %scan3A_85 step %scan3A_86 iter_args(%scan3A_91 = %scan3A_82) -> (i32)  : i32 {
        %broadcast_in_dim3A = arith.constant 0.000000e+00 : f32
        %broadcast_in_dim3A_92 = vector.broadcast %broadcast_in_dim3A : f32 to vector<16xf32>
        %mul3A_93 = arith.constant 16 : i32
        %mul3A_94 = arith.muli %scan3A_90, %mul3A_93 : i32
        %swap3A = arith.index_cast %scan3A_80 : i32 to index
        %swap3A_95 = arith.index_cast %mul3A_94 : i32 to index
        %swap3A_96 = tpu.vector_load %arg10[%swap3A, %swap3A_95] {strides = array<i32>} : memref<64x128xf32, #tpu.memory_space<vmem>>, vector<16xf32>,
        tpu.vector_store %arg10[%swap3A, %swap3A_95], %broadcast_in_dim3A_92 {strides = array<i32>} : memref<64x128xf32, #tpu.memory_space<vmem>>, vector<16xf32>,
        %scan3A_97 = arith.constant 0 : i32
        scf.yield %scan3A_97 : i32
      }
      %scan3A_88 = arith.constant 8 : i32
      %scan3A_89 = arith.constant 0 : i32
      scf.yield %scan3A_89 : i32
    }
    %scan3A_6 = arith.constant 64 : i32
    %scan3A_7 = arith.constant 0 : i32
    %scan3A_8 = arith.constant 0 : i32
    %scan3A_9 = arith.constant 40 : i32
    %scan3A_10 = arith.addi %scan3A_8, %scan3A_9 : i32
    %scan3A_11 = arith.constant 1 : i32
    %scan3A_12 = scf.for %scan3A_80 = %scan3A_8 to %scan3A_10 step %scan3A_11 iter_args(%scan3A_81 = %scan3A_7) -> (i32)  : i32 {
      %broadcast_in_dim3A = arith.constant 0.000000e+00 : f32
      %broadcast_in_dim3A_82 = vector.broadcast %broadcast_in_dim3A : f32 to vector<16xf32>
      %mul3A_83 = arith.constant 16 : i32
      %mul3A_84 = arith.muli %scan3A_80, %mul3A_83 : i32
      %swap3A = arith.index_cast %mul3A_84 : i32 to index
      %swap3A_85 = tpu.vector_load %arg14[%swap3A] {strides = array<i32>} : memref<640xf32, #tpu.memory_space<vmem>>, vector<16xf32>,
      tpu.vector_store %arg14[%swap3A], %broadcast_in_dim3A_82 {strides = array<i32>} : memref<640xf32, #tpu.memory_space<vmem>>, vector<16xf32>,
      %scan3A_86 = arith.constant 0 : i32
      scf.yield %scan3A_86 : i32
    }
    %scan3A_13 = arith.constant 40 : i32
    %scan3A_14 = arith.constant 0 : i32
    %scan3A_15 = arith.constant 0 : i32
    %scan3A_16 = arith.constant 10 : i32
    %scan3A_17 = arith.addi %scan3A_15, %scan3A_16 : i32
    %scan3A_18 = arith.constant 1 : i32
    %scan3A_19 = scf.for %scan3A_80 = %scan3A_15 to %scan3A_17 step %scan3A_18 iter_args(%scan3A_81 = %scan3A_14) -> (i32)  : i32 {
      %mul3A_82 = arith.constant 640 : i32
      %mul3A_83 = arith.muli %arg1, %mul3A_82 : i32
      %mul3A_84 = arith.constant 64 : i32
      %mul3A_85 = arith.muli %scan3A_80, %mul3A_84 : i32
      %add3A_86 = arith.addi %mul3A_83, %mul3A_85 : i32
      %dma_start3A_87 = arith.constant 0 : i32
      %dma_start3A_88 = tpu.memref_slice %arg15[%add3A_86, %dma_start3A_87] : memref<10240x128xf32, #tpu.memory_space<vmem_shared>> -> memref<64x128xf32, #tpu.memory_space<vmem_shared>>
      %dma_start3A_89 = arith.constant 0 : i32
      %dma_start3A_90 = tpu.memref_slice %arg15[%add3A_86, %dma_start3A_89] : memref<10240x128xf32, #tpu.memory_space<vmem_shared>> -> memref<64x128xf32, #tpu.memory_space<vmem_shared>>
      tpu.enqueue_dma source(%arg10 : memref<64x128xf32, #tpu.memory_space<vmem>>) target(%dma_start3A_90 : memref<64x128xf32, #tpu.memory_space<vmem_shared>>) target_semaphore(%arg21 : memref<!tpu.dma_semaphore, #tpu.memory_space<semaphore_mem>>)
      %scan3A_91 = arith.constant 0 : i32
      scf.yield %scan3A_91 : i32
    }
    %scan3A_20 = arith.constant 10 : i32
    %mul3A_21 = arith.constant 640 : i32
    %mul3A_22 = arith.muli %arg1, %mul3A_21 : i32
    %dma_start3A = tpu.memref_slice %arg16[%mul3A_22] : memref<10240xf32, #tpu.memory_space<vmem_shared>> -> memref<640xf32, #tpu.memory_space<vmem_shared>>
    %dma_start3A_23 = tpu.memref_slice %arg16[%mul3A_22] : memref<10240xf32, #tpu.memory_space<vmem_shared>> -> memref<640xf32, #tpu.memory_space<vmem_shared>>
    tpu.enqueue_dma source(%arg14 : memref<640xf32, #tpu.memory_space<vmem>>) target(%dma_start3A_23 : memref<640xf32, #tpu.memory_space<vmem_shared>>) target_semaphore(%arg23 : memref<!tpu.dma_semaphore, #tpu.memory_space<semaphore_mem>>)
    %mul3A_24 = arith.constant 80 : i32
    %mul3A_25 = arith.muli %add3A, %mul3A_24 : i32
    "tpu.region"() ({
      %run_scoped3A = tpu.sem_alloc : memref<!tpu.dma_semaphore, #tpu.memory_space<semaphore_mem>>
      %dma_start3A_80 = arith.constant 0 : i32
      %dma_start3A_81 = tpu.memref_slice %arg4[%mul3A_25, %dma_start3A_80] : memref<2560x64xi32, #tpu.memory_space<hbm>> -> memref<80x64xi32, #tpu.memory_space<hbm>>
      %dma_start3A_82 = arith.constant 0 : i32
      %dma_start3A_83 = tpu.memref_slice %arg4[%mul3A_25, %dma_start3A_82] : memref<2560x64xi32, #tpu.memory_space<hbm>> -> memref<80x64xi32, #tpu.memory_space<hbm>>
      tpu.enqueue_dma source(%dma_start3A_83 : memref<80x64xi32, #tpu.memory_space<hbm>>) target(%arg8 : memref<80x64xi32, #tpu.memory_space<vmem>>) target_semaphore(%run_scoped3A : memref<!tpu.dma_semaphore, #tpu.memory_space<semaphore_mem>>)
      %dma_wait3A_84 = arith.constant 0 : i32
      %dma_wait3A_85 = tpu.memref_slice %arg4[%mul3A_25, %dma_wait3A_84] : memref<2560x64xi32, #tpu.memory_space<hbm>> -> memref<80x64xi32, #tpu.memory_space<hbm>>
      %dma_wait3A_86 = arith.constant 0 : i32
      %dma_wait3A_87 = tpu.memref_slice %arg4[%mul3A_25, %dma_wait3A_86] : memref<2560x64xi32, #tpu.memory_space<hbm>> -> memref<80x64xi32, #tpu.memory_space<hbm>>
      tpu.wait_dma2 semaphore(%run_scoped3A : memref<!tpu.dma_semaphore, #tpu.memory_space<semaphore_mem>>) src(%dma_wait3A_87 : memref<80x64xi32, #tpu.memory_space<hbm>>) dst(%arg8 : memref<80x64xi32, #tpu.memory_space<vmem>>)
      tpu.yield
    }) : () -> ()
    %mul3A_26 = arith.constant 80 : i32
    %mul3A_27 = arith.muli %add3A, %mul3A_26 : i32
    "tpu.region"() ({
      %run_scoped3A = tpu.sem_alloc : memref<!tpu.dma_semaphore, #tpu.memory_space<semaphore_mem>>
      %dma_start3A_80 = arith.constant 0 : i32
      %dma_start3A_81 = tpu.memref_slice %arg5[%mul3A_27, %dma_start3A_80] : memref<2560x64xi32, #tpu.memory_space<hbm>> -> memref<80x64xi32, #tpu.memory_space<hbm>>
      %dma_start3A_82 = arith.constant 0 : i32
      %dma_start3A_83 = tpu.memref_slice %arg5[%mul3A_27, %dma_start3A_82] : memref<2560x64xi32, #tpu.memory_space<hbm>> -> memref<80x64xi32, #tpu.memory_space<hbm>>
      tpu.enqueue_dma source(%dma_start3A_83 : memref<80x64xi32, #tpu.memory_space<hbm>>) target(%arg9 : memref<80x64xi32, #tpu.memory_space<vmem>>) target_semaphore(%run_scoped3A : memref<!tpu.dma_semaphore, #tpu.memory_space<semaphore_mem>>)
      %dma_wait3A_84 = arith.constant 0 : i32
      %dma_wait3A_85 = tpu.memref_slice %arg5[%mul3A_27, %dma_wait3A_84] : memref<2560x64xi32, #tpu.memory_space<hbm>> -> memref<80x64xi32, #tpu.memory_space<hbm>>
      %dma_wait3A_86 = arith.constant 0 : i32
      %dma_wait3A_87 = tpu.memref_slice %arg5[%mul3A_27, %dma_wait3A_86] : memref<2560x64xi32, #tpu.memory_space<hbm>> -> memref<80x64xi32, #tpu.memory_space<hbm>>
      tpu.wait_dma2 semaphore(%run_scoped3A : memref<!tpu.dma_semaphore, #tpu.memory_space<semaphore_mem>>) src(%dma_wait3A_87 : memref<80x64xi32, #tpu.memory_space<hbm>>) dst(%arg9 : memref<80x64xi32, #tpu.memory_space<vmem>>)
      tpu.yield
    }) : () -> ()
    %scan3A_28 = arith.constant 0 : i32
    %scan3A_29 = arith.constant 0 : i32
    %scan3A_30 = arith.constant 10 : i32
    %scan3A_31 = arith.addi %scan3A_29, %scan3A_30 : i32
    %scan3A_32 = arith.constant 1 : i32
    %scan3A_33 = scf.for %scan3A_80 = %scan3A_29 to %scan3A_31 step %scan3A_32 iter_args(%scan3A_81 = %scan3A_28) -> (i32)  : i32 {
      %mul3A_82 = arith.constant 640 : i32
      %mul3A_83 = arith.muli %arg1, %mul3A_82 : i32
      %mul3A_84 = arith.constant 64 : i32
      %mul3A_85 = arith.muli %scan3A_80, %mul3A_84 : i32
      %add3A_86 = arith.addi %mul3A_83, %mul3A_85 : i32
      %dma_wait3A_87 = arith.constant 0 : i32
      %dma_wait3A_88 = tpu.memref_slice %arg15[%add3A_86, %dma_wait3A_87] : memref<10240x128xf32, #tpu.memory_space<vmem_shared>> -> memref<64x128xf32, #tpu.memory_space<vmem_shared>>
      %dma_wait3A_89 = arith.constant 0 : i32
      %dma_wait3A_90 = tpu.memref_slice %arg15[%add3A_86, %dma_wait3A_89] : memref<10240x128xf32, #tpu.memory_space<vmem_shared>> -> memref<64x128xf32, #tpu.memory_space<vmem_shared>>
      tpu.wait_dma2 semaphore(%arg21 : memref<!tpu.dma_semaphore, #tpu.memory_space<semaphore_mem>>) src(%arg10 : memref<64x128xf32, #tpu.memory_space<vmem>>) dst(%dma_wait3A_90 : memref<64x128xf32, #tpu.memory_space<vmem_shared>>)
      %scan3A_91 = arith.constant 0 : i32
      scf.yield %scan3A_91 : i32
    }
    %scan3A_34 = arith.constant 10 : i32
    %mul3A_35 = arith.constant 640 : i32
    %mul3A_36 = arith.muli %arg1, %mul3A_35 : i32
    %dma_wait3A = tpu.memref_slice %arg16[%mul3A_36] : memref<10240xf32, #tpu.memory_space<vmem_shared>> -> memref<640xf32, #tpu.memory_space<vmem_shared>>
    %dma_wait3A_37 = tpu.memref_slice %arg16[%mul3A_36] : memref<10240xf32, #tpu.memory_space<vmem_shared>> -> memref<640xf32, #tpu.memory_space<vmem_shared>>
    tpu.wait_dma2 semaphore(%arg23 : memref<!tpu.dma_semaphore, #tpu.memory_space<semaphore_mem>>) src(%arg14 : memref<640xf32, #tpu.memory_space<vmem>>) dst(%dma_wait3A_37 : memref<640xf32, #tpu.memory_space<vmem_shared>>)
    %barrier3A = arith.constant 0 : index
    tpu.barrier barrier_id(%barrier3A)
    %dma_start3A_38 = arith.constant 0 : i32
    %dma_start3A_39 = arith.constant 0 : i32
    %dma_start3A_40 = tpu.memref_slice %arg8[%dma_start3A_38, %dma_start3A_39] : memref<80x64xi32, #tpu.memory_space<vmem>> -> memref<1x64xi32, #tpu.memory_space<vmem>>
    %dma_start3A_41 = tpu.memref_squeeze %dma_start3A_40 : memref<1x64xi32, #tpu.memory_space<vmem>> -> memref<64xi32, #tpu.memory_space<vmem>>
    %dma_start3A_42 = arith.constant 0 : i32
    %dma_start3A_43 = arith.constant 0 : i32
    %dma_start3A_44 = tpu.memref_slice %arg2[%dma_start3A_42, %dma_start3A_43] : memref<10240x128xf32, #tpu.memory_space<hbm>> -> memref<10240x128xf32, #tpu.memory_space<hbm>>
    tpu.enqueue_indirect_dma source(%dma_start3A_44 : memref<10240x128xf32, #tpu.memory_space<hbm>>) target(%arg10 : memref<64x128xf32, #tpu.memory_space<vmem>>) offsets(%dma_start3A_41 : memref<64xi32, #tpu.memory_space<vmem>>) semaphore(%arg17 : memref<!tpu.dma_semaphore, #tpu.memory_space<semaphore_mem>>)
    %dma_start3A_45 = arith.constant 0 : i32
    %dma_start3A_46 = arith.constant 0 : i32
    %dma_start3A_47 = tpu.memref_slice %arg8[%dma_start3A_45, %dma_start3A_46] : memref<80x64xi32, #tpu.memory_space<vmem>> -> memref<1x64xi32, #tpu.memory_space<vmem>>
    %dma_start3A_48 = tpu.memref_squeeze %dma_start3A_47 : memref<1x64xi32, #tpu.memory_space<vmem>> -> memref<64xi32, #tpu.memory_space<vmem>>
    %dma_start3A_49 = arith.constant 0 : i32
    %dma_start3A_50 = tpu.memref_slice %arg3[%dma_start3A_49] : memref<10240xf32, #tpu.memory_space<hbm>> -> memref<10240xf32, #tpu.memory_space<hbm>>
    tpu.enqueue_indirect_dma source(%dma_start3A_50 : memref<10240xf32, #tpu.memory_space<hbm>>) target(%arg12 : memref<64xf32, #tpu.memory_space<vmem>>) offsets(%dma_start3A_48 : memref<64xi32, #tpu.memory_space<vmem>>) semaphore(%arg19 : memref<!tpu.dma_semaphore, #tpu.memory_space<semaphore_mem>>)
    %dma_start3A_51 = arith.constant 1 : i32
    %dma_start3A_52 = arith.constant 0 : i32
    %dma_start3A_53 = tpu.memref_slice %arg8[%dma_start3A_51, %dma_start3A_52] : memref<80x64xi32, #tpu.memory_space<vmem>> -> memref<1x64xi32, #tpu.memory_space<vmem>>
    %dma_start3A_54 = tpu.memref_squeeze %dma_start3A_53 : memref<1x64xi32, #tpu.memory_space<vmem>> -> memref<64xi32, #tpu.memory_space<vmem>>
    %dma_start3A_55 = arith.constant 0 : i32
    %dma_start3A_56 = arith.constant 0 : i32
    %dma_start3A_57 = tpu.memref_slice %arg2[%dma_start3A_55, %dma_start3A_56] : memref<10240x128xf32, #tpu.memory_space<hbm>> -> memref<10240x128xf32, #tpu.memory_space<hbm>>
    tpu.enqueue_indirect_dma source(%dma_start3A_57 : memref<10240x128xf32, #tpu.memory_space<hbm>>) target(%arg11 : memref<64x128xf32, #tpu.memory_space<vmem>>) offsets(%dma_start3A_54 : memref<64xi32, #tpu.memory_space<vmem>>) semaphore(%arg18 : memref<!tpu.dma_semaphore, #tpu.memory_space<semaphore_mem>>)
    %dma_start3A_58 = arith.constant 1 : i32
    %dma_start3A_59 = arith.constant 0 : i32
    %dma_start3A_60 = tpu.memref_slice %arg8[%dma_start3A_58, %dma_start3A_59] : memref<80x64xi32, #tpu.memory_space<vmem>> -> memref<1x64xi32, #tpu.memory_space<vmem>>
    %dma_start3A_61 = tpu.memref_squeeze %dma_start3A_60 : memref<1x64xi32, #tpu.memory_space<vmem>> -> memref<64xi32, #tpu.memory_space<vmem>>
    %dma_start3A_62 = arith.constant 0 : i32
    %dma_start3A_63 = tpu.memref_slice %arg3[%dma_start3A_62] : memref<10240xf32, #tpu.memory_space<hbm>> -> memref<10240xf32, #tpu.memory_space<hbm>>
    tpu.enqueue_indirect_dma source(%dma_start3A_63 : memref<10240xf32, #tpu.memory_space<hbm>>) target(%arg13 : memref<64xf32, #tpu.memory_space<vmem>>) offsets(%dma_start3A_61 : memref<64xi32, #tpu.memory_space<vmem>>) semaphore(%arg20 : memref<!tpu.dma_semaphore, #tpu.memory_space<semaphore_mem>>)
    %scan3A_64 = arith.constant 0 : i32
    %scan3A_65 = arith.constant 0 : i32
    %scan3A_66 = arith.constant 40 : i32
    %scan3A_67 = arith.addi %scan3A_65, %scan3A_66 : i32
    %scan3A_68 = arith.constant 1 : i32
    %scan3A_69 = scf.for %scan3A_80 = %scan3A_65 to %scan3A_67 step %scan3A_68 iter_args(%scan3A_81 = %scan3A_64) -> (i32)  : i32 {
      %mul3A_82 = arith.constant 2 : i32
      %mul3A_83 = arith.muli %scan3A_80, %mul3A_82 : i32
      %add3A_84 = arith.constant 0 : i32
      %add3A_85 = arith.addi %mul3A_83, %add3A_84 : i32
      %dma_wait3A_86 = arith.constant 0 : i32
      %dma_wait3A_87 = tpu.memref_slice %arg8[%add3A_85, %dma_wait3A_86] : memref<80x64xi32, #tpu.memory_space<vmem>> -> memref<1x64xi32, #tpu.memory_space<vmem>>
      %dma_wait3A_88 = tpu.memref_squeeze %dma_wait3A_87 : memref<1x64xi32, #tpu.memory_space<vmem>> -> memref<64xi32, #tpu.memory_space<vmem>>
      %dma_wait3A_89 = arith.constant 0 : i32
      %dma_wait3A_90 = arith.constant 0 : i32
      %dma_wait3A_91 = tpu.memref_slice %arg2[%dma_wait3A_89, %dma_wait3A_90] : memref<10240x128xf32, #tpu.memory_space<hbm>> -> memref<10240x128xf32, #tpu.memory_space<hbm>>
      tpu.wait_indirect_dma semaphore(%arg17 : memref<!tpu.dma_semaphore, #tpu.memory_space<semaphore_mem>>) src(%dma_wait3A_91 : memref<10240x128xf32, #tpu.memory_space<hbm>>) dst(%arg10 : memref<64x128xf32, #tpu.memory_space<vmem>>)
      %dma_wait3A_92 = arith.constant 0 : i32
      %dma_wait3A_93 = tpu.memref_slice %arg8[%add3A_85, %dma_wait3A_92] : memref<80x64xi32, #tpu.memory_space<vmem>> -> memref<1x64xi32, #tpu.memory_space<vmem>>
      %dma_wait3A_94 = tpu.memref_squeeze %dma_wait3A_93 : memref<1x64xi32, #tpu.memory_space<vmem>> -> memref<64xi32, #tpu.memory_space<vmem>>
      %dma_wait3A_95 = arith.constant 0 : i32
      %dma_wait3A_96 = tpu.memref_slice %arg3[%dma_wait3A_95] : memref<10240xf32, #tpu.memory_space<hbm>> -> memref<10240xf32, #tpu.memory_space<hbm>>
      tpu.wait_indirect_dma semaphore(%arg19 : memref<!tpu.dma_semaphore, #tpu.memory_space<semaphore_mem>>) src(%dma_wait3A_96 : memref<10240xf32, #tpu.memory_space<hbm>>) dst(%arg12 : memref<64xf32, #tpu.memory_space<vmem>>)
      %dma_start3A_97 = arith.constant 0 : i32
      %dma_start3A_98 = tpu.memref_slice %arg9[%add3A_85, %dma_start3A_97] : memref<80x64xi32, #tpu.memory_space<vmem>> -> memref<1x64xi32, #tpu.memory_space<vmem>>
      %dma_start3A_99 = tpu.memref_squeeze %dma_start3A_98 : memref<1x64xi32, #tpu.memory_space<vmem>> -> memref<64xi32, #tpu.memory_space<vmem>>
      %dma_start3A_100 = arith.constant 0 : i32
      %dma_start3A_101 = arith.constant 0 : i32
      %dma_start3A_102 = tpu.memref_slice %arg15[%dma_start3A_100, %dma_start3A_101] : memref<10240x128xf32, #tpu.memory_space<vmem_shared>> -> memref<10240x128xf32, #tpu.memory_space<vmem_shared>>
      tpu.enqueue_indirect_dma source(%arg10 : memref<64x128xf32, #tpu.memory_space<vmem>>) target(%dma_start3A_102 : memref<10240x128xf32, #tpu.memory_space<vmem_shared>>) offsets(%dma_start3A_99 : memref<64xi32, #tpu.memory_space<vmem>>) semaphore(%arg21 : memref<!tpu.dma_semaphore, #tpu.memory_space<semaphore_mem>>) {add = true}
      %dma_start3A_103 = arith.constant 0 : i32
      %dma_start3A_104 = tpu.memref_slice %arg9[%add3A_85, %dma_start3A_103] : memref<80x64xi32, #tpu.memory_space<vmem>> -> memref<1x64xi32, #tpu.memory_space<vmem>>
      %dma_start3A_105 = tpu.memref_squeeze %dma_start3A_104 : memref<1x64xi32, #tpu.memory_space<vmem>> -> memref<64xi32, #tpu.memory_space<vmem>>
      %dma_start3A_106 = arith.constant 0 : i32
      %dma_start3A_107 = tpu.memref_slice %arg16[%dma_start3A_106] : memref<10240xf32, #tpu.memory_space<vmem_shared>> -> memref<10240xf32, #tpu.memory_space<vmem_shared>>
      tpu.enqueue_indirect_dma source(%arg12 : memref<64xf32, #tpu.memory_space<vmem>>) target(%dma_start3A_107 : memref<10240xf32, #tpu.memory_space<vmem_shared>>) offsets(%dma_start3A_105 : memref<64xi32, #tpu.memory_space<vmem>>) semaphore(%arg23 : memref<!tpu.dma_semaphore, #tpu.memory_space<semaphore_mem>>) {add = true}
      %dma_wait3A_108 = arith.constant 0 : i32
      %dma_wait3A_109 = tpu.memref_slice %arg9[%add3A_85, %dma_wait3A_108] : memref<80x64xi32, #tpu.memory_space<vmem>> -> memref<1x64xi32, #tpu.memory_space<vmem>>
      %dma_wait3A_110 = tpu.memref_squeeze %dma_wait3A_109 : memref<1x64xi32, #tpu.memory_space<vmem>> -> memref<64xi32, #tpu.memory_space<vmem>>
      %dma_wait3A_111 = arith.constant 0 : i32
      %dma_wait3A_112 = arith.constant 0 : i32
      %dma_wait3A_113 = tpu.memref_slice %arg15[%dma_wait3A_111, %dma_wait3A_112] : memref<10240x128xf32, #tpu.memory_space<vmem_shared>> -> memref<10240x128xf32, #tpu.memory_space<vmem_shared>>
      tpu.wait_indirect_dma semaphore(%arg21 : memref<!tpu.dma_semaphore, #tpu.memory_space<semaphore_mem>>) src(%arg10 : memref<64x128xf32, #tpu.memory_space<vmem>>) dst(%dma_wait3A_113 : memref<10240x128xf32, #tpu.memory_space<vmem_shared>>)
      %dma_wait3A_114 = arith.constant 0 : i32
      %dma_wait3A_115 = tpu.memref_slice %arg9[%add3A_85, %dma_wait3A_114] : memref<80x64xi32, #tpu.memory_space<vmem>> -> memref<1x64xi32, #tpu.memory_space<vmem>>
      %dma_wait3A_116 = tpu.memref_squeeze %dma_wait3A_115 : memref<1x64xi32, #tpu.memory_space<vmem>> -> memref<64xi32, #tpu.memory_space<vmem>>
      %dma_wait3A_117 = arith.constant 0 : i32
      %dma_wait3A_118 = tpu.memref_slice %arg16[%dma_wait3A_117] : memref<10240xf32, #tpu.memory_space<vmem_shared>> -> memref<10240xf32, #tpu.memory_space<vmem_shared>>
      tpu.wait_indirect_dma semaphore(%arg23 : memref<!tpu.dma_semaphore, #tpu.memory_space<semaphore_mem>>) src(%arg12 : memref<64xf32, #tpu.memory_space<vmem>>) dst(%dma_wait3A_118 : memref<10240xf32, #tpu.memory_space<vmem_shared>>)
      %add3A_119 = arith.constant 2 : i32
      %add3A_120 = arith.addi %add3A_85, %add3A_119 : i32
      %lt3A = arith.constant 80 : i32
      %lt3A_121 = arith.cmpi slt, %add3A_120, %lt3A : i32
      %convert_element_type3A = arith.extui %lt3A_121 : i1 to i32
      %cond3A = arith.constant 0 : i32
      %cond3A_122 = arith.cmpi ne, %convert_element_type3A, %cond3A : i32
      scf.if %cond3A_122 {
        %add3A_168 = arith.constant 2 : i32
        %add3A_169 = arith.addi %add3A_85, %add3A_168 : i32
        %dma_start3A_170 = arith.constant 0 : i32
        %dma_start3A_171 = tpu.memref_slice %arg8[%add3A_169, %dma_start3A_170] : memref<80x64xi32, #tpu.memory_space<vmem>> -> memref<1x64xi32, #tpu.memory_space<vmem>>
        %dma_start3A_172 = tpu.memref_squeeze %dma_start3A_171 : memref<1x64xi32, #tpu.memory_space<vmem>> -> memref<64xi32, #tpu.memory_space<vmem>>
        %dma_start3A_173 = arith.constant 0 : i32
        %dma_start3A_174 = arith.constant 0 : i32
        %dma_start3A_175 = tpu.memref_slice %arg2[%dma_start3A_173, %dma_start3A_174] : memref<10240x128xf32, #tpu.memory_space<hbm>> -> memref<10240x128xf32, #tpu.memory_space<hbm>>
        tpu.enqueue_indirect_dma source(%dma_start3A_175 : memref<10240x128xf32, #tpu.memory_space<hbm>>) target(%arg10 : memref<64x128xf32, #tpu.memory_space<vmem>>) offsets(%dma_start3A_172 : memref<64xi32, #tpu.memory_space<vmem>>) semaphore(%arg17 : memref<!tpu.dma_semaphore, #tpu.memory_space<semaphore_mem>>)
        %add3A_176 = arith.constant 2 : i32
        %add3A_177 = arith.addi %add3A_85, %add3A_176 : i32
        %dma_start3A_178 = arith.constant 0 : i32
        %dma_start3A_179 = tpu.memref_slice %arg8[%add3A_177, %dma_start3A_178] : memref<80x64xi32, #tpu.memory_space<vmem>> -> memref<1x64xi32, #tpu.memory_space<vmem>>
        %dma_start3A_180 = tpu.memref_squeeze %dma_start3A_179 : memref<1x64xi32, #tpu.memory_space<vmem>> -> memref<64xi32, #tpu.memory_space<vmem>>
        %dma_start3A_181 = arith.constant 0 : i32
        %dma_start3A_182 = tpu.memref_slice %arg3[%dma_start3A_181] : memref<10240xf32, #tpu.memory_space<hbm>> -> memref<10240xf32, #tpu.memory_space<hbm>>
        tpu.enqueue_indirect_dma source(%dma_start3A_182 : memref<10240xf32, #tpu.memory_space<hbm>>) target(%arg12 : memref<64xf32, #tpu.memory_space<vmem>>) offsets(%dma_start3A_180 : memref<64xi32, #tpu.memory_space<vmem>>) semaphore(%arg19 : memref<!tpu.dma_semaphore, #tpu.memory_space<semaphore_mem>>)
      } else {
      }
      %mul3A_123 = arith.constant 2 : i32
      %mul3A_124 = arith.muli %scan3A_80, %mul3A_123 : i32
      %add3A_125 = arith.constant 1 : i32
      %add3A_126 = arith.addi %mul3A_124, %add3A_125 : i32
      %dma_wait3A_127 = arith.constant 0 : i32
      %dma_wait3A_128 = tpu.memref_slice %arg8[%add3A_126, %dma_wait3A_127] : memref<80x64xi32, #tpu.memory_space<vmem>> -> memref<1x64xi32, #tpu.memory_space<vmem>>
      %dma_wait3A_129 = tpu.memref_squeeze %dma_wait3A_128 : memref<1x64xi32, #tpu.memory_space<vmem>> -> memref<64xi32, #tpu.memory_space<vmem>>
      %dma_wait3A_130 = arith.constant 0 : i32
      %dma_wait3A_131 = arith.constant 0 : i32
      %dma_wait3A_132 = tpu.memref_slice %arg2[%dma_wait3A_130, %dma_wait3A_131] : memref<10240x128xf32, #tpu.memory_space<hbm>> -> memref<10240x128xf32, #tpu.memory_space<hbm>>
      tpu.wait_indirect_dma semaphore(%arg18 : memref<!tpu.dma_semaphore, #tpu.memory_space<semaphore_mem>>) src(%dma_wait3A_132 : memref<10240x128xf32, #tpu.memory_space<hbm>>) dst(%arg11 : memref<64x128xf32, #tpu.memory_space<vmem>>)
      %dma_wait3A_133 = arith.constant 0 : i32
      %dma_wait3A_134 = tpu.memref_slice %arg8[%add3A_126, %dma_wait3A_133] : memref<80x64xi32, #tpu.memory_space<vmem>> -> memref<1x64xi32, #tpu.memory_space<vmem>>
      %dma_wait3A_135 = tpu.memref_squeeze %dma_wait3A_134 : memref<1x64xi32, #tpu.memory_space<vmem>> -> memref<64xi32, #tpu.memory_space<vmem>>
      %dma_wait3A_136 = arith.constant 0 : i32
      %dma_wait3A_137 = tpu.memref_slice %arg3[%dma_wait3A_136] : memref<10240xf32, #tpu.memory_space<hbm>> -> memref<10240xf32, #tpu.memory_space<hbm>>
      tpu.wait_indirect_dma semaphore(%arg20 : memref<!tpu.dma_semaphore, #tpu.memory_space<semaphore_mem>>) src(%dma_wait3A_137 : memref<10240xf32, #tpu.memory_space<hbm>>) dst(%arg13 : memref<64xf32, #tpu.memory_space<vmem>>)
      %dma_start3A_138 = arith.constant 0 : i32
      %dma_start3A_139 = tpu.memref_slice %arg9[%add3A_126, %dma_start3A_138] : memref<80x64xi32, #tpu.memory_space<vmem>> -> memref<1x64xi32, #tpu.memory_space<vmem>>
      %dma_start3A_140 = tpu.memref_squeeze %dma_start3A_139 : memref<1x64xi32, #tpu.memory_space<vmem>> -> memref<64xi32, #tpu.memory_space<vmem>>
      %dma_start3A_141 = arith.constant 0 : i32
      %dma_start3A_142 = arith.constant 0 : i32
      %dma_start3A_143 = tpu.memref_slice %arg15[%dma_start3A_141, %dma_start3A_142] : memref<10240x128xf32, #tpu.memory_space<vmem_shared>> -> memref<10240x128xf32, #tpu.memory_space<vmem_shared>>
      tpu.enqueue_indirect_dma source(%arg11 : memref<64x128xf32, #tpu.memory_space<vmem>>) target(%dma_start3A_143 : memref<10240x128xf32, #tpu.memory_space<vmem_shared>>) offsets(%dma_start3A_140 : memref<64xi32, #tpu.memory_space<vmem>>) semaphore(%arg22 : memref<!tpu.dma_semaphore, #tpu.memory_space<semaphore_mem>>) {add = true}
      %dma_start3A_144 = arith.constant 0 : i32
      %dma_start3A_145 = tpu.memref_slice %arg9[%add3A_126, %dma_start3A_144] : memref<80x64xi32, #tpu.memory_space<vmem>> -> memref<1x64xi32, #tpu.memory_space<vmem>>
      %dma_start3A_146 = tpu.memref_squeeze %dma_start3A_145 : memref<1x64xi32, #tpu.memory_space<vmem>> -> memref<64xi32, #tpu.memory_space<vmem>>
      %dma_start3A_147 = arith.constant 0 : i32
      %dma_start3A_148 = tpu.memref_slice %arg16[%dma_start3A_147] : memref<10240xf32, #tpu.memory_space<vmem_shared>> -> memref<10240xf32, #tpu.memory_space<vmem_shared>>
      tpu.enqueue_indirect_dma source(%arg13 : memref<64xf32, #tpu.memory_space<vmem>>) target(%dma_start3A_148 : memref<10240xf32, #tpu.memory_space<vmem_shared>>) offsets(%dma_start3A_146 : memref<64xi32, #tpu.memory_space<vmem>>) semaphore(%arg24 : memref<!tpu.dma_semaphore, #tpu.memory_space<semaphore_mem>>) {add = true}
      %dma_wait3A_149 = arith.constant 0 : i32
      %dma_wait3A_150 = tpu.memref_slice %arg9[%add3A_126, %dma_wait3A_149] : memref<80x64xi32, #tpu.memory_space<vmem>> -> memref<1x64xi32, #tpu.memory_space<vmem>>
      %dma_wait3A_151 = tpu.memref_squeeze %dma_wait3A_150 : memref<1x64xi32, #tpu.memory_space<vmem>> -> memref<64xi32, #tpu.memory_space<vmem>>
      %dma_wait3A_152 = arith.constant 0 : i32
      %dma_wait3A_153 = arith.constant 0 : i32
      %dma_wait3A_154 = tpu.memref_slice %arg15[%dma_wait3A_152, %dma_wait3A_153] : memref<10240x128xf32, #tpu.memory_space<vmem_shared>> -> memref<10240x128xf32, #tpu.memory_space<vmem_shared>>
      tpu.wait_indirect_dma semaphore(%arg22 : memref<!tpu.dma_semaphore, #tpu.memory_space<semaphore_mem>>) src(%arg11 : memref<64x128xf32, #tpu.memory_space<vmem>>) dst(%dma_wait3A_154 : memref<10240x128xf32, #tpu.memory_space<vmem_shared>>)
      %dma_wait3A_155 = arith.constant 0 : i32
      %dma_wait3A_156 = tpu.memref_slice %arg9[%add3A_126, %dma_wait3A_155] : memref<80x64xi32, #tpu.memory_space<vmem>> -> memref<1x64xi32, #tpu.memory_space<vmem>>
      %dma_wait3A_157 = tpu.memref_squeeze %dma_wait3A_156 : memref<1x64xi32, #tpu.memory_space<vmem>> -> memref<64xi32, #tpu.memory_space<vmem>>
      %dma_wait3A_158 = arith.constant 0 : i32
      %dma_wait3A_159 = tpu.memref_slice %arg16[%dma_wait3A_158] : memref<10240xf32, #tpu.memory_space<vmem_shared>> -> memref<10240xf32, #tpu.memory_space<vmem_shared>>
      tpu.wait_indirect_dma semaphore(%arg24 : memref<!tpu.dma_semaphore, #tpu.memory_space<semaphore_mem>>) src(%arg13 : memref<64xf32, #tpu.memory_space<vmem>>) dst(%dma_wait3A_159 : memref<10240xf32, #tpu.memory_space<vmem_shared>>)
      %add3A_160 = arith.constant 2 : i32
      %add3A_161 = arith.addi %add3A_126, %add3A_160 : i32
      %lt3A_162 = arith.constant 80 : i32
      %lt3A_163 = arith.cmpi slt, %add3A_161, %lt3A_162 : i32
      %convert_element_type3A_164 = arith.extui %lt3A_163 : i1 to i32
      %cond3A_165 = arith.constant 0 : i32
      %cond3A_166 = arith.cmpi ne, %convert_element_type3A_164, %cond3A_165 : i32
      scf.if %cond3A_166 {
        %add3A_168 = arith.constant 2 : i32
        %add3A_169 = arith.addi %add3A_126, %add3A_168 : i32
        %dma_start3A_170 = arith.constant 0 : i32
        %dma_start3A_171 = tpu.memref_slice %arg8[%add3A_169, %dma_start3A_170] : memref<80x64xi32, #tpu.memory_space<vmem>> -> memref<1x64xi32, #tpu.memory_space<vmem>>
        %dma_start3A_172 = tpu.memref_squeeze %dma_start3A_171 : memref<1x64xi32, #tpu.memory_space<vmem>> -> memref<64xi32, #tpu.memory_space<vmem>>
        %dma_start3A_173 = arith.constant 0 : i32
        %dma_start3A_174 = arith.constant 0 : i32
        %dma_start3A_175 = tpu.memref_slice %arg2[%dma_start3A_173, %dma_start3A_174] : memref<10240x128xf32, #tpu.memory_space<hbm>> -> memref<10240x128xf32, #tpu.memory_space<hbm>>
        tpu.enqueue_indirect_dma source(%dma_start3A_175 : memref<10240x128xf32, #tpu.memory_space<hbm>>) target(%arg11 : memref<64x128xf32, #tpu.memory_space<vmem>>) offsets(%dma_start3A_172 : memref<64xi32, #tpu.memory_space<vmem>>) semaphore(%arg18 : memref<!tpu.dma_semaphore, #tpu.memory_space<semaphore_mem>>)
        %add3A_176 = arith.constant 2 : i32
        %add3A_177 = arith.addi %add3A_126, %add3A_176 : i32
        %dma_start3A_178 = arith.constant 0 : i32
        %dma_start3A_179 = tpu.memref_slice %arg8[%add3A_177, %dma_start3A_178] : memref<80x64xi32, #tpu.memory_space<vmem>> -> memref<1x64xi32, #tpu.memory_space<vmem>>
        %dma_start3A_180 = tpu.memref_squeeze %dma_start3A_179 : memref<1x64xi32, #tpu.memory_space<vmem>> -> memref<64xi32, #tpu.memory_space<vmem>>
        %dma_start3A_181 = arith.constant 0 : i32
        %dma_start3A_182 = tpu.memref_slice %arg3[%dma_start3A_181] : memref<10240xf32, #tpu.memory_space<hbm>> -> memref<10240xf32, #tpu.memory_space<hbm>>
        tpu.enqueue_indirect_dma source(%dma_start3A_182 : memref<10240xf32, #tpu.memory_space<hbm>>) target(%arg13 : memref<64xf32, #tpu.memory_space<vmem>>) offsets(%dma_start3A_180 : memref<64xi32, #tpu.memory_space<vmem>>) semaphore(%arg20 : memref<!tpu.dma_semaphore, #tpu.memory_space<semaphore_mem>>)
      } else {
      }
      %scan3A_167 = arith.constant 0 : i32
      scf.yield %scan3A_167 : i32
    }
    %scan3A_70 = arith.constant 40 : i32
    %barrier3A_71 = arith.constant 0 : index
    tpu.barrier barrier_id(%barrier3A_71)
    %mul3A_72 = arith.constant 640 : i32
    %mul3A_73 = arith.muli %arg1, %mul3A_72 : i32
    %mul3A_74 = arith.constant 640 : i32
    %mul3A_75 = arith.muli %arg1, %mul3A_74 : i32
    "tpu.region"() ({
      %run_scoped3A = tpu.sem_alloc : memref<!tpu.dma_semaphore, #tpu.memory_space<semaphore_mem>>
      %dma_start3A_80 = arith.constant 0 : i32
      %dma_start3A_81 = arith.constant 0 : i32
      %dma_start3A_82 = tpu.memref_slice %arg6[%arg0, %dma_start3A_80, %dma_start3A_81] : memref<2x10240x128xf32, #tpu.memory_space<hbm>> -> memref<1x10240x128xf32, #tpu.memory_space<hbm>>
      %dma_start3A_83 = tpu.memref_squeeze %dma_start3A_82 : memref<1x10240x128xf32, #tpu.memory_space<hbm>> -> memref<10240x128xf32, #tpu.memory_space<hbm>>
      %dma_start3A_84 = arith.constant 0 : i32
      %dma_start3A_85 = tpu.memref_slice %dma_start3A_83[%mul3A_75, %dma_start3A_84] : memref<10240x128xf32, #tpu.memory_space<hbm>> -> memref<640x128xf32, #tpu.memory_space<hbm>>
      %dma_start3A_86 = arith.constant 0 : i32
      %dma_start3A_87 = tpu.memref_slice %arg15[%mul3A_73, %dma_start3A_86] : memref<10240x128xf32, #tpu.memory_space<vmem_shared>> -> memref<640x128xf32, #tpu.memory_space<vmem_shared>>
      tpu.enqueue_dma source(%dma_start3A_87 : memref<640x128xf32, #tpu.memory_space<vmem_shared>>) target(%dma_start3A_85 : memref<640x128xf32, #tpu.memory_space<hbm>>) target_semaphore(%run_scoped3A : memref<!tpu.dma_semaphore, #tpu.memory_space<semaphore_mem>>)
      %dma_wait3A_88 = arith.constant 0 : i32
      %dma_wait3A_89 = arith.constant 0 : i32
      %dma_wait3A_90 = tpu.memref_slice %arg6[%arg0, %dma_wait3A_88, %dma_wait3A_89] : memref<2x10240x128xf32, #tpu.memory_space<hbm>> -> memref<1x10240x128xf32, #tpu.memory_space<hbm>>
      %dma_wait3A_91 = tpu.memref_squeeze %dma_wait3A_90 : memref<1x10240x128xf32, #tpu.memory_space<hbm>> -> memref<10240x128xf32, #tpu.memory_space<hbm>>
      %dma_wait3A_92 = arith.constant 0 : i32
      %dma_wait3A_93 = tpu.memref_slice %dma_wait3A_91[%mul3A_75, %dma_wait3A_92] : memref<10240x128xf32, #tpu.memory_space<hbm>> -> memref<640x128xf32, #tpu.memory_space<hbm>>
      %dma_wait3A_94 = arith.constant 0 : i32
      %dma_wait3A_95 = tpu.memref_slice %arg15[%mul3A_73, %dma_wait3A_94] : memref<10240x128xf32, #tpu.memory_space<vmem_shared>> -> memref<640x128xf32, #tpu.memory_space<vmem_shared>>
      tpu.wait_dma2 semaphore(%run_scoped3A : memref<!tpu.dma_semaphore, #tpu.memory_space<semaphore_mem>>) src(%dma_wait3A_95 : memref<640x128xf32, #tpu.memory_space<vmem_shared>>) dst(%dma_wait3A_93 : memref<640x128xf32, #tpu.memory_space<hbm>>)
      tpu.yield
    }) : () -> ()
    %mul3A_76 = arith.constant 640 : i32
    %mul3A_77 = arith.muli %arg1, %mul3A_76 : i32
    %mul3A_78 = arith.constant 640 : i32
    %mul3A_79 = arith.muli %arg1, %mul3A_78 : i32
    "tpu.region"() ({
      %run_scoped3A = tpu.sem_alloc : memref<!tpu.dma_semaphore, #tpu.memory_space<semaphore_mem>>
      %dma_start3A_80 = arith.constant 0 : i32
      %dma_start3A_81 = tpu.memref_slice %arg7[%arg0, %dma_start3A_80] : memref<2x10240xf32, #tpu.memory_space<hbm>> -> memref<1x10240xf32, #tpu.memory_space<hbm>>
      %dma_start3A_82 = tpu.memref_squeeze %dma_start3A_81 : memref<1x10240xf32, #tpu.memory_space<hbm>> -> memref<10240xf32, #tpu.memory_space<hbm>>
      %dma_start3A_83 = tpu.memref_slice %dma_start3A_82[%mul3A_79] : memref<10240xf32, #tpu.memory_space<hbm>> -> memref<640xf32, #tpu.memory_space<hbm>>
      %dma_start3A_84 = tpu.memref_slice %arg16[%mul3A_77] : memref<10240xf32, #tpu.memory_space<vmem_shared>> -> memref<640xf32, #tpu.memory_space<vmem_shared>>
      tpu.enqueue_dma source(%dma_start3A_84 : memref<640xf32, #tpu.memory_space<vmem_shared>>) target(%dma_start3A_83 : memref<640xf32, #tpu.memory_space<hbm>>) target_semaphore(%run_scoped3A : memref<!tpu.dma_semaphore, #tpu.memory_space<semaphore_mem>>)
      %dma_wait3A_85 = arith.constant 0 : i32
      %dma_wait3A_86 = tpu.memref_slice %arg7[%arg0, %dma_wait3A_85] : memref<2x10240xf32, #tpu.memory_space<hbm>> -> memref<1x10240xf32, #tpu.memory_space<hbm>>
      %dma_wait3A_87 = tpu.memref_squeeze %dma_wait3A_86 : memref<1x10240xf32, #tpu.memory_space<hbm>> -> memref<10240xf32, #tpu.memory_space<hbm>>
      %dma_wait3A_88 = tpu.memref_slice %dma_wait3A_87[%mul3A_79] : memref<10240xf32, #tpu.memory_space<hbm>> -> memref<640xf32, #tpu.memory_space<hbm>>
      %dma_wait3A_89 = tpu.memref_slice %arg16[%mul3A_77] : memref<10240xf32, #tpu.memory_space<vmem_shared>> -> memref<640xf32, #tpu.memory_space<vmem_shared>>
      tpu.wait_dma2 semaphore(%run_scoped3A : memref<!tpu.dma_semaphore, #tpu.memory_space<semaphore_mem>>) src(%dma_wait3A_89 : memref<640xf32, #tpu.memory_space<vmem_shared>>) dst(%dma_wait3A_88 : memref<640xf32, #tpu.memory_space<hbm>>)
      tpu.yield
    }) : () -> ()
    return
  }
}

#map = affine_map<(d0, d1) -> (0, 0)>
#map1 = affine_map<(d0, d1) -> (0)>
#map2 = affine_map<(d0, d1) -> (0, 0, 0)>
module attributes {stable_mosaic.version = 14 : i64} {
  func.func @_sc_push_body(%arg0: i32, %arg1: i32, %arg2: memref<10240x128xf32, #tpu.memory_space<hbm>>, %arg3: memref<10240xf32, #tpu.memory_space<hbm>>, %arg4: memref<2560x64xi32, #tpu.memory_space<hbm>>, %arg5: memref<2560x64xi32, #tpu.memory_space<hbm>>, %arg6: memref<2x10240x128xf32, #tpu.memory_space<hbm>>, %arg7: memref<2x10240xf32, #tpu.memory_space<hbm>>, %arg8: memref<80x64xi32, #tpu.memory_space<vmem>>, %arg9: memref<80x64xi32, #tpu.memory_space<vmem>>, %arg10: memref<64x128xf32, #tpu.memory_space<vmem>>, %arg11: memref<64x128xf32, #tpu.memory_space<vmem>>, %arg12: memref<64xf32, #tpu.memory_space<vmem>>, %arg13: memref<64xf32, #tpu.memory_space<vmem>>, %arg14: memref<640xf32, #tpu.memory_space<vmem>>, %arg15: memref<10240x128xf32, #tpu.memory_space<vmem_shared>>, %arg16: memref<10240xf32, #tpu.memory_space<vmem_shared>>, %arg17: memref<!tpu.dma_semaphore, #tpu.memory_space<semaphore_mem>>, %arg18: memref<!tpu.dma_semaphore, #tpu.memory_space<semaphore_mem>>, %arg19: memref<!tpu.dma_semaphore, #tpu.memory_space<semaphore_mem>>, %arg20: memref<!tpu.dma_semaphore, #tpu.memory_space<semaphore_mem>>, %arg21: memref<!tpu.dma_semaphore, #tpu.memory_space<semaphore_mem>>, %arg22: memref<!tpu.dma_semaphore, #tpu.memory_space<semaphore_mem>>, %arg23: memref<!tpu.dma_semaphore, #tpu.memory_space<semaphore_mem>>, %arg24: memref<!tpu.dma_semaphore, #tpu.memory_space<semaphore_mem>>) attributes {dimension_semantics = [#tpu.dimension_semantics<core_parallel>, #tpu.dimension_semantics<subcore_parallel>], iteration_bounds = array<i64: 2, 16>, scalar_prefetch = 0 : i64, scratch_operands = 17 : i64, tpu.core_type = #tpu.core_type<sc_vector_subcore>, window_params = [{transform_indices = #map}, {transform_indices = #map1}, {transform_indices = #map}, {transform_indices = #map}, {transform_indices = #map2}, {transform_indices = #map}]} {
    %mul3A = arith.constant 2 : i32
    %mul3A_0 = arith.muli %arg1, %mul3A : i32
    %add3A = arith.addi %mul3A_0, %arg0 : i32
    %scan3A = arith.constant 0 : i32
    %scan3A_1 = arith.constant 0 : i32
    %scan3A_2 = arith.constant 64 : i32
    %scan3A_3 = arith.addi %scan3A_1, %scan3A_2 : i32
    %scan3A_4 = arith.constant 1 : i32
    %scan3A_5 = scf.for %scan3A_80 = %scan3A_1 to %scan3A_3 step %scan3A_4 iter_args(%scan3A_81 = %scan3A) -> (i32)  : i32 {
      %scan3A_82 = arith.constant 0 : i32
      %scan3A_83 = arith.constant 0 : i32
      %scan3A_84 = arith.constant 8 : i32
      %scan3A_85 = arith.addi %scan3A_83, %scan3A_84 : i32
      %scan3A_86 = arith.constant 1 : i32
      %scan3A_87 = scf.for %scan3A_90 = %scan3A_83 to %scan3A_85 step %scan3A_86 iter_args(%scan3A_91 = %scan3A_82) -> (i32)  : i32 {
        %broadcast_in_dim3A = arith.constant 0.000000e+00 : f32
        %broadcast_in_dim3A_92 = vector.broadcast %broadcast_in_dim3A : f32 to vector<16xf32>
        %mul3A_93 = arith.constant 16 : i32
        %mul3A_94 = arith.muli %scan3A_90, %mul3A_93 : i32
        %swap3A = arith.index_cast %scan3A_80 : i32 to index
        %swap3A_95 = arith.index_cast %mul3A_94 : i32 to index
        %swap3A_96 = tpu.vector_load %arg10[%swap3A, %swap3A_95] {strides = array<i32>} : memref<64x128xf32, #tpu.memory_space<vmem>>, vector<16xf32>,
        tpu.vector_store %arg10[%swap3A, %swap3A_95], %broadcast_in_dim3A_92 {strides = array<i32>} : memref<64x128xf32, #tpu.memory_space<vmem>>, vector<16xf32>,
        %scan3A_97 = arith.constant 0 : i32
        scf.yield %scan3A_97 : i32
      }
      %scan3A_88 = arith.constant 8 : i32
      %scan3A_89 = arith.constant 0 : i32
      scf.yield %scan3A_89 : i32
    }
    %scan3A_6 = arith.constant 64 : i32
    %scan3A_7 = arith.constant 0 : i32
    %scan3A_8 = arith.constant 0 : i32
    %scan3A_9 = arith.constant 40 : i32
    %scan3A_10 = arith.addi %scan3A_8, %scan3A_9 : i32
    %scan3A_11 = arith.constant 1 : i32
    %scan3A_12 = scf.for %scan3A_80 = %scan3A_8 to %scan3A_10 step %scan3A_11 iter_args(%scan3A_81 = %scan3A_7) -> (i32)  : i32 {
      %broadcast_in_dim3A = arith.constant 0.000000e+00 : f32
      %broadcast_in_dim3A_82 = vector.broadcast %broadcast_in_dim3A : f32 to vector<16xf32>
      %mul3A_83 = arith.constant 16 : i32
      %mul3A_84 = arith.muli %scan3A_80, %mul3A_83 : i32
      %swap3A = arith.index_cast %mul3A_84 : i32 to index
      %swap3A_85 = tpu.vector_load %arg14[%swap3A] {strides = array<i32>} : memref<640xf32, #tpu.memory_space<vmem>>, vector<16xf32>,
      tpu.vector_store %arg14[%swap3A], %broadcast_in_dim3A_82 {strides = array<i32>} : memref<640xf32, #tpu.memory_space<vmem>>, vector<16xf32>,
      %scan3A_86 = arith.constant 0 : i32
      scf.yield %scan3A_86 : i32
    }
    %scan3A_13 = arith.constant 40 : i32
    %scan3A_14 = arith.constant 0 : i32
    %scan3A_15 = arith.constant 0 : i32
    %scan3A_16 = arith.constant 10 : i32
    %scan3A_17 = arith.addi %scan3A_15, %scan3A_16 : i32
    %scan3A_18 = arith.constant 1 : i32
    %scan3A_19 = scf.for %scan3A_80 = %scan3A_15 to %scan3A_17 step %scan3A_18 iter_args(%scan3A_81 = %scan3A_14) -> (i32)  : i32 {
      %mul3A_82 = arith.constant 640 : i32
      %mul3A_83 = arith.muli %arg1, %mul3A_82 : i32
      %mul3A_84 = arith.constant 64 : i32
      %mul3A_85 = arith.muli %scan3A_80, %mul3A_84 : i32
      %add3A_86 = arith.addi %mul3A_83, %mul3A_85 : i32
      %dma_start3A_87 = arith.constant 0 : i32
      %dma_start3A_88 = tpu.memref_slice %arg15[%add3A_86, %dma_start3A_87] : memref<10240x128xf32, #tpu.memory_space<vmem_shared>> -> memref<64x128xf32, #tpu.memory_space<vmem_shared>>
      %dma_start3A_89 = arith.constant 0 : i32
      %dma_start3A_90 = tpu.memref_slice %arg15[%add3A_86, %dma_start3A_89] : memref<10240x128xf32, #tpu.memory_space<vmem_shared>> -> memref<64x128xf32, #tpu.memory_space<vmem_shared>>
      tpu.enqueue_dma source(%arg10 : memref<64x128xf32, #tpu.memory_space<vmem>>) target(%dma_start3A_90 : memref<64x128xf32, #tpu.memory_space<vmem_shared>>) target_semaphore(%arg21 : memref<!tpu.dma_semaphore, #tpu.memory_space<semaphore_mem>>)
      %scan3A_91 = arith.constant 0 : i32
      scf.yield %scan3A_91 : i32
    }
    %scan3A_20 = arith.constant 10 : i32
    %mul3A_21 = arith.constant 640 : i32
    %mul3A_22 = arith.muli %arg1, %mul3A_21 : i32
    %dma_start3A = tpu.memref_slice %arg16[%mul3A_22] : memref<10240xf32, #tpu.memory_space<vmem_shared>> -> memref<640xf32, #tpu.memory_space<vmem_shared>>
    %dma_start3A_23 = tpu.memref_slice %arg16[%mul3A_22] : memref<10240xf32, #tpu.memory_space<vmem_shared>> -> memref<640xf32, #tpu.memory_space<vmem_shared>>
    tpu.enqueue_dma source(%arg14 : memref<640xf32, #tpu.memory_space<vmem>>) target(%dma_start3A_23 : memref<640xf32, #tpu.memory_space<vmem_shared>>) target_semaphore(%arg23 : memref<!tpu.dma_semaphore, #tpu.memory_space<semaphore_mem>>)
    %mul3A_24 = arith.constant 80 : i32
    %mul3A_25 = arith.muli %add3A, %mul3A_24 : i32
    "tpu.region"() ({
      %run_scoped3A = tpu.sem_alloc : memref<!tpu.dma_semaphore, #tpu.memory_space<semaphore_mem>>
      %dma_start3A_80 = arith.constant 0 : i32
      %dma_start3A_81 = tpu.memref_slice %arg4[%mul3A_25, %dma_start3A_80] : memref<2560x64xi32, #tpu.memory_space<hbm>> -> memref<80x64xi32, #tpu.memory_space<hbm>>
      %dma_start3A_82 = arith.constant 0 : i32
      %dma_start3A_83 = tpu.memref_slice %arg4[%mul3A_25, %dma_start3A_82] : memref<2560x64xi32, #tpu.memory_space<hbm>> -> memref<80x64xi32, #tpu.memory_space<hbm>>
      tpu.enqueue_dma source(%dma_start3A_83 : memref<80x64xi32, #tpu.memory_space<hbm>>) target(%arg8 : memref<80x64xi32, #tpu.memory_space<vmem>>) target_semaphore(%run_scoped3A : memref<!tpu.dma_semaphore, #tpu.memory_space<semaphore_mem>>)
      %dma_wait3A_84 = arith.constant 0 : i32
      %dma_wait3A_85 = tpu.memref_slice %arg4[%mul3A_25, %dma_wait3A_84] : memref<2560x64xi32, #tpu.memory_space<hbm>> -> memref<80x64xi32, #tpu.memory_space<hbm>>
      %dma_wait3A_86 = arith.constant 0 : i32
      %dma_wait3A_87 = tpu.memref_slice %arg4[%mul3A_25, %dma_wait3A_86] : memref<2560x64xi32, #tpu.memory_space<hbm>> -> memref<80x64xi32, #tpu.memory_space<hbm>>
      tpu.wait_dma2 semaphore(%run_scoped3A : memref<!tpu.dma_semaphore, #tpu.memory_space<semaphore_mem>>) src(%dma_wait3A_87 : memref<80x64xi32, #tpu.memory_space<hbm>>) dst(%arg8 : memref<80x64xi32, #tpu.memory_space<vmem>>)
      tpu.yield
    }) : () -> ()
    %mul3A_26 = arith.constant 80 : i32
    %mul3A_27 = arith.muli %add3A, %mul3A_26 : i32
    "tpu.region"() ({
      %run_scoped3A = tpu.sem_alloc : memref<!tpu.dma_semaphore, #tpu.memory_space<semaphore_mem>>
      %dma_start3A_80 = arith.constant 0 : i32
      %dma_start3A_81 = tpu.memref_slice %arg5[%mul3A_27, %dma_start3A_80] : memref<2560x64xi32, #tpu.memory_space<hbm>> -> memref<80x64xi32, #tpu.memory_space<hbm>>
      %dma_start3A_82 = arith.constant 0 : i32
      %dma_start3A_83 = tpu.memref_slice %arg5[%mul3A_27, %dma_start3A_82] : memref<2560x64xi32, #tpu.memory_space<hbm>> -> memref<80x64xi32, #tpu.memory_space<hbm>>
      tpu.enqueue_dma source(%dma_start3A_83 : memref<80x64xi32, #tpu.memory_space<hbm>>) target(%arg9 : memref<80x64xi32, #tpu.memory_space<vmem>>) target_semaphore(%run_scoped3A : memref<!tpu.dma_semaphore, #tpu.memory_space<semaphore_mem>>)
      %dma_wait3A_84 = arith.constant 0 : i32
      %dma_wait3A_85 = tpu.memref_slice %arg5[%mul3A_27, %dma_wait3A_84] : memref<2560x64xi32, #tpu.memory_space<hbm>> -> memref<80x64xi32, #tpu.memory_space<hbm>>
      %dma_wait3A_86 = arith.constant 0 : i32
      %dma_wait3A_87 = tpu.memref_slice %arg5[%mul3A_27, %dma_wait3A_86] : memref<2560x64xi32, #tpu.memory_space<hbm>> -> memref<80x64xi32, #tpu.memory_space<hbm>>
      tpu.wait_dma2 semaphore(%run_scoped3A : memref<!tpu.dma_semaphore, #tpu.memory_space<semaphore_mem>>) src(%dma_wait3A_87 : memref<80x64xi32, #tpu.memory_space<hbm>>) dst(%arg9 : memref<80x64xi32, #tpu.memory_space<vmem>>)
      tpu.yield
    }) : () -> ()
    %scan3A_28 = arith.constant 0 : i32
    %scan3A_29 = arith.constant 0 : i32
    %scan3A_30 = arith.constant 10 : i32
    %scan3A_31 = arith.addi %scan3A_29, %scan3A_30 : i32
    %scan3A_32 = arith.constant 1 : i32
    %scan3A_33 = scf.for %scan3A_80 = %scan3A_29 to %scan3A_31 step %scan3A_32 iter_args(%scan3A_81 = %scan3A_28) -> (i32)  : i32 {
      %mul3A_82 = arith.constant 640 : i32
      %mul3A_83 = arith.muli %arg1, %mul3A_82 : i32
      %mul3A_84 = arith.constant 64 : i32
      %mul3A_85 = arith.muli %scan3A_80, %mul3A_84 : i32
      %add3A_86 = arith.addi %mul3A_83, %mul3A_85 : i32
      %dma_wait3A_87 = arith.constant 0 : i32
      %dma_wait3A_88 = tpu.memref_slice %arg15[%add3A_86, %dma_wait3A_87] : memref<10240x128xf32, #tpu.memory_space<vmem_shared>> -> memref<64x128xf32, #tpu.memory_space<vmem_shared>>
      %dma_wait3A_89 = arith.constant 0 : i32
      %dma_wait3A_90 = tpu.memref_slice %arg15[%add3A_86, %dma_wait3A_89] : memref<10240x128xf32, #tpu.memory_space<vmem_shared>> -> memref<64x128xf32, #tpu.memory_space<vmem_shared>>
      tpu.wait_dma2 semaphore(%arg21 : memref<!tpu.dma_semaphore, #tpu.memory_space<semaphore_mem>>) src(%arg10 : memref<64x128xf32, #tpu.memory_space<vmem>>) dst(%dma_wait3A_90 : memref<64x128xf32, #tpu.memory_space<vmem_shared>>)
      %scan3A_91 = arith.constant 0 : i32
      scf.yield %scan3A_91 : i32
    }
    %scan3A_34 = arith.constant 10 : i32
    %mul3A_35 = arith.constant 640 : i32
    %mul3A_36 = arith.muli %arg1, %mul3A_35 : i32
    %dma_wait3A = tpu.memref_slice %arg16[%mul3A_36] : memref<10240xf32, #tpu.memory_space<vmem_shared>> -> memref<640xf32, #tpu.memory_space<vmem_shared>>
    %dma_wait3A_37 = tpu.memref_slice %arg16[%mul3A_36] : memref<10240xf32, #tpu.memory_space<vmem_shared>> -> memref<640xf32, #tpu.memory_space<vmem_shared>>
    tpu.wait_dma2 semaphore(%arg23 : memref<!tpu.dma_semaphore, #tpu.memory_space<semaphore_mem>>) src(%arg14 : memref<640xf32, #tpu.memory_space<vmem>>) dst(%dma_wait3A_37 : memref<640xf32, #tpu.memory_space<vmem_shared>>)
    %barrier3A = arith.constant 0 : index
    tpu.barrier barrier_id(%barrier3A)
    %dma_start3A_38 = arith.constant 0 : i32
    %dma_start3A_39 = arith.constant 0 : i32
    %dma_start3A_40 = tpu.memref_slice %arg8[%dma_start3A_38, %dma_start3A_39] : memref<80x64xi32, #tpu.memory_space<vmem>> -> memref<1x64xi32, #tpu.memory_space<vmem>>
    %dma_start3A_41 = tpu.memref_squeeze %dma_start3A_40 : memref<1x64xi32, #tpu.memory_space<vmem>> -> memref<64xi32, #tpu.memory_space<vmem>>
    %dma_start3A_42 = arith.constant 0 : i32
    %dma_start3A_43 = arith.constant 0 : i32
    %dma_start3A_44 = tpu.memref_slice %arg2[%dma_start3A_42, %dma_start3A_43] : memref<10240x128xf32, #tpu.memory_space<hbm>> -> memref<10240x128xf32, #tpu.memory_space<hbm>>
    tpu.enqueue_indirect_dma source(%dma_start3A_44 : memref<10240x128xf32, #tpu.memory_space<hbm>>) target(%arg10 : memref<64x128xf32, #tpu.memory_space<vmem>>) offsets(%dma_start3A_41 : memref<64xi32, #tpu.memory_space<vmem>>) semaphore(%arg17 : memref<!tpu.dma_semaphore, #tpu.memory_space<semaphore_mem>>)
    %dma_start3A_45 = arith.constant 0 : i32
    %dma_start3A_46 = arith.constant 0 : i32
    %dma_start3A_47 = tpu.memref_slice %arg8[%dma_start3A_45, %dma_start3A_46] : memref<80x64xi32, #tpu.memory_space<vmem>> -> memref<1x64xi32, #tpu.memory_space<vmem>>
    %dma_start3A_48 = tpu.memref_squeeze %dma_start3A_47 : memref<1x64xi32, #tpu.memory_space<vmem>> -> memref<64xi32, #tpu.memory_space<vmem>>
    %dma_start3A_49 = arith.constant 0 : i32
    %dma_start3A_50 = tpu.memref_slice %arg3[%dma_start3A_49] : memref<10240xf32, #tpu.memory_space<hbm>> -> memref<10240xf32, #tpu.memory_space<hbm>>
    tpu.enqueue_indirect_dma source(%dma_start3A_50 : memref<10240xf32, #tpu.memory_space<hbm>>) target(%arg12 : memref<64xf32, #tpu.memory_space<vmem>>) offsets(%dma_start3A_48 : memref<64xi32, #tpu.memory_space<vmem>>) semaphore(%arg19 : memref<!tpu.dma_semaphore, #tpu.memory_space<semaphore_mem>>)
    %dma_start3A_51 = arith.constant 1 : i32
    %dma_start3A_52 = arith.constant 0 : i32
    %dma_start3A_53 = tpu.memref_slice %arg8[%dma_start3A_51, %dma_start3A_52] : memref<80x64xi32, #tpu.memory_space<vmem>> -> memref<1x64xi32, #tpu.memory_space<vmem>>
    %dma_start3A_54 = tpu.memref_squeeze %dma_start3A_53 : memref<1x64xi32, #tpu.memory_space<vmem>> -> memref<64xi32, #tpu.memory_space<vmem>>
    %dma_start3A_55 = arith.constant 0 : i32
    %dma_start3A_56 = arith.constant 0 : i32
    %dma_start3A_57 = tpu.memref_slice %arg2[%dma_start3A_55, %dma_start3A_56] : memref<10240x128xf32, #tpu.memory_space<hbm>> -> memref<10240x128xf32, #tpu.memory_space<hbm>>
    tpu.enqueue_indirect_dma source(%dma_start3A_57 : memref<10240x128xf32, #tpu.memory_space<hbm>>) target(%arg11 : memref<64x128xf32, #tpu.memory_space<vmem>>) offsets(%dma_start3A_54 : memref<64xi32, #tpu.memory_space<vmem>>) semaphore(%arg18 : memref<!tpu.dma_semaphore, #tpu.memory_space<semaphore_mem>>)
    %dma_start3A_58 = arith.constant 1 : i32
    %dma_start3A_59 = arith.constant 0 : i32
    %dma_start3A_60 = tpu.memref_slice %arg8[%dma_start3A_58, %dma_start3A_59] : memref<80x64xi32, #tpu.memory_space<vmem>> -> memref<1x64xi32, #tpu.memory_space<vmem>>
    %dma_start3A_61 = tpu.memref_squeeze %dma_start3A_60 : memref<1x64xi32, #tpu.memory_space<vmem>> -> memref<64xi32, #tpu.memory_space<vmem>>
    %dma_start3A_62 = arith.constant 0 : i32
    %dma_start3A_63 = tpu.memref_slice %arg3[%dma_start3A_62] : memref<10240xf32, #tpu.memory_space<hbm>> -> memref<10240xf32, #tpu.memory_space<hbm>>
    tpu.enqueue_indirect_dma source(%dma_start3A_63 : memref<10240xf32, #tpu.memory_space<hbm>>) target(%arg13 : memref<64xf32, #tpu.memory_space<vmem>>) offsets(%dma_start3A_61 : memref<64xi32, #tpu.memory_space<vmem>>) semaphore(%arg20 : memref<!tpu.dma_semaphore, #tpu.memory_space<semaphore_mem>>)
    %scan3A_64 = arith.constant 0 : i32
    %scan3A_65 = arith.constant 0 : i32
    %scan3A_66 = arith.constant 40 : i32
    %scan3A_67 = arith.addi %scan3A_65, %scan3A_66 : i32
    %scan3A_68 = arith.constant 1 : i32
    %scan3A_69 = scf.for %scan3A_80 = %scan3A_65 to %scan3A_67 step %scan3A_68 iter_args(%scan3A_81 = %scan3A_64) -> (i32)  : i32 {
      %mul3A_82 = arith.constant 2 : i32
      %mul3A_83 = arith.muli %scan3A_80, %mul3A_82 : i32
      %add3A_84 = arith.constant 0 : i32
      %add3A_85 = arith.addi %mul3A_83, %add3A_84 : i32
      %dma_wait3A_86 = arith.constant 0 : i32
      %dma_wait3A_87 = tpu.memref_slice %arg8[%add3A_85, %dma_wait3A_86] : memref<80x64xi32, #tpu.memory_space<vmem>> -> memref<1x64xi32, #tpu.memory_space<vmem>>
      %dma_wait3A_88 = tpu.memref_squeeze %dma_wait3A_87 : memref<1x64xi32, #tpu.memory_space<vmem>> -> memref<64xi32, #tpu.memory_space<vmem>>
      %dma_wait3A_89 = arith.constant 0 : i32
      %dma_wait3A_90 = arith.constant 0 : i32
      %dma_wait3A_91 = tpu.memref_slice %arg2[%dma_wait3A_89, %dma_wait3A_90] : memref<10240x128xf32, #tpu.memory_space<hbm>> -> memref<10240x128xf32, #tpu.memory_space<hbm>>
      tpu.wait_indirect_dma semaphore(%arg17 : memref<!tpu.dma_semaphore, #tpu.memory_space<semaphore_mem>>) src(%dma_wait3A_91 : memref<10240x128xf32, #tpu.memory_space<hbm>>) dst(%arg10 : memref<64x128xf32, #tpu.memory_space<vmem>>)
      %dma_wait3A_92 = arith.constant 0 : i32
      %dma_wait3A_93 = tpu.memref_slice %arg8[%add3A_85, %dma_wait3A_92] : memref<80x64xi32, #tpu.memory_space<vmem>> -> memref<1x64xi32, #tpu.memory_space<vmem>>
      %dma_wait3A_94 = tpu.memref_squeeze %dma_wait3A_93 : memref<1x64xi32, #tpu.memory_space<vmem>> -> memref<64xi32, #tpu.memory_space<vmem>>
      %dma_wait3A_95 = arith.constant 0 : i32
      %dma_wait3A_96 = tpu.memref_slice %arg3[%dma_wait3A_95] : memref<10240xf32, #tpu.memory_space<hbm>> -> memref<10240xf32, #tpu.memory_space<hbm>>
      tpu.wait_indirect_dma semaphore(%arg19 : memref<!tpu.dma_semaphore, #tpu.memory_space<semaphore_mem>>) src(%dma_wait3A_96 : memref<10240xf32, #tpu.memory_space<hbm>>) dst(%arg12 : memref<64xf32, #tpu.memory_space<vmem>>)
      %dma_start3A_97 = arith.constant 0 : i32
      %dma_start3A_98 = tpu.memref_slice %arg9[%add3A_85, %dma_start3A_97] : memref<80x64xi32, #tpu.memory_space<vmem>> -> memref<1x64xi32, #tpu.memory_space<vmem>>
      %dma_start3A_99 = tpu.memref_squeeze %dma_start3A_98 : memref<1x64xi32, #tpu.memory_space<vmem>> -> memref<64xi32, #tpu.memory_space<vmem>>
      %dma_start3A_100 = arith.constant 0 : i32
      %dma_start3A_101 = arith.constant 0 : i32
      %dma_start3A_102 = tpu.memref_slice %arg15[%dma_start3A_100, %dma_start3A_101] : memref<10240x128xf32, #tpu.memory_space<vmem_shared>> -> memref<10240x128xf32, #tpu.memory_space<vmem_shared>>
      tpu.enqueue_indirect_dma source(%arg10 : memref<64x128xf32, #tpu.memory_space<vmem>>) target(%dma_start3A_102 : memref<10240x128xf32, #tpu.memory_space<vmem_shared>>) offsets(%dma_start3A_99 : memref<64xi32, #tpu.memory_space<vmem>>) semaphore(%arg21 : memref<!tpu.dma_semaphore, #tpu.memory_space<semaphore_mem>>) {add = true}
      %dma_start3A_103 = arith.constant 0 : i32
      %dma_start3A_104 = tpu.memref_slice %arg9[%add3A_85, %dma_start3A_103] : memref<80x64xi32, #tpu.memory_space<vmem>> -> memref<1x64xi32, #tpu.memory_space<vmem>>
      %dma_start3A_105 = tpu.memref_squeeze %dma_start3A_104 : memref<1x64xi32, #tpu.memory_space<vmem>> -> memref<64xi32, #tpu.memory_space<vmem>>
      %dma_start3A_106 = arith.constant 0 : i32
      %dma_start3A_107 = tpu.memref_slice %arg16[%dma_start3A_106] : memref<10240xf32, #tpu.memory_space<vmem_shared>> -> memref<10240xf32, #tpu.memory_space<vmem_shared>>
      tpu.enqueue_indirect_dma source(%arg12 : memref<64xf32, #tpu.memory_space<vmem>>) target(%dma_start3A_107 : memref<10240xf32, #tpu.memory_space<vmem_shared>>) offsets(%dma_start3A_105 : memref<64xi32, #tpu.memory_space<vmem>>) semaphore(%arg23 : memref<!tpu.dma_semaphore, #tpu.memory_space<semaphore_mem>>) {add = true}
      %dma_wait3A_108 = arith.constant 0 : i32
      %dma_wait3A_109 = tpu.memref_slice %arg9[%add3A_85, %dma_wait3A_108] : memref<80x64xi32, #tpu.memory_space<vmem>> -> memref<1x64xi32, #tpu.memory_space<vmem>>
      %dma_wait3A_110 = tpu.memref_squeeze %dma_wait3A_109 : memref<1x64xi32, #tpu.memory_space<vmem>> -> memref<64xi32, #tpu.memory_space<vmem>>
      %dma_wait3A_111 = arith.constant 0 : i32
      %dma_wait3A_112 = arith.constant 0 : i32
      %dma_wait3A_113 = tpu.memref_slice %arg15[%dma_wait3A_111, %dma_wait3A_112] : memref<10240x128xf32, #tpu.memory_space<vmem_shared>> -> memref<10240x128xf32, #tpu.memory_space<vmem_shared>>
      tpu.wait_indirect_dma semaphore(%arg21 : memref<!tpu.dma_semaphore, #tpu.memory_space<semaphore_mem>>) src(%arg10 : memref<64x128xf32, #tpu.memory_space<vmem>>) dst(%dma_wait3A_113 : memref<10240x128xf32, #tpu.memory_space<vmem_shared>>)
      %dma_wait3A_114 = arith.constant 0 : i32
      %dma_wait3A_115 = tpu.memref_slice %arg9[%add3A_85, %dma_wait3A_114] : memref<80x64xi32, #tpu.memory_space<vmem>> -> memref<1x64xi32, #tpu.memory_space<vmem>>
      %dma_wait3A_116 = tpu.memref_squeeze %dma_wait3A_115 : memref<1x64xi32, #tpu.memory_space<vmem>> -> memref<64xi32, #tpu.memory_space<vmem>>
      %dma_wait3A_117 = arith.constant 0 : i32
      %dma_wait3A_118 = tpu.memref_slice %arg16[%dma_wait3A_117] : memref<10240xf32, #tpu.memory_space<vmem_shared>> -> memref<10240xf32, #tpu.memory_space<vmem_shared>>
      tpu.wait_indirect_dma semaphore(%arg23 : memref<!tpu.dma_semaphore, #tpu.memory_space<semaphore_mem>>) src(%arg12 : memref<64xf32, #tpu.memory_space<vmem>>) dst(%dma_wait3A_118 : memref<10240xf32, #tpu.memory_space<vmem_shared>>)
      %add3A_119 = arith.constant 2 : i32
      %add3A_120 = arith.addi %add3A_85, %add3A_119 : i32
      %lt3A = arith.constant 80 : i32
      %lt3A_121 = arith.cmpi slt, %add3A_120, %lt3A : i32
      %convert_element_type3A = arith.extui %lt3A_121 : i1 to i32
      %cond3A = arith.constant 0 : i32
      %cond3A_122 = arith.cmpi ne, %convert_element_type3A, %cond3A : i32
      scf.if %cond3A_122 {
        %add3A_168 = arith.constant 2 : i32
        %add3A_169 = arith.addi %add3A_85, %add3A_168 : i32
        %dma_start3A_170 = arith.constant 0 : i32
        %dma_start3A_171 = tpu.memref_slice %arg8[%add3A_169, %dma_start3A_170] : memref<80x64xi32, #tpu.memory_space<vmem>> -> memref<1x64xi32, #tpu.memory_space<vmem>>
        %dma_start3A_172 = tpu.memref_squeeze %dma_start3A_171 : memref<1x64xi32, #tpu.memory_space<vmem>> -> memref<64xi32, #tpu.memory_space<vmem>>
        %dma_start3A_173 = arith.constant 0 : i32
        %dma_start3A_174 = arith.constant 0 : i32
        %dma_start3A_175 = tpu.memref_slice %arg2[%dma_start3A_173, %dma_start3A_174] : memref<10240x128xf32, #tpu.memory_space<hbm>> -> memref<10240x128xf32, #tpu.memory_space<hbm>>
        tpu.enqueue_indirect_dma source(%dma_start3A_175 : memref<10240x128xf32, #tpu.memory_space<hbm>>) target(%arg10 : memref<64x128xf32, #tpu.memory_space<vmem>>) offsets(%dma_start3A_172 : memref<64xi32, #tpu.memory_space<vmem>>) semaphore(%arg17 : memref<!tpu.dma_semaphore, #tpu.memory_space<semaphore_mem>>)
        %add3A_176 = arith.constant 2 : i32
        %add3A_177 = arith.addi %add3A_85, %add3A_176 : i32
        %dma_start3A_178 = arith.constant 0 : i32
        %dma_start3A_179 = tpu.memref_slice %arg8[%add3A_177, %dma_start3A_178] : memref<80x64xi32, #tpu.memory_space<vmem>> -> memref<1x64xi32, #tpu.memory_space<vmem>>
        %dma_start3A_180 = tpu.memref_squeeze %dma_start3A_179 : memref<1x64xi32, #tpu.memory_space<vmem>> -> memref<64xi32, #tpu.memory_space<vmem>>
        %dma_start3A_181 = arith.constant 0 : i32
        %dma_start3A_182 = tpu.memref_slice %arg3[%dma_start3A_181] : memref<10240xf32, #tpu.memory_space<hbm>> -> memref<10240xf32, #tpu.memory_space<hbm>>
        tpu.enqueue_indirect_dma source(%dma_start3A_182 : memref<10240xf32, #tpu.memory_space<hbm>>) target(%arg12 : memref<64xf32, #tpu.memory_space<vmem>>) offsets(%dma_start3A_180 : memref<64xi32, #tpu.memory_space<vmem>>) semaphore(%arg19 : memref<!tpu.dma_semaphore, #tpu.memory_space<semaphore_mem>>)
      } else {
      }
      %mul3A_123 = arith.constant 2 : i32
      %mul3A_124 = arith.muli %scan3A_80, %mul3A_123 : i32
      %add3A_125 = arith.constant 1 : i32
      %add3A_126 = arith.addi %mul3A_124, %add3A_125 : i32
      %dma_wait3A_127 = arith.constant 0 : i32
      %dma_wait3A_128 = tpu.memref_slice %arg8[%add3A_126, %dma_wait3A_127] : memref<80x64xi32, #tpu.memory_space<vmem>> -> memref<1x64xi32, #tpu.memory_space<vmem>>
      %dma_wait3A_129 = tpu.memref_squeeze %dma_wait3A_128 : memref<1x64xi32, #tpu.memory_space<vmem>> -> memref<64xi32, #tpu.memory_space<vmem>>
      %dma_wait3A_130 = arith.constant 0 : i32
      %dma_wait3A_131 = arith.constant 0 : i32
      %dma_wait3A_132 = tpu.memref_slice %arg2[%dma_wait3A_130, %dma_wait3A_131] : memref<10240x128xf32, #tpu.memory_space<hbm>> -> memref<10240x128xf32, #tpu.memory_space<hbm>>
      tpu.wait_indirect_dma semaphore(%arg18 : memref<!tpu.dma_semaphore, #tpu.memory_space<semaphore_mem>>) src(%dma_wait3A_132 : memref<10240x128xf32, #tpu.memory_space<hbm>>) dst(%arg11 : memref<64x128xf32, #tpu.memory_space<vmem>>)
      %dma_wait3A_133 = arith.constant 0 : i32
      %dma_wait3A_134 = tpu.memref_slice %arg8[%add3A_126, %dma_wait3A_133] : memref<80x64xi32, #tpu.memory_space<vmem>> -> memref<1x64xi32, #tpu.memory_space<vmem>>
      %dma_wait3A_135 = tpu.memref_squeeze %dma_wait3A_134 : memref<1x64xi32, #tpu.memory_space<vmem>> -> memref<64xi32, #tpu.memory_space<vmem>>
      %dma_wait3A_136 = arith.constant 0 : i32
      %dma_wait3A_137 = tpu.memref_slice %arg3[%dma_wait3A_136] : memref<10240xf32, #tpu.memory_space<hbm>> -> memref<10240xf32, #tpu.memory_space<hbm>>
      tpu.wait_indirect_dma semaphore(%arg20 : memref<!tpu.dma_semaphore, #tpu.memory_space<semaphore_mem>>) src(%dma_wait3A_137 : memref<10240xf32, #tpu.memory_space<hbm>>) dst(%arg13 : memref<64xf32, #tpu.memory_space<vmem>>)
      %dma_start3A_138 = arith.constant 0 : i32
      %dma_start3A_139 = tpu.memref_slice %arg9[%add3A_126, %dma_start3A_138] : memref<80x64xi32, #tpu.memory_space<vmem>> -> memref<1x64xi32, #tpu.memory_space<vmem>>
      %dma_start3A_140 = tpu.memref_squeeze %dma_start3A_139 : memref<1x64xi32, #tpu.memory_space<vmem>> -> memref<64xi32, #tpu.memory_space<vmem>>
      %dma_start3A_141 = arith.constant 0 : i32
      %dma_start3A_142 = arith.constant 0 : i32
      %dma_start3A_143 = tpu.memref_slice %arg15[%dma_start3A_141, %dma_start3A_142] : memref<10240x128xf32, #tpu.memory_space<vmem_shared>> -> memref<10240x128xf32, #tpu.memory_space<vmem_shared>>
      tpu.enqueue_indirect_dma source(%arg11 : memref<64x128xf32, #tpu.memory_space<vmem>>) target(%dma_start3A_143 : memref<10240x128xf32, #tpu.memory_space<vmem_shared>>) offsets(%dma_start3A_140 : memref<64xi32, #tpu.memory_space<vmem>>) semaphore(%arg22 : memref<!tpu.dma_semaphore, #tpu.memory_space<semaphore_mem>>) {add = true}
      %dma_start3A_144 = arith.constant 0 : i32
      %dma_start3A_145 = tpu.memref_slice %arg9[%add3A_126, %dma_start3A_144] : memref<80x64xi32, #tpu.memory_space<vmem>> -> memref<1x64xi32, #tpu.memory_space<vmem>>
      %dma_start3A_146 = tpu.memref_squeeze %dma_start3A_145 : memref<1x64xi32, #tpu.memory_space<vmem>> -> memref<64xi32, #tpu.memory_space<vmem>>
      %dma_start3A_147 = arith.constant 0 : i32
      %dma_start3A_148 = tpu.memref_slice %arg16[%dma_start3A_147] : memref<10240xf32, #tpu.memory_space<vmem_shared>> -> memref<10240xf32, #tpu.memory_space<vmem_shared>>
      tpu.enqueue_indirect_dma source(%arg13 : memref<64xf32, #tpu.memory_space<vmem>>) target(%dma_start3A_148 : memref<10240xf32, #tpu.memory_space<vmem_shared>>) offsets(%dma_start3A_146 : memref<64xi32, #tpu.memory_space<vmem>>) semaphore(%arg24 : memref<!tpu.dma_semaphore, #tpu.memory_space<semaphore_mem>>) {add = true}
      %dma_wait3A_149 = arith.constant 0 : i32
      %dma_wait3A_150 = tpu.memref_slice %arg9[%add3A_126, %dma_wait3A_149] : memref<80x64xi32, #tpu.memory_space<vmem>> -> memref<1x64xi32, #tpu.memory_space<vmem>>
      %dma_wait3A_151 = tpu.memref_squeeze %dma_wait3A_150 : memref<1x64xi32, #tpu.memory_space<vmem>> -> memref<64xi32, #tpu.memory_space<vmem>>
      %dma_wait3A_152 = arith.constant 0 : i32
      %dma_wait3A_153 = arith.constant 0 : i32
      %dma_wait3A_154 = tpu.memref_slice %arg15[%dma_wait3A_152, %dma_wait3A_153] : memref<10240x128xf32, #tpu.memory_space<vmem_shared>> -> memref<10240x128xf32, #tpu.memory_space<vmem_shared>>
      tpu.wait_indirect_dma semaphore(%arg22 : memref<!tpu.dma_semaphore, #tpu.memory_space<semaphore_mem>>) src(%arg11 : memref<64x128xf32, #tpu.memory_space<vmem>>) dst(%dma_wait3A_154 : memref<10240x128xf32, #tpu.memory_space<vmem_shared>>)
      %dma_wait3A_155 = arith.constant 0 : i32
      %dma_wait3A_156 = tpu.memref_slice %arg9[%add3A_126, %dma_wait3A_155] : memref<80x64xi32, #tpu.memory_space<vmem>> -> memref<1x64xi32, #tpu.memory_space<vmem>>
      %dma_wait3A_157 = tpu.memref_squeeze %dma_wait3A_156 : memref<1x64xi32, #tpu.memory_space<vmem>> -> memref<64xi32, #tpu.memory_space<vmem>>
      %dma_wait3A_158 = arith.constant 0 : i32
      %dma_wait3A_159 = tpu.memref_slice %arg16[%dma_wait3A_158] : memref<10240xf32, #tpu.memory_space<vmem_shared>> -> memref<10240xf32, #tpu.memory_space<vmem_shared>>
      tpu.wait_indirect_dma semaphore(%arg24 : memref<!tpu.dma_semaphore, #tpu.memory_space<semaphore_mem>>) src(%arg13 : memref<64xf32, #tpu.memory_space<vmem>>) dst(%dma_wait3A_159 : memref<10240xf32, #tpu.memory_space<vmem_shared>>)
      %add3A_160 = arith.constant 2 : i32
      %add3A_161 = arith.addi %add3A_126, %add3A_160 : i32
      %lt3A_162 = arith.constant 80 : i32
      %lt3A_163 = arith.cmpi slt, %add3A_161, %lt3A_162 : i32
      %convert_element_type3A_164 = arith.extui %lt3A_163 : i1 to i32
      %cond3A_165 = arith.constant 0 : i32
      %cond3A_166 = arith.cmpi ne, %convert_element_type3A_164, %cond3A_165 : i32
      scf.if %cond3A_166 {
        %add3A_168 = arith.constant 2 : i32
        %add3A_169 = arith.addi %add3A_126, %add3A_168 : i32
        %dma_start3A_170 = arith.constant 0 : i32
        %dma_start3A_171 = tpu.memref_slice %arg8[%add3A_169, %dma_start3A_170] : memref<80x64xi32, #tpu.memory_space<vmem>> -> memref<1x64xi32, #tpu.memory_space<vmem>>
        %dma_start3A_172 = tpu.memref_squeeze %dma_start3A_171 : memref<1x64xi32, #tpu.memory_space<vmem>> -> memref<64xi32, #tpu.memory_space<vmem>>
        %dma_start3A_173 = arith.constant 0 : i32
        %dma_start3A_174 = arith.constant 0 : i32
        %dma_start3A_175 = tpu.memref_slice %arg2[%dma_start3A_173, %dma_start3A_174] : memref<10240x128xf32, #tpu.memory_space<hbm>> -> memref<10240x128xf32, #tpu.memory_space<hbm>>
        tpu.enqueue_indirect_dma source(%dma_start3A_175 : memref<10240x128xf32, #tpu.memory_space<hbm>>) target(%arg11 : memref<64x128xf32, #tpu.memory_space<vmem>>) offsets(%dma_start3A_172 : memref<64xi32, #tpu.memory_space<vmem>>) semaphore(%arg18 : memref<!tpu.dma_semaphore, #tpu.memory_space<semaphore_mem>>)
        %add3A_176 = arith.constant 2 : i32
        %add3A_177 = arith.addi %add3A_126, %add3A_176 : i32
        %dma_start3A_178 = arith.constant 0 : i32
        %dma_start3A_179 = tpu.memref_slice %arg8[%add3A_177, %dma_start3A_178] : memref<80x64xi32, #tpu.memory_space<vmem>> -> memref<1x64xi32, #tpu.memory_space<vmem>>
        %dma_start3A_180 = tpu.memref_squeeze %dma_start3A_179 : memref<1x64xi32, #tpu.memory_space<vmem>> -> memref<64xi32, #tpu.memory_space<vmem>>
        %dma_start3A_181 = arith.constant 0 : i32
        %dma_start3A_182 = tpu.memref_slice %arg3[%dma_start3A_181] : memref<10240xf32, #tpu.memory_space<hbm>> -> memref<10240xf32, #tpu.memory_space<hbm>>
        tpu.enqueue_indirect_dma source(%dma_start3A_182 : memref<10240xf32, #tpu.memory_space<hbm>>) target(%arg13 : memref<64xf32, #tpu.memory_space<vmem>>) offsets(%dma_start3A_180 : memref<64xi32, #tpu.memory_space<vmem>>) semaphore(%arg20 : memref<!tpu.dma_semaphore, #tpu.memory_space<semaphore_mem>>)
      } else {
      }
      %scan3A_167 = arith.constant 0 : i32
      scf.yield %scan3A_167 : i32
    }
    %scan3A_70 = arith.constant 40 : i32
    %barrier3A_71 = arith.constant 0 : index
    tpu.barrier barrier_id(%barrier3A_71)
    %mul3A_72 = arith.constant 640 : i32
    %mul3A_73 = arith.muli %arg1, %mul3A_72 : i32
    %mul3A_74 = arith.constant 640 : i32
    %mul3A_75 = arith.muli %arg1, %mul3A_74 : i32
    "tpu.region"() ({
      %run_scoped3A = tpu.sem_alloc : memref<!tpu.dma_semaphore, #tpu.memory_space<semaphore_mem>>
      %dma_start3A_80 = arith.constant 0 : i32
      %dma_start3A_81 = arith.constant 0 : i32
      %dma_start3A_82 = tpu.memref_slice %arg6[%arg0, %dma_start3A_80, %dma_start3A_81] : memref<2x10240x128xf32, #tpu.memory_space<hbm>> -> memref<1x10240x128xf32, #tpu.memory_space<hbm>>
      %dma_start3A_83 = tpu.memref_squeeze %dma_start3A_82 : memref<1x10240x128xf32, #tpu.memory_space<hbm>> -> memref<10240x128xf32, #tpu.memory_space<hbm>>
      %dma_start3A_84 = arith.constant 0 : i32
      %dma_start3A_85 = tpu.memref_slice %dma_start3A_83[%mul3A_75, %dma_start3A_84] : memref<10240x128xf32, #tpu.memory_space<hbm>> -> memref<640x128xf32, #tpu.memory_space<hbm>>
      %dma_start3A_86 = arith.constant 0 : i32
      %dma_start3A_87 = tpu.memref_slice %arg15[%mul3A_73, %dma_start3A_86] : memref<10240x128xf32, #tpu.memory_space<vmem_shared>> -> memref<640x128xf32, #tpu.memory_space<vmem_shared>>
      tpu.enqueue_dma source(%dma_start3A_87 : memref<640x128xf32, #tpu.memory_space<vmem_shared>>) target(%dma_start3A_85 : memref<640x128xf32, #tpu.memory_space<hbm>>) target_semaphore(%run_scoped3A : memref<!tpu.dma_semaphore, #tpu.memory_space<semaphore_mem>>)
      %dma_wait3A_88 = arith.constant 0 : i32
      %dma_wait3A_89 = arith.constant 0 : i32
      %dma_wait3A_90 = tpu.memref_slice %arg6[%arg0, %dma_wait3A_88, %dma_wait3A_89] : memref<2x10240x128xf32, #tpu.memory_space<hbm>> -> memref<1x10240x128xf32, #tpu.memory_space<hbm>>
      %dma_wait3A_91 = tpu.memref_squeeze %dma_wait3A_90 : memref<1x10240x128xf32, #tpu.memory_space<hbm>> -> memref<10240x128xf32, #tpu.memory_space<hbm>>
      %dma_wait3A_92 = arith.constant 0 : i32
      %dma_wait3A_93 = tpu.memref_slice %dma_wait3A_91[%mul3A_75, %dma_wait3A_92] : memref<10240x128xf32, #tpu.memory_space<hbm>> -> memref<640x128xf32, #tpu.memory_space<hbm>>
      %dma_wait3A_94 = arith.constant 0 : i32
      %dma_wait3A_95 = tpu.memref_slice %arg15[%mul3A_73, %dma_wait3A_94] : memref<10240x128xf32, #tpu.memory_space<vmem_shared>> -> memref<640x128xf32, #tpu.memory_space<vmem_shared>>
      tpu.wait_dma2 semaphore(%run_scoped3A : memref<!tpu.dma_semaphore, #tpu.memory_space<semaphore_mem>>) src(%dma_wait3A_95 : memref<640x128xf32, #tpu.memory_space<vmem_shared>>) dst(%dma_wait3A_93 : memref<640x128xf32, #tpu.memory_space<hbm>>)
      tpu.yield
    }) : () -> ()
    %mul3A_76 = arith.constant 640 : i32
    %mul3A_77 = arith.muli %arg1, %mul3A_76 : i32
    %mul3A_78 = arith.constant 640 : i32
    %mul3A_79 = arith.muli %arg1, %mul3A_78 : i32
    "tpu.region"() ({
      %run_scoped3A = tpu.sem_alloc : memref<!tpu.dma_semaphore, #tpu.memory_space<semaphore_mem>>
      %dma_start3A_80 = arith.constant 0 : i32
      %dma_start3A_81 = tpu.memref_slice %arg7[%arg0, %dma_start3A_80] : memref<2x10240xf32, #tpu.memory_space<hbm>> -> memref<1x10240xf32, #tpu.memory_space<hbm>>
      %dma_start3A_82 = tpu.memref_squeeze %dma_start3A_81 : memref<1x10240xf32, #tpu.memory_space<hbm>> -> memref<10240xf32, #tpu.memory_space<hbm>>
      %dma_start3A_83 = tpu.memref_slice %dma_start3A_82[%mul3A_79] : memref<10240xf32, #tpu.memory_space<hbm>> -> memref<640xf32, #tpu.memory_space<hbm>>
      %dma_start3A_84 = tpu.memref_slice %arg16[%mul3A_77] : memref<10240xf32, #tpu.memory_space<vmem_shared>> -> memref<640xf32, #tpu.memory_space<vmem_shared>>
      tpu.enqueue_dma source(%dma_start3A_84 : memref<640xf32, #tpu.memory_space<vmem_shared>>) target(%dma_start3A_83 : memref<640xf32, #tpu.memory_space<hbm>>) target_semaphore(%run_scoped3A : memref<!tpu.dma_semaphore, #tpu.memory_space<semaphore_mem>>)
      %dma_wait3A_85 = arith.constant 0 : i32
      %dma_wait3A_86 = tpu.memref_slice %arg7[%arg0, %dma_wait3A_85] : memref<2x10240xf32, #tpu.memory_space<hbm>> -> memref<1x10240xf32, #tpu.memory_space<hbm>>
      %dma_wait3A_87 = tpu.memref_squeeze %dma_wait3A_86 : memref<1x10240xf32, #tpu.memory_space<hbm>> -> memref<10240xf32, #tpu.memory_space<hbm>>
      %dma_wait3A_88 = tpu.memref_slice %dma_wait3A_87[%mul3A_79] : memref<10240xf32, #tpu.memory_space<hbm>> -> memref<640xf32, #tpu.memory_space<hbm>>
      %dma_wait3A_89 = tpu.memref_slice %arg16[%mul3A_77] : memref<10240xf32, #tpu.memory_space<vmem_shared>> -> memref<640xf32, #tpu.memory_space<vmem_shared>>
      tpu.wait_dma2 semaphore(%run_scoped3A : memref<!tpu.dma_semaphore, #tpu.memory_space<semaphore_mem>>) src(%dma_wait3A_89 : memref<640xf32, #tpu.memory_space<vmem_shared>>) dst(%dma_wait3A_88 : memref<640xf32, #tpu.memory_space<hbm>>)
      tpu.yield
    }) : () -> ()
    return
  }
}

module attributes {stable_mosaic.version = 14 : i64} {
  func.func @_tc1_body(%arg0: i32, %arg1: memref<512x1024xf32, #tpu.memory_space<vmem>>, %arg2: memref<1024x128xf32, #tpu.memory_space<vmem>>, %arg3: memref<1x128xf32, #tpu.memory_space<vmem>>, %arg4: memref<128x1xf32, #tpu.memory_space<vmem>>, %arg5: memref<1024x128xf32, #tpu.memory_space<vmem>>, %arg6: memref<1x128xf32, #tpu.memory_space<vmem>>, %arg7: memref<512x128xf32, #tpu.memory_space<vmem>>, %arg8: memref<512xf32, #tpu.memory_space<vmem>>, %arg9: memref<512x128xf32, #tpu.memory_space<vmem>>) attributes {dimension_semantics = [#tpu.dimension_semantics<arbitrary>], iteration_bounds = array<i64: 20>, scalar_prefetch = 0 : i64, scratch_operands = 0 : i64, tpu.core_type = #tpu.core_type<tc>, window_params = [{transform_indices = @transform_0, window_bounds = array<i64: 512, 1024>}, {pipeline_mode = #tpu.pipeline_mode<synchronous>, transform_indices = @transform_1, window_bounds = array<i64: 1024, 128>}, {pipeline_mode = #tpu.pipeline_mode<synchronous>, transform_indices = @transform_2, window_bounds = array<i64: 1, 128>}, {pipeline_mode = #tpu.pipeline_mode<synchronous>, transform_indices = @transform_3, window_bounds = array<i64: 128, 1>}, {pipeline_mode = #tpu.pipeline_mode<synchronous>, transform_indices = @transform_4, window_bounds = array<i64: 1024, 128>}, {pipeline_mode = #tpu.pipeline_mode<synchronous>, transform_indices = @transform_5, window_bounds = array<i64: 1, 128>}, {transform_indices = @transform_6, window_bounds = array<i64: 512, 128>}, {transform_indices = @transform_7, window_bounds = array<i64: 512>}, {transform_indices = @transform_8, window_bounds = array<i64: 512, 128>}]} {
    %get3A = arith.constant 0 : index
    %get3A_0 = arith.constant 0 : index
    %get3A_1 = vector.load %arg1[%get3A, %get3A_0] : memref<512x1024xf32, #tpu.memory_space<vmem>>, vector<512x1024xf32>
    %get3A_2 = arith.constant 0 : index
    %get3A_3 = arith.constant 0 : index
    %get3A_4 = vector.load %arg2[%get3A_2, %get3A_3] : memref<1024x128xf32, #tpu.memory_space<vmem>>, vector<1024x128xf32>
    %dot_general3A = arith.constant dense<0.000000e+00> : vector<512x128xf32>
    %dot_general3A_5 = tpu.matmul %get3A_1, %get3A_4, %dot_general3A {dimension_numbers = #tpu.dot_dimension_numbers<[1], [0], [0], [1], [0, 0, 1, 1], [], []>, transpose_lhs_hint = false} : vector<512x1024xf32>, vector<1024x128xf32>, vector<512x128xf32> -> vector<512x128xf32>
    %get3A_6 = arith.constant 0 : index
    %get3A_7 = arith.constant 0 : index
    %get3A_8 = vector.load %arg3[%get3A_6, %get3A_7] : memref<1x128xf32, #tpu.memory_space<vmem>>, vector<1x128xf32>
    %add3A = vector.broadcast %get3A_8 : vector<1x128xf32> to vector<512x128xf32>
    %add3A_9 = arith.addf %dot_general3A_5, %add3A : vector<512x128xf32>
    %get3A_10 = arith.constant 0 : index
    %get3A_11 = arith.constant 0 : index
    %get3A_12 = vector.load %arg4[%get3A_10, %get3A_11] : memref<128x1xf32, #tpu.memory_space<vmem>>, vector<128x1xf32>
    %dot_general3A_13 = arith.constant dense<0.000000e+00> : vector<512x1xf32>
    %dot_general3A_14 = tpu.matmul %add3A_9, %get3A_12, %dot_general3A_13 {dimension_numbers = #tpu.dot_dimension_numbers<[1], [0], [0], [1], [0, 0, 1, 1], [], []>, transpose_lhs_hint = false} : vector<512x128xf32>, vector<128x1xf32>, vector<512x1xf32> -> vector<512x1xf32>
    %gt3A = arith.constant 0.000000e+00 : f32
    %gt3A_15 = vector.broadcast %gt3A : f32 to vector<512x1xf32>
    %gt3A_16 = arith.cmpf ogt, %dot_general3A_14, %gt3A_15 : vector<512x1xf32>
    %mul3A = arith.constant 2.000000e-01 : f32
    %mul3A_17 = vector.broadcast %mul3A : f32 to vector<512x1xf32>
    %mul3A_18 = arith.mulf %mul3A_17, %dot_general3A_14 : vector<512x1xf32>
    %select_n3A = arith.select %gt3A_16, %dot_general3A_14, %mul3A_18 : vector<512x1xi1>, vector<512x1xf32>
    %exp3A = math.exp %select_n3A : vector<512x1xf32>
    %mul3A_19 = vector.broadcast %exp3A : vector<512x1xf32> to vector<512x128xf32>
    %mul3A_20 = arith.mulf %add3A_9, %mul3A_19 : vector<512x128xf32>
    %swap3A = arith.constant 0 : index
    %swap3A_21 = arith.constant 0 : index
    %swap3A_22 = vector.load %arg7[%swap3A, %swap3A_21] : memref<512x128xf32, #tpu.memory_space<vmem>>, vector<512x128xf32>
    tpu.vector_store %arg7[%swap3A, %swap3A_21], %mul3A_20 {strides = array<i32>} : memref<512x128xf32, #tpu.memory_space<vmem>>, vector<512x128xf32>,
    %squeeze3A = vector.shape_cast %exp3A : vector<512x1xf32> to vector<512xf32>
    %swap3A_23 = arith.constant 0 : index
    %swap3A_24 = vector.load %arg8[%swap3A_23] : memref<512xf32, #tpu.memory_space<vmem>>, vector<512xf32>
    tpu.vector_store %arg8[%swap3A_23], %squeeze3A {strides = array<i32>} : memref<512xf32, #tpu.memory_space<vmem>>, vector<512xf32>,
    %get3A_25 = arith.constant 0 : index
    %get3A_26 = arith.constant 0 : index
    %get3A_27 = vector.load %arg5[%get3A_25, %get3A_26] : memref<1024x128xf32, #tpu.memory_space<vmem>>, vector<1024x128xf32>
    %dot_general3A_28 = arith.constant dense<0.000000e+00> : vector<512x128xf32>
    %dot_general3A_29 = tpu.matmul %get3A_1, %get3A_27, %dot_general3A_28 {dimension_numbers = #tpu.dot_dimension_numbers<[1], [0], [0], [1], [0, 0, 1, 1], [], []>, transpose_lhs_hint = false} : vector<512x1024xf32>, vector<1024x128xf32>, vector<512x128xf32> -> vector<512x128xf32>
    %get3A_30 = arith.constant 0 : index
    %get3A_31 = arith.constant 0 : index
    %get3A_32 = vector.load %arg6[%get3A_30, %get3A_31] : memref<1x128xf32, #tpu.memory_space<vmem>>, vector<1x128xf32>
    %add3A_33 = vector.broadcast %get3A_32 : vector<1x128xf32> to vector<512x128xf32>
    %add3A_34 = arith.addf %dot_general3A_29, %add3A_33 : vector<512x128xf32>
    %swap3A_35 = arith.constant 0 : index
    %swap3A_36 = arith.constant 0 : index
    %swap3A_37 = vector.load %arg9[%swap3A_35, %swap3A_36] : memref<512x128xf32, #tpu.memory_space<vmem>>, vector<512x128xf32>
    tpu.vector_store %arg9[%swap3A_35, %swap3A_36], %add3A_34 {strides = array<i32>} : memref<512x128xf32, #tpu.memory_space<vmem>>, vector<512x128xf32>,
    return
  }
  func.func @transform_0(%arg0: i32) -> (i32, i32) {
    %c0_i32 = arith.constant 0 : i32
    %c0_i32_0 = arith.constant 0 : i32
    return %arg0, %c0_i32 : i32, i32
  }
  func.func @transform_1(%arg0: i32) -> (i32, i32) {
    %c0_i32 = arith.constant 0 : i32
    %c0_i32_0 = arith.constant 0 : i32
    %c0_i32_1 = arith.constant 0 : i32
    return %c0_i32, %c0_i32_0 : i32, i32
  }
  func.func @transform_2(%arg0: i32) -> (i32, i32) {
    %c0_i32 = arith.constant 0 : i32
    %c0_i32_0 = arith.constant 0 : i32
    %c0_i32_1 = arith.constant 0 : i32
    return %c0_i32, %c0_i32_0 : i32, i32
  }
  func.func @transform_3(%arg0: i32) -> (i32, i32) {
    %c0_i32 = arith.constant 0 : i32
    %c0_i32_0 = arith.constant 0 : i32
    %c0_i32_1 = arith.constant 0 : i32
    return %c0_i32, %c0_i32_0 : i32, i32
  }
  func.func @transform_4(%arg0: i32) -> (i32, i32) {
    %c0_i32 = arith.constant 0 : i32
    %c0_i32_0 = arith.constant 0 : i32
    %c0_i32_1 = arith.constant 0 : i32
    return %c0_i32, %c0_i32_0 : i32, i32
  }
  func.func @transform_5(%arg0: i32) -> (i32, i32) {
    %c0_i32 = arith.constant 0 : i32
    %c0_i32_0 = arith.constant 0 : i32
    %c0_i32_1 = arith.constant 0 : i32
    return %c0_i32, %c0_i32_0 : i32, i32
  }
  func.func @transform_6(%arg0: i32) -> (i32, i32) {
    %c0_i32 = arith.constant 0 : i32
    %c0_i32_0 = arith.constant 0 : i32
    return %arg0, %c0_i32 : i32, i32
  }
  func.func @transform_7(%arg0: i32) -> i32 {
    %c0_i32 = arith.constant 0 : i32
    return %arg0 : i32
  }
  func.func @transform_8(%arg0: i32) -> (i32, i32) {
    %c0_i32 = arith.constant 0 : i32
    %c0_i32_0 = arith.constant 0 : i32
    return %arg0, %c0_i32 : i32, i32
  }
}

module attributes {stable_mosaic.version = 14 : i64} {
  func.func @_tc2_body(%arg0: i32, %arg1: memref<2x512x128xf32, #tpu.memory_space<vmem>>, %arg2: memref<2x512xf32, #tpu.memory_space<vmem>>, %arg3: memref<512x128xf32, #tpu.memory_space<vmem>>, %arg4: memref<128x128xf32, #tpu.memory_space<vmem>>, %arg5: memref<1x128xf32, #tpu.memory_space<vmem>>, %arg6: memref<128x1xf32, #tpu.memory_space<vmem>>, %arg7: memref<512x128xf32, #tpu.memory_space<vmem>>, %arg8: memref<512x128xf32, #tpu.memory_space<vmem>>, %arg9: memref<512xf32, #tpu.memory_space<vmem>>) attributes {dimension_semantics = [#tpu.dimension_semantics<arbitrary>], iteration_bounds = array<i64: 20>, scalar_prefetch = 0 : i64, scratch_operands = 0 : i64, tpu.core_type = #tpu.core_type<tc>, window_params = [{transform_indices = @transform_0, window_bounds = array<i64: 2, 512, 128>}, {transform_indices = @transform_1, window_bounds = array<i64: 2, 512>}, {transform_indices = @transform_2, window_bounds = array<i64: 512, 128>}, {pipeline_mode = #tpu.pipeline_mode<synchronous>, transform_indices = @transform_3, window_bounds = array<i64: 128, 128>}, {pipeline_mode = #tpu.pipeline_mode<synchronous>, transform_indices = @transform_4, window_bounds = array<i64: 1, 128>}, {pipeline_mode = #tpu.pipeline_mode<synchronous>, transform_indices = @transform_5, window_bounds = array<i64: 128, 1>}, {transform_indices = @transform_6, window_bounds = array<i64: 512, 128>}, {transform_indices = @transform_7, window_bounds = array<i64: 512, 128>}, {transform_indices = @transform_8, window_bounds = array<i64: 512>}]} {
    %get3A = arith.constant 0 : index
    %get3A_0 = arith.constant 0 : index
    %get3A_1 = vector.load %arg2[%get3A, %get3A_0] : memref<2x512xf32, #tpu.memory_space<vmem>>, vector<2x512xf32>
    %reduce_sum3A = arith.constant dense<0.000000e+00> : vector<512xf32>
    %reduce_sum3A_2 = vector.multi_reduction <add>, %get3A_1, %reduce_sum3A [0] : vector<2x512xf32> to vector<512xf32>
    %broadcast_in_dim3A = vector.shape_cast %reduce_sum3A_2 : vector<512xf32> to vector<512x1xf32>
    %get3A_3 = arith.constant 0 : index
    %get3A_4 = arith.constant 0 : index
    %get3A_5 = arith.constant 0 : index
    %get3A_6 = vector.load %arg1[%get3A_3, %get3A_4, %get3A_5] : memref<2x512x128xf32, #tpu.memory_space<vmem>>, vector<2x512x128xf32>
    %get3A_7 = arith.constant 0 : index
    %get3A_8 = arith.constant 0 : index
    %get3A_9 = vector.load %arg3[%get3A_7, %get3A_8] : memref<512x128xf32, #tpu.memory_space<vmem>>, vector<512x128xf32>
    %slice3A = vector.extract_strided_slice %get3A_6 {offsets = [0, 0, 0], sizes = [1, 512, 128], strides = [1, 1, 1]} : vector<2x512x128xf32> to vector<1x512x128xf32>
    %squeeze3A = vector.shape_cast %slice3A : vector<1x512x128xf32> to vector<512x128xf32>
    %slice3A_10 = vector.extract_strided_slice %get3A_6 {offsets = [1, 0, 0], sizes = [1, 512, 128], strides = [1, 1, 1]} : vector<2x512x128xf32> to vector<1x512x128xf32>
    %squeeze3A_11 = vector.shape_cast %slice3A_10 : vector<1x512x128xf32> to vector<512x128xf32>
    %add3A = arith.addf %squeeze3A, %squeeze3A_11 : vector<512x128xf32>
    %add3A_12 = arith.constant 1.000000e-16 : f32
    %add3A_13 = vector.broadcast %add3A_12 : f32 to vector<512x1xf32>
    %add3A_14 = arith.addf %broadcast_in_dim3A, %add3A_13 : vector<512x1xf32>
    %div3A = vector.broadcast %add3A_14 : vector<512x1xf32> to vector<512x128xf32>
    %div3A_15 = arith.divf %add3A, %div3A : vector<512x128xf32>
    %add3A_16 = arith.addf %div3A_15, %get3A_9 : vector<512x128xf32>
    %mul3A = arith.mulf %add3A_16, %add3A_16 : vector<512x128xf32>
    %reduce_sum3A_17 = arith.constant dense<0.000000e+00> : vector<512xf32>
    %reduce_sum3A_18 = vector.multi_reduction <add>, %mul3A, %reduce_sum3A_17 [1] : vector<512x128xf32> to vector<512xf32>
    %broadcast_in_dim3A_19 = vector.shape_cast %reduce_sum3A_18 : vector<512xf32> to vector<512x1xf32>
    %sqrt3A = math.sqrt %broadcast_in_dim3A_19 : vector<512x1xf32>
    %max3A = arith.constant 9.99999996E-13 : f32
    %max3A_20 = vector.broadcast %max3A : f32 to vector<512x1xf32>
    %max3A_21 = arith.maximumf %sqrt3A, %max3A_20 : vector<512x1xf32>
    %div3A_22 = vector.broadcast %max3A_21 : vector<512x1xf32> to vector<512x128xf32>
    %div3A_23 = arith.divf %add3A_16, %div3A_22 : vector<512x128xf32>
    %max3A_24 = arith.constant 0.000000e+00 : f32
    %max3A_25 = vector.broadcast %max3A_24 : f32 to vector<512x128xf32>
    %max3A_26 = arith.maximumf %div3A_23, %max3A_25 : vector<512x128xf32>
    %swap3A = arith.constant 0 : index
    %swap3A_27 = arith.constant 0 : index
    %swap3A_28 = vector.load %arg7[%swap3A, %swap3A_27] : memref<512x128xf32, #tpu.memory_space<vmem>>, vector<512x128xf32>
    tpu.vector_store %arg7[%swap3A, %swap3A_27], %max3A_26 {strides = array<i32>} : memref<512x128xf32, #tpu.memory_space<vmem>>, vector<512x128xf32>,
    %get3A_29 = arith.constant 0 : index
    %get3A_30 = arith.constant 0 : index
    %get3A_31 = vector.load %arg4[%get3A_29, %get3A_30] : memref<128x128xf32, #tpu.memory_space<vmem>>, vector<128x128xf32>
    %dot_general3A = arith.constant dense<0.000000e+00> : vector<512x128xf32>
    %dot_general3A_32 = tpu.matmul %max3A_26, %get3A_31, %dot_general3A {dimension_numbers = #tpu.dot_dimension_numbers<[1], [0], [0], [1], [0, 0, 1, 1], [], []>, transpose_lhs_hint = false} : vector<512x128xf32>, vector<128x128xf32>, vector<512x128xf32> -> vector<512x128xf32>
    %get3A_33 = arith.constant 0 : index
    %get3A_34 = arith.constant 0 : index
    %get3A_35 = vector.load %arg5[%get3A_33, %get3A_34] : memref<1x128xf32, #tpu.memory_space<vmem>>, vector<1x128xf32>
    %add3A_36 = vector.broadcast %get3A_35 : vector<1x128xf32> to vector<512x128xf32>
    %add3A_37 = arith.addf %dot_general3A_32, %add3A_36 : vector<512x128xf32>
    %get3A_38 = arith.constant 0 : index
    %get3A_39 = arith.constant 0 : index
    %get3A_40 = vector.load %arg6[%get3A_38, %get3A_39] : memref<128x1xf32, #tpu.memory_space<vmem>>, vector<128x1xf32>
    %dot_general3A_41 = arith.constant dense<0.000000e+00> : vector<512x1xf32>
    %dot_general3A_42 = tpu.matmul %add3A_37, %get3A_40, %dot_general3A_41 {dimension_numbers = #tpu.dot_dimension_numbers<[1], [0], [0], [1], [0, 0, 1, 1], [], []>, transpose_lhs_hint = false} : vector<512x128xf32>, vector<128x1xf32>, vector<512x1xf32> -> vector<512x1xf32>
    %gt3A = arith.constant 0.000000e+00 : f32
    %gt3A_43 = vector.broadcast %gt3A : f32 to vector<512x1xf32>
    %gt3A_44 = arith.cmpf ogt, %dot_general3A_42, %gt3A_43 : vector<512x1xf32>
    %mul3A_45 = arith.constant 2.000000e-01 : f32
    %mul3A_46 = vector.broadcast %mul3A_45 : f32 to vector<512x1xf32>
    %mul3A_47 = arith.mulf %mul3A_46, %dot_general3A_42 : vector<512x1xf32>
    %select_n3A = arith.select %gt3A_44, %dot_general3A_42, %mul3A_47 : vector<512x1xi1>, vector<512x1xf32>
    %exp3A = math.exp %select_n3A : vector<512x1xf32>
    %mul3A_48 = vector.broadcast %exp3A : vector<512x1xf32> to vector<512x128xf32>
    %mul3A_49 = arith.mulf %add3A_37, %mul3A_48 : vector<512x128xf32>
    %swap3A_50 = arith.constant 0 : index
    %swap3A_51 = arith.constant 0 : index
    %swap3A_52 = vector.load %arg8[%swap3A_50, %swap3A_51] : memref<512x128xf32, #tpu.memory_space<vmem>>, vector<512x128xf32>
    tpu.vector_store %arg8[%swap3A_50, %swap3A_51], %mul3A_49 {strides = array<i32>} : memref<512x128xf32, #tpu.memory_space<vmem>>, vector<512x128xf32>,
    %squeeze3A_53 = vector.shape_cast %exp3A : vector<512x1xf32> to vector<512xf32>
    %swap3A_54 = arith.constant 0 : index
    %swap3A_55 = vector.load %arg9[%swap3A_54] : memref<512xf32, #tpu.memory_space<vmem>>, vector<512xf32>
    tpu.vector_store %arg9[%swap3A_54], %squeeze3A_53 {strides = array<i32>} : memref<512xf32, #tpu.memory_space<vmem>>, vector<512xf32>,
    return
  }
  func.func @transform_0(%arg0: i32) -> (i32, i32, i32) {
    %c0_i32 = arith.constant 0 : i32
    %c0_i32_0 = arith.constant 0 : i32
    %c0_i32_1 = arith.constant 0 : i32
    return %c0_i32, %arg0, %c0_i32_0 : i32, i32, i32
  }
  func.func @transform_1(%arg0: i32) -> (i32, i32) {
    %c0_i32 = arith.constant 0 : i32
    %c0_i32_0 = arith.constant 0 : i32
    return %c0_i32, %arg0 : i32, i32
  }
  func.func @transform_2(%arg0: i32) -> (i32, i32) {
    %c0_i32 = arith.constant 0 : i32
    %c0_i32_0 = arith.constant 0 : i32
    return %arg0, %c0_i32 : i32, i32
  }
  func.func @transform_3(%arg0: i32) -> (i32, i32) {
    %c0_i32 = arith.constant 0 : i32
    %c0_i32_0 = arith.constant 0 : i32
    %c0_i32_1 = arith.constant 0 : i32
    return %c0_i32, %c0_i32_0 : i32, i32
  }
  func.func @transform_4(%arg0: i32) -> (i32, i32) {
    %c0_i32 = arith.constant 0 : i32
    %c0_i32_0 = arith.constant 0 : i32
    %c0_i32_1 = arith.constant 0 : i32
    return %c0_i32, %c0_i32_0 : i32, i32
  }
  func.func @transform_5(%arg0: i32) -> (i32, i32) {
    %c0_i32 = arith.constant 0 : i32
    %c0_i32_0 = arith.constant 0 : i32
    %c0_i32_1 = arith.constant 0 : i32
    return %c0_i32, %c0_i32_0 : i32, i32
  }
  func.func @transform_6(%arg0: i32) -> (i32, i32) {
    %c0_i32 = arith.constant 0 : i32
    %c0_i32_0 = arith.constant 0 : i32
    return %arg0, %c0_i32 : i32, i32
  }
  func.func @transform_7(%arg0: i32) -> (i32, i32) {
    %c0_i32 = arith.constant 0 : i32
    %c0_i32_0 = arith.constant 0 : i32
    return %arg0, %c0_i32 : i32, i32
  }
  func.func @transform_8(%arg0: i32) -> i32 {
    %c0_i32 = arith.constant 0 : i32
    return %arg0 : i32
  }
}

module attributes {stable_mosaic.version = 14 : i64} {
  func.func @_tc3_body(%arg0: i32, %arg1: memref<2x512x128xf32, #tpu.memory_space<vmem>>, %arg2: memref<2x512xf32, #tpu.memory_space<vmem>>, %arg3: memref<512x128xf32, #tpu.memory_space<vmem>>, %arg4: memref<128x128xf32, #tpu.memory_space<vmem>>, %arg5: memref<1x128xf32, #tpu.memory_space<vmem>>, %arg6: memref<128x1xf32, #tpu.memory_space<vmem>>, %arg7: memref<128x16xf32, #tpu.memory_space<vmem>>, %arg8: memref<1x16xf32, #tpu.memory_space<vmem>>, %arg9: memref<512x128xf32, #tpu.memory_space<vmem>>, %arg10: memref<512xf32, #tpu.memory_space<vmem>>, %arg11: memref<512x16xf32, #tpu.memory_space<vmem>>) attributes {dimension_semantics = [#tpu.dimension_semantics<arbitrary>], iteration_bounds = array<i64: 20>, scalar_prefetch = 0 : i64, scratch_operands = 0 : i64, tpu.core_type = #tpu.core_type<tc>, window_params = [{transform_indices = @transform_0, window_bounds = array<i64: 2, 512, 128>}, {transform_indices = @transform_1, window_bounds = array<i64: 2, 512>}, {transform_indices = @transform_2, window_bounds = array<i64: 512, 128>}, {pipeline_mode = #tpu.pipeline_mode<synchronous>, transform_indices = @transform_3, window_bounds = array<i64: 128, 128>}, {pipeline_mode = #tpu.pipeline_mode<synchronous>, transform_indices = @transform_4, window_bounds = array<i64: 1, 128>}, {pipeline_mode = #tpu.pipeline_mode<synchronous>, transform_indices = @transform_5, window_bounds = array<i64: 128, 1>}, {pipeline_mode = #tpu.pipeline_mode<synchronous>, transform_indices = @transform_6, window_bounds = array<i64: 128, 16>}, {pipeline_mode = #tpu.pipeline_mode<synchronous>, transform_indices = @transform_7, window_bounds = array<i64: 1, 16>}, {transform_indices = @transform_8, window_bounds = array<i64: 512, 128>}, {transform_indices = @transform_9, window_bounds = array<i64: 512>}, {transform_indices = @transform_10, window_bounds = array<i64: 512, 16>}]} {
    %get3A = arith.constant 0 : index
    %get3A_0 = arith.constant 0 : index
    %get3A_1 = vector.load %arg2[%get3A, %get3A_0] : memref<2x512xf32, #tpu.memory_space<vmem>>, vector<2x512xf32>
    %reduce_sum3A = arith.constant dense<0.000000e+00> : vector<512xf32>
    %reduce_sum3A_2 = vector.multi_reduction <add>, %get3A_1, %reduce_sum3A [0] : vector<2x512xf32> to vector<512xf32>
    %broadcast_in_dim3A = vector.shape_cast %reduce_sum3A_2 : vector<512xf32> to vector<512x1xf32>
    %get3A_3 = arith.constant 0 : index
    %get3A_4 = arith.constant 0 : index
    %get3A_5 = arith.constant 0 : index
    %get3A_6 = vector.load %arg1[%get3A_3, %get3A_4, %get3A_5] : memref<2x512x128xf32, #tpu.memory_space<vmem>>, vector<2x512x128xf32>
    %get3A_7 = arith.constant 0 : index
    %get3A_8 = arith.constant 0 : index
    %get3A_9 = vector.load %arg3[%get3A_7, %get3A_8] : memref<512x128xf32, #tpu.memory_space<vmem>>, vector<512x128xf32>
    %slice3A = vector.extract_strided_slice %get3A_6 {offsets = [0, 0, 0], sizes = [1, 512, 128], strides = [1, 1, 1]} : vector<2x512x128xf32> to vector<1x512x128xf32>
    %squeeze3A = vector.shape_cast %slice3A : vector<1x512x128xf32> to vector<512x128xf32>
    %slice3A_10 = vector.extract_strided_slice %get3A_6 {offsets = [1, 0, 0], sizes = [1, 512, 128], strides = [1, 1, 1]} : vector<2x512x128xf32> to vector<1x512x128xf32>
    %squeeze3A_11 = vector.shape_cast %slice3A_10 : vector<1x512x128xf32> to vector<512x128xf32>
    %add3A = arith.addf %squeeze3A, %squeeze3A_11 : vector<512x128xf32>
    %add3A_12 = arith.constant 1.000000e-16 : f32
    %add3A_13 = vector.broadcast %add3A_12 : f32 to vector<512x1xf32>
    %add3A_14 = arith.addf %broadcast_in_dim3A, %add3A_13 : vector<512x1xf32>
    %div3A = vector.broadcast %add3A_14 : vector<512x1xf32> to vector<512x128xf32>
    %div3A_15 = arith.divf %add3A, %div3A : vector<512x128xf32>
    %add3A_16 = arith.addf %div3A_15, %get3A_9 : vector<512x128xf32>
    %mul3A = arith.mulf %add3A_16, %add3A_16 : vector<512x128xf32>
    %reduce_sum3A_17 = arith.constant dense<0.000000e+00> : vector<512xf32>
    %reduce_sum3A_18 = vector.multi_reduction <add>, %mul3A, %reduce_sum3A_17 [1] : vector<512x128xf32> to vector<512xf32>
    %broadcast_in_dim3A_19 = vector.shape_cast %reduce_sum3A_18 : vector<512xf32> to vector<512x1xf32>
    %sqrt3A = math.sqrt %broadcast_in_dim3A_19 : vector<512x1xf32>
    %max3A = arith.constant 9.99999996E-13 : f32
    %max3A_20 = vector.broadcast %max3A : f32 to vector<512x1xf32>
    %max3A_21 = arith.maximumf %sqrt3A, %max3A_20 : vector<512x1xf32>
    %div3A_22 = vector.broadcast %max3A_21 : vector<512x1xf32> to vector<512x128xf32>
    %div3A_23 = arith.divf %add3A_16, %div3A_22 : vector<512x128xf32>
    %max3A_24 = arith.constant 0.000000e+00 : f32
    %max3A_25 = vector.broadcast %max3A_24 : f32 to vector<512x128xf32>
    %max3A_26 = arith.maximumf %div3A_23, %max3A_25 : vector<512x128xf32>
    %get3A_27 = arith.constant 0 : index
    %get3A_28 = arith.constant 0 : index
    %get3A_29 = vector.load %arg4[%get3A_27, %get3A_28] : memref<128x128xf32, #tpu.memory_space<vmem>>, vector<128x128xf32>
    %dot_general3A = arith.constant dense<0.000000e+00> : vector<512x128xf32>
    %dot_general3A_30 = tpu.matmul %max3A_26, %get3A_29, %dot_general3A {dimension_numbers = #tpu.dot_dimension_numbers<[1], [0], [0], [1], [0, 0, 1, 1], [], []>, transpose_lhs_hint = false} : vector<512x128xf32>, vector<128x128xf32>, vector<512x128xf32> -> vector<512x128xf32>
    %get3A_31 = arith.constant 0 : index
    %get3A_32 = arith.constant 0 : index
    %get3A_33 = vector.load %arg5[%get3A_31, %get3A_32] : memref<1x128xf32, #tpu.memory_space<vmem>>, vector<1x128xf32>
    %add3A_34 = vector.broadcast %get3A_33 : vector<1x128xf32> to vector<512x128xf32>
    %add3A_35 = arith.addf %dot_general3A_30, %add3A_34 : vector<512x128xf32>
    %get3A_36 = arith.constant 0 : index
    %get3A_37 = arith.constant 0 : index
    %get3A_38 = vector.load %arg6[%get3A_36, %get3A_37] : memref<128x1xf32, #tpu.memory_space<vmem>>, vector<128x1xf32>
    %dot_general3A_39 = arith.constant dense<0.000000e+00> : vector<512x1xf32>
    %dot_general3A_40 = tpu.matmul %add3A_35, %get3A_38, %dot_general3A_39 {dimension_numbers = #tpu.dot_dimension_numbers<[1], [0], [0], [1], [0, 0, 1, 1], [], []>, transpose_lhs_hint = false} : vector<512x128xf32>, vector<128x1xf32>, vector<512x1xf32> -> vector<512x1xf32>
    %gt3A = arith.constant 0.000000e+00 : f32
    %gt3A_41 = vector.broadcast %gt3A : f32 to vector<512x1xf32>
    %gt3A_42 = arith.cmpf ogt, %dot_general3A_40, %gt3A_41 : vector<512x1xf32>
    %mul3A_43 = arith.constant 2.000000e-01 : f32
    %mul3A_44 = vector.broadcast %mul3A_43 : f32 to vector<512x1xf32>
    %mul3A_45 = arith.mulf %mul3A_44, %dot_general3A_40 : vector<512x1xf32>
    %select_n3A = arith.select %gt3A_42, %dot_general3A_40, %mul3A_45 : vector<512x1xi1>, vector<512x1xf32>
    %exp3A = math.exp %select_n3A : vector<512x1xf32>
    %mul3A_46 = vector.broadcast %exp3A : vector<512x1xf32> to vector<512x128xf32>
    %mul3A_47 = arith.mulf %add3A_35, %mul3A_46 : vector<512x128xf32>
    %iota3A = tpu.iota {dimensions = array<i32: 1>} : vector<512x128xi32>
    %eq3A = arith.constant 9 : i32
    %eq3A_48 = vector.broadcast %eq3A : i32 to vector<512x128xi32>
    %eq3A_49 = arith.cmpi eq, %iota3A, %eq3A_48 : vector<512x128xi32>
    %jit3A = arith.constant 0.000000e+00 : f32
    %broadcast_in_dim3A_50 = vector.shape_cast %exp3A : vector<512x1xf32> to vector<512x1xf32>
    %broadcast_in_dim3A_51 = vector.broadcast %broadcast_in_dim3A_50 : vector<512x1xf32> to vector<512x128xf32>
    %broadcast_in_dim3A_52 = vector.broadcast %jit3A : f32 to vector<512x128xf32>
    %select_n3A_53 = arith.select %eq3A_49, %broadcast_in_dim3A_51, %broadcast_in_dim3A_52 : vector<512x128xi1>, vector<512x128xf32>
    %add3A_54 = arith.addf %mul3A_47, %select_n3A_53 : vector<512x128xf32>
    %swap3A = arith.constant 0 : index
    %swap3A_55 = arith.constant 0 : index
    %swap3A_56 = vector.load %arg9[%swap3A, %swap3A_55] : memref<512x128xf32, #tpu.memory_space<vmem>>, vector<512x128xf32>
    tpu.vector_store %arg9[%swap3A, %swap3A_55], %add3A_54 {strides = array<i32>} : memref<512x128xf32, #tpu.memory_space<vmem>>, vector<512x128xf32>,
    %squeeze3A_57 = vector.shape_cast %exp3A : vector<512x1xf32> to vector<512xf32>
    %swap3A_58 = arith.constant 0 : index
    %swap3A_59 = vector.load %arg10[%swap3A_58] : memref<512xf32, #tpu.memory_space<vmem>>, vector<512xf32>
    tpu.vector_store %arg10[%swap3A_58], %squeeze3A_57 {strides = array<i32>} : memref<512xf32, #tpu.memory_space<vmem>>, vector<512xf32>,
    %get3A_60 = arith.constant 0 : index
    %get3A_61 = arith.constant 0 : index
    %get3A_62 = vector.load %arg7[%get3A_60, %get3A_61] : memref<128x16xf32, #tpu.memory_space<vmem>>, vector<128x16xf32>
    %dot_general3A_63 = arith.constant dense<0.000000e+00> : vector<512x16xf32>
    %dot_general3A_64 = tpu.matmul %max3A_26, %get3A_62, %dot_general3A_63 {dimension_numbers = #tpu.dot_dimension_numbers<[1], [0], [0], [1], [0, 0, 1, 1], [], []>, transpose_lhs_hint = false} : vector<512x128xf32>, vector<128x16xf32>, vector<512x16xf32> -> vector<512x16xf32>
    %get3A_65 = arith.constant 0 : index
    %get3A_66 = arith.constant 0 : index
    %get3A_67 = vector.load %arg8[%get3A_65, %get3A_66] : memref<1x16xf32, #tpu.memory_space<vmem>>, vector<1x16xf32>
    %add3A_68 = vector.broadcast %get3A_67 : vector<1x16xf32> to vector<512x16xf32>
    %add3A_69 = arith.addf %dot_general3A_64, %add3A_68 : vector<512x16xf32>
    %swap3A_70 = arith.constant 0 : index
    %swap3A_71 = arith.constant 0 : index
    %swap3A_72 = vector.load %arg11[%swap3A_70, %swap3A_71] : memref<512x16xf32, #tpu.memory_space<vmem>>, vector<512x16xf32>
    tpu.vector_store %arg11[%swap3A_70, %swap3A_71], %add3A_69 {strides = array<i32>} : memref<512x16xf32, #tpu.memory_space<vmem>>, vector<512x16xf32>,
    return
  }
  func.func @transform_0(%arg0: i32) -> (i32, i32, i32) {
    %c0_i32 = arith.constant 0 : i32
    %c0_i32_0 = arith.constant 0 : i32
    %c0_i32_1 = arith.constant 0 : i32
    return %c0_i32, %arg0, %c0_i32_0 : i32, i32, i32
  }
  func.func @transform_1(%arg0: i32) -> (i32, i32) {
    %c0_i32 = arith.constant 0 : i32
    %c0_i32_0 = arith.constant 0 : i32
    return %c0_i32, %arg0 : i32, i32
  }
  func.func @transform_2(%arg0: i32) -> (i32, i32) {
    %c0_i32 = arith.constant 0 : i32
    %c0_i32_0 = arith.constant 0 : i32
    return %arg0, %c0_i32 : i32, i32
  }
  func.func @transform_3(%arg0: i32) -> (i32, i32) {
    %c0_i32 = arith.constant 0 : i32
    %c0_i32_0 = arith.constant 0 : i32
    %c0_i32_1 = arith.constant 0 : i32
    return %c0_i32, %c0_i32_0 : i32, i32
  }
  func.func @transform_4(%arg0: i32) -> (i32, i32) {
    %c0_i32 = arith.constant 0 : i32
    %c0_i32_0 = arith.constant 0 : i32
    %c0_i32_1 = arith.constant 0 : i32
    return %c0_i32, %c0_i32_0 : i32, i32
  }
  func.func @transform_5(%arg0: i32) -> (i32, i32) {
    %c0_i32 = arith.constant 0 : i32
    %c0_i32_0 = arith.constant 0 : i32
    %c0_i32_1 = arith.constant 0 : i32
    return %c0_i32, %c0_i32_0 : i32, i32
  }
  func.func @transform_6(%arg0: i32) -> (i32, i32) {
    %c0_i32 = arith.constant 0 : i32
    %c0_i32_0 = arith.constant 0 : i32
    %c0_i32_1 = arith.constant 0 : i32
    return %c0_i32, %c0_i32_0 : i32, i32
  }
  func.func @transform_7(%arg0: i32) -> (i32, i32) {
    %c0_i32 = arith.constant 0 : i32
    %c0_i32_0 = arith.constant 0 : i32
    %c0_i32_1 = arith.constant 0 : i32
    return %c0_i32, %c0_i32_0 : i32, i32
  }
  func.func @transform_8(%arg0: i32) -> (i32, i32) {
    %c0_i32 = arith.constant 0 : i32
    %c0_i32_0 = arith.constant 0 : i32
    return %arg0, %c0_i32 : i32, i32
  }
  func.func @transform_9(%arg0: i32) -> i32 {
    %c0_i32 = arith.constant 0 : i32
    return %arg0 : i32
  }
  func.func @transform_10(%arg0: i32) -> (i32, i32) {
    %c0_i32 = arith.constant 0 : i32
    %c0_i32_0 = arith.constant 0 : i32
    return %arg0, %c0_i32 : i32, i32
  }
}

module attributes {stable_mosaic.version = 14 : i64} {
  func.func @_tc4_body(%arg0: i32, %arg1: memref<2x512x128xf32, #tpu.memory_space<vmem>>, %arg2: memref<512x16xf32, #tpu.memory_space<vmem>>, %arg3: memref<512x16xf32, #tpu.memory_space<vmem>>) attributes {dimension_semantics = [#tpu.dimension_semantics<arbitrary>], iteration_bounds = array<i64: 20>, scalar_prefetch = 0 : i64, scratch_operands = 0 : i64, tpu.core_type = #tpu.core_type<tc>, window_params = [{transform_indices = @transform_0, window_bounds = array<i64: 2, 512, 128>}, {transform_indices = @transform_1, window_bounds = array<i64: 512, 16>}, {transform_indices = @transform_2, window_bounds = array<i64: 512, 16>}]} {
    %get3A = arith.constant 0 : index
    %get3A_0 = arith.constant 0 : index
    %get3A_1 = arith.constant 0 : index
    %get3A_2 = vector.load %arg1[%get3A, %get3A_0, %get3A_1] : memref<2x512x128xf32, #tpu.memory_space<vmem>>, vector<2x512x128xf32>
    %slice3A = vector.extract_strided_slice %get3A_2 {offsets = [0, 0, 0], sizes = [1, 512, 9], strides = [1, 1, 1]} : vector<2x512x128xf32> to vector<1x512x9xf32>
    %squeeze3A = vector.shape_cast %slice3A : vector<1x512x9xf32> to vector<512x9xf32>
    %slice3A_3 = vector.extract_strided_slice %get3A_2 {offsets = [1, 0, 0], sizes = [1, 512, 9], strides = [1, 1, 1]} : vector<2x512x128xf32> to vector<1x512x9xf32>
    %squeeze3A_4 = vector.shape_cast %slice3A_3 : vector<1x512x9xf32> to vector<512x9xf32>
    %add3A = arith.addf %squeeze3A, %squeeze3A_4 : vector<512x9xf32>
    %slice3A_5 = vector.extract_strided_slice %get3A_2 {offsets = [0, 0, 9], sizes = [1, 512, 1], strides = [1, 1, 1]} : vector<2x512x128xf32> to vector<1x512x1xf32>
    %squeeze3A_6 = vector.shape_cast %slice3A_5 : vector<1x512x1xf32> to vector<512xf32>
    %slice3A_7 = vector.extract_strided_slice %get3A_2 {offsets = [1, 0, 9], sizes = [1, 512, 1], strides = [1, 1, 1]} : vector<2x512x128xf32> to vector<1x512x1xf32>
    %squeeze3A_8 = vector.shape_cast %slice3A_7 : vector<1x512x1xf32> to vector<512xf32>
    %add3A_9 = arith.addf %squeeze3A_6, %squeeze3A_8 : vector<512xf32>
    %broadcast_in_dim3A = vector.shape_cast %add3A_9 : vector<512xf32> to vector<512x1xf32>
    %add3A_10 = arith.constant 1.000000e-16 : f32
    %add3A_11 = vector.broadcast %add3A_10 : f32 to vector<512x1xf32>
    %add3A_12 = arith.addf %broadcast_in_dim3A, %add3A_11 : vector<512x1xf32>
    %div3A = vector.broadcast %add3A_12 : vector<512x1xf32> to vector<512x9xf32>
    %div3A_13 = arith.divf %add3A, %div3A : vector<512x9xf32>
    %get3A_14 = arith.constant 0 : index
    %get3A_15 = arith.constant 0 : index
    %get3A_16 = vector.load %arg2[%get3A_14, %get3A_15] : memref<512x16xf32, #tpu.memory_space<vmem>>, vector<512x9xf32>
    %add3A_17 = arith.addf %div3A_13, %get3A_16 : vector<512x9xf32>
    %mul3A = arith.mulf %add3A_17, %add3A_17 : vector<512x9xf32>
    %reduce_sum3A = arith.constant dense<0.000000e+00> : vector<512xf32>
    %reduce_sum3A_18 = vector.multi_reduction <add>, %mul3A, %reduce_sum3A [1] : vector<512x9xf32> to vector<512xf32>
    %broadcast_in_dim3A_19 = vector.shape_cast %reduce_sum3A_18 : vector<512xf32> to vector<512x1xf32>
    %sqrt3A = math.sqrt %broadcast_in_dim3A_19 : vector<512x1xf32>
    %max3A = arith.constant 9.99999996E-13 : f32
    %max3A_20 = vector.broadcast %max3A : f32 to vector<512x1xf32>
    %max3A_21 = arith.maximumf %sqrt3A, %max3A_20 : vector<512x1xf32>
    %div3A_22 = vector.broadcast %max3A_21 : vector<512x1xf32> to vector<512x9xf32>
    %div3A_23 = arith.divf %add3A_17, %div3A_22 : vector<512x9xf32>
    %iota3A = tpu.iota {dimensions = array<i32: 1>} : vector<512x16xi32>
    %lt3A = arith.constant 9 : i32
    %lt3A_24 = vector.broadcast %lt3A : i32 to vector<512x16xi32>
    %lt3A_25 = arith.cmpi slt, %iota3A, %lt3A_24 : vector<512x16xi32>
    %jit3A = arith.constant 0 : i32
    %convert_element_type3A = arith.sitofp %jit3A : i32 to f32
    %pad3A = vector.broadcast %convert_element_type3A : f32 to vector<512x7xf32>
    %pad3A_26 = tpu.concatenate %div3A_23, %pad3A in 1 : vector<512x9xf32>, vector<512x7xf32> -> vector<512x16xf32>
    %jit3A_27 = arith.constant 0xFF800000 : f32
    %broadcast_in_dim3A_28 = vector.broadcast %jit3A_27 : f32 to vector<512x16xf32>
    %select_n3A = arith.select %lt3A_25, %pad3A_26, %broadcast_in_dim3A_28 : vector<512x16xi1>, vector<512x16xf32>
    %reduce_max3A = arith.constant dense<0xFF800000> : vector<512xf32>
    %reduce_max3A_29 = vector.multi_reduction <maximumf>, %select_n3A, %reduce_max3A [1] : vector<512x16xf32> to vector<512xf32>
    %broadcast_in_dim3A_30 = vector.shape_cast %reduce_max3A_29 : vector<512xf32> to vector<512x1xf32>
    %sub3A = vector.broadcast %broadcast_in_dim3A_30 : vector<512x1xf32> to vector<512x16xf32>
    %sub3A_31 = arith.subf %select_n3A, %sub3A : vector<512x16xf32>
    %exp3A = math.exp %sub3A_31 : vector<512x16xf32>
    %reduce_sum3A_32 = arith.constant dense<0.000000e+00> : vector<512xf32>
    %reduce_sum3A_33 = vector.multi_reduction <add>, %exp3A, %reduce_sum3A_32 [1] : vector<512x16xf32> to vector<512xf32>
    %broadcast_in_dim3A_34 = vector.shape_cast %reduce_sum3A_33 : vector<512xf32> to vector<512x1xf32>
    %log3A = math.log %broadcast_in_dim3A_34 : vector<512x1xf32>
    %sub3A_35 = vector.broadcast %log3A : vector<512x1xf32> to vector<512x16xf32>
    %sub3A_36 = arith.subf %sub3A_31, %sub3A_35 : vector<512x16xf32>
    %swap3A = arith.constant 0 : index
    %swap3A_37 = arith.constant 0 : index
    %swap3A_38 = vector.load %arg3[%swap3A, %swap3A_37] : memref<512x16xf32, #tpu.memory_space<vmem>>, vector<512x16xf32>
    tpu.vector_store %arg3[%swap3A, %swap3A_37], %sub3A_36 {strides = array<i32>} : memref<512x16xf32, #tpu.memory_space<vmem>>, vector<512x16xf32>,
    return
  }
  func.func @transform_0(%arg0: i32) -> (i32, i32, i32) {
    %c0_i32 = arith.constant 0 : i32
    %c0_i32_0 = arith.constant 0 : i32
    %c0_i32_1 = arith.constant 0 : i32
    return %c0_i32, %arg0, %c0_i32_0 : i32, i32, i32
  }
  func.func @transform_1(%arg0: i32) -> (i32, i32) {
    %c0_i32 = arith.constant 0 : i32
    %c0_i32_0 = arith.constant 0 : i32
    return %arg0, %c0_i32 : i32, i32
  }
  func.func @transform_2(%arg0: i32) -> (i32, i32) {
    %c0_i32 = arith.constant 0 : i32
    %c0_i32_0 = arith.constant 0 : i32
    return %arg0, %c0_i32 : i32, i32
  }
}

</mosaic_0001>

<sc_bundles>
// kernel: kernel.12.cloned.1.call-start
scs
__scs_entry_jumppad:
0x0: {  	(pc) =	sbr.rel $0x88, $3  }
0x1: {  	(tag) =	ssettag $0x0;
	lr =	simm.s32 $0x1  }
0x2: {  	[smem:$0x3F92] =	sst lr;
	_ =	strace $0xD0000000  }
0x3: {  	_ = 	snop  }
0x4: {  	_ = 	snop  }
0x5: {  	_ = 	snop  }
0x6: {  	_ = 	snop  }
0x7: {  	_ = 	snop  }
__scs_overlays_trampoline_lowered:
0x8: {  	[smem:$0x3FA1] =	sst s0  }
0x9: {  	[smem:$0x3FA2] =	sst s1  }
0xa: {  	[smem:$0x3FA3] =	sst s2  }
0xb: {  	[smem:$0x3FA4] =	sst s3  }
0xc: {  	[smem:$0x3FA5] =	sst s4  }
0xd: {  	[smem:$0x3FA6] =	sst s5  }
0xe: {  	[smem:$0x3FA7] =	sst s6  }
0xf: {  	[smem:$0x3FA8] =	sst s7  }
0x10: {  	[smem:$0x3FA9] =	sst s8  }
0x11: {  	[smem:$0x3FAA] =	sst s9;
	s0 =	simm.s32 @!p0 $0x0  }
0x12: {  	s1 =	sld [smem:$0x3F90];
	s0 =	simm.s32 @p0 $0x1  }
0x13: {  	[smem:$0x3FAB] =	sst s0;
	s0 =	simm.s32 @!p1 $0x0  }
0x14: {  	s2 =	sld [smem:$0x3F8F];
	s0 =	simm.s32 @p1 $0x1  }
0x15: {  	[smem:$0x3FAC] =	sst s0;
	s0 =	simm.s32 @!p2 $0x0  }
0x16: {  	s3 =	sld [smem:$0x3FDB];
	s0 =	simm.s32 @p2 $0x1  }
0x17: {  	s4 =	simm.s32 $0x1BF5;
	[smem:$0x3FAE] =	sst s0  }
0x18: {  	s0 =	sld [smem:$0x3F91];
	_ =	swait.ge [sflag:s4], $0x0  }
0x19: {  	s7 =	sld [smem:$0x3F92]  }
0x1a: {  	s8 =	sadd.s32 $0xFFFFE003, lr  }
0x1b: {  	s9 =	sadd.s32 $0xFFFFFEF7, lr;
	s5 =	simm.s32 $0xFFFFFFFF;
	p2 =	slt.u32 s8, $0xFFFFF086  }
0x1c: {  	p1 =	slt.u32 s9, $0xF7A;
	s5 =	simm.s32 @!p2 $0x0  }
0x1d: {  	s5 =	simm.s32 @p1 $0x1;
	p0 =	seq.s32 s7, s2  }
0x1e: {  	s7 =	smul.u32 @!p0 $0xF7A, s2;
	p2 =	seq.s32 @!p0 s5, $0x0  }
0x1f: {  	s9 =	smul.u32 $0xF7A, s1;
	s8 =	simm.s32 @!p0 $0x1BF5;
	p2 =	por !p2, p0  }
0x20: {  	[sflag:s8] =	ssyncset.s32 @!p0 $0xFFFFF086;
	s6 =	sadd.s32 @!p0 s3, s7;
	s7 =	simm.s32 @!p0 $0x108  }
0x21: {  	s3 =	sadd.s32 s3, s9;
	s6 =	sadd.s32 @!p0 $0x88, s6;
	s7 =	simm.s32 @p2 $0x1082  }
0x22: {  	[simem:s7], [sflag:s8] =	dma.local @!p0 [hbm:s6], $0xF7A  }
0x23: {  	s9 =	sor.u32 $0xD0000000, s2;
	s6 =	simm.s32 $0x108;
	_ =	swait.ge @!p0 [sflag:s8], $0x0  }
0x24: {  	s3 =	sadd.s32 $0x88, s3;
	s6 =	simm.s32 @!p1 $0x1082;
	[sflag:s4] =	ssyncset.s32 $0xFFFFF086  }
0x25: {  	[simem:s6], [sflag:s4] =	dma.local [hbm:s3], $0xF7A  }
0x26: {  	[smem:$0x3F92] =	sst s1;
	(tag) =	ssettag s2;
	_ =	strace s9  }
0x27: {  	s1 =	sld [smem:$0x3FA2]  }
0x28: {  	s2 =	sld [smem:$0x3FA3]  }
0x29: {  	s4 =	sld [smem:$0x3FA5]  }
0x2a: {  	p0 =	seq.s32 s5, $0x0;
	s5 =	sld [smem:$0x3FA6]  }
0x2b: {  	s6 =	sld [smem:$0x3FA7]  }
0x2c: {  	s7 =	sld [smem:$0x3FA8]  }
0x2d: {  	s3 =	simm.s32 $0x108;
	s8 =	sld [smem:$0x3FA9]  }
0x2e: {  	s3 =	simm.s32 @!p0 $0x1082;
	s9 =	sld [smem:$0x3FAA]  }
0x2f: {  	lr =	sadd.s32 s0, s3;
	s0 =	sld [smem:$0x3FA1]  }
0x30: {  	s3 =	sld [smem:$0x3FA4]  }
0x31: {  	[smem:$0x3FAD] =	sst s10  }
0x32: {  	s10 =	sld [smem:$0x3FAB];
	_ =	sdelay $0x3  }
0x33: {  	p0 =	seq.s32 s10, $0x1;
	s10 =	sld [smem:$0x3FAD];
	_ =	sdelay $0x3  }
0x34: {  	[smem:$0x3FAD] =	sst s10  }
0x35: {  	s10 =	sld [smem:$0x3FAC];
	_ =	sdelay $0x3  }
0x36: {  	p1 =	seq.s32 s10, $0x1;
	s10 =	sld [smem:$0x3FAD];
	_ =	sdelay $0x3  }
0x37: {  	[smem:$0x3FAD] =	sst s10  }
0x38: {  	s10 =	sld [smem:$0x3FAE]  }
0x39: {  	_ = 	snop;
	(pc) =	sbr.ind lr, $3  }
0x3a: {  	_ = 	snop  }
0x3b: {  	_ = 	snop  }
0x3c: {  	p2 =	seq.s32 s10, $0x1;
	s10 =	sld [smem:$0x3FAD]  }
0x3d: {  	_ =	shalt  }
0x3e: {  	_ =	shalt  }
0x3f: {  	_ =	shalt  }
0x40: {  	_ =	shalt  }
0x41: {  	_ =	shalt  }
0x42: {  	_ =	shalt  }
0x43: {  	_ =	shalt  }
0x44: {  	_ =	shalt  }
0x45: {  	_ =	shalt  }
0x46: {  	_ =	shalt  }
0x47: {  	_ =	shalt  }
0x48: {  	_ =	shalt  }
0x49: {  	_ =	shalt  }
0x4a: {  	_ =	shalt  }
0x4b: {  	_ =	shalt  }
0x4c: {  	_ =	shalt  }
0x4d: {  	_ =	shalt  }
0x4e: {  	_ =	shalt  }
0x4f: {  	_ =	shalt  }
0x50: {  	_ =	shalt  }
0x51: {  	_ =	shalt  }
0x52: {  	_ =	shalt  }
0x53: {  	_ =	shalt  }
0x54: {  	_ =	shalt  }
0x55: {  	_ =	shalt  }
0x56: {  	_ =	shalt  }
0x57: {  	_ =	shalt  }
0x58: {  	_ =	shalt  }
0x59: {  	_ =	shalt  }
0x5a: {  	_ =	shalt  }
0x5b: {  	_ =	shalt  }
0x5c: {  	_ =	shalt  }
0x5d: {  	_ =	shalt  }
0x5e: {  	_ =	shalt  }
0x5f: {  	_ =	shalt  }
0x60: {  	_ =	shalt  }
0x61: {  	_ =	shalt  }
0x62: {  	_ =	shalt  }
0x63: {  	_ =	shalt  }
0x64: {  	_ =	shalt  }
0x65: {  	_ =	shalt  }
0x66: {  	_ =	shalt  }
0x67: {  	_ =	shalt  }
0x68: {  	_ =	shalt  }
0x69: {  	_ =	shalt  }
0x6a: {  	_ =	shalt  }
0x6b: {  	_ =	shalt  }
0x6c: {  	_ =	shalt  }
0x6d: {  	_ =	shalt  }
0x6e: {  	_ =	shalt  }
0x6f: {  	_ =	shalt  }
0x70: {  	_ =	shalt  }
0x71: {  	_ =	shalt  }
0x72: {  	_ =	shalt  }
0x73: {  	_ =	shalt  }
0x74: {  	_ =	shalt  }
0x75: {  	_ =	shalt  }
0x76: {  	_ =	shalt  }
0x77: {  	_ =	shalt  }
0x78: {  	_ =	shalt  }
0x79: {  	_ =	shalt  }
0x7a: {  	_ =	shalt  }
0x7b: {  	_ =	shalt  }
0x7c: {  	_ =	shalt  }
0x7d: {  	_ =	shalt  }
0x7e: {  	_ =	shalt  }
0x7f: {  	_ =	shalt  }
0x80: {  	_ =	shalt  }
0x81: {  	_ =	shalt  }
0x82: {  	_ =	shalt  }
0x83: {  	_ =	shalt  }
0x84: {  	_ =	shalt  }
0x85: {  	_ =	shalt  }
0x86: {  	_ =	shalt  }
0x87: {  	_ =	shalt  }
.Lfunc_end0:
.L_simem_size_0:
called_computation.1_lowered:
.L_overlay_start_0:
0x88: {  	s2 =	sld [smem:$0x3FD9]  }
0x89: {  	s3 =	sld [smem:$0x3FFE];
	_ =	sdelay $0x1  }
0x8a: {  	s1 =	srdreg.scid  }
0x8b: {  	s0 =	sand.u32 $0x1, s1  }
0x8c: {  	s17 =	sshll.u32 s0, $0xA;
	s2 =	sadd.s32 s3, s2  }
0x8d: {  	s2 =	sadd.s32 s2, s17  }
0x8e: {  	[smem:$0x3FB9] =	sst s2  }
0x8f: {  	_ = 	snop  }
0x90: {  	s2 =	sld [smem:$0x3FD0];
	(tm) =	ssettm $0x1  }
0x91: {  	s18 =	sld [smem:$0x3FFB];
	_ =	sdelay $0x3  }
0x92: {  	_ =	strace s18  }
0x93: {  	s3 =	sld [smem:$0x3FFC];
	_ =	sdelay $0x3  }
0x94: {  	_ =	strace s3  }
0x95: {  	s3 =	sld [smem:$0x3FFD];
	_ =	sdelay $0x3  }
0x96: {  	_ =	strace s3  }
0x97: {  	_ =	strace $0x8FFFFFFF  }
0x98: {  	s19 =	sld [smem:$0x3FDB];
	_ =	sdelay $0x1  }
0x99: {  	s4 =	simm.s32 $_scs_section_size  }
0x9a: {  	s5 =	simm.s32 $_size__tile_overlayer_lowered;
	s6 =	simm.s32 $_tile_overlayer_lowered  }
0x9b: {  	s22 =	simm.s32 $0x1BFF;
	s21 =	sshll.u32 s6, $0x1;
	s3 =	sadd.s32 s4, s19  }
0x9c: {  	s7 =	simm.s32 $0x0;
	s20 =	sshll.u32 s5, $0x1;
	s5 =	sadd.s32 s21, s3  }
0x9d: {  	[timem:s7], [sflag:s22] =	dma.local [hbm:s5], s20  }
0x9e: {  	_ =	swait.ge [sflag:s22], s20  }
0x9f: {  	s4 =	ssub.s32 $0x0, s20;
	[sflag:s22] =	ssyncset.done $0x0  }
0xa0: {  	[sflag:s22] =	ssyncadd.s32 s4;
	_ =	sdelay $0x1  }
0xa1: {  	s23 =	simm.s32 $0x1B8B  }
0xa2: {  	_ =	swait.ge [sflag:s23], $0x1  }
0xa3: {  	[sflag:s23] =	ssyncset.done $0x0  }
0xa4: {  	s25 =	simm.s32 $0x1B8E;
	s24 =	sld [smem:$0x3FFE];
	[sflag:s23] =	ssyncadd.s32 $0xFFFFFFFF  }
0xa5: {  	s26 =	simm.s32 $execute0_lowered;
	[smem:$0x3FD2] =	sst s25  }
0xa6: {  	s5 =	sshll.u32 s26, $0x1;
	_ =	strace $0x80000049;
	[dreg:$0x1] =	wrdreg $0xFFFFFFFF  }
0xa7: {  	s28 =	simm.s32 $_size_execute0_lowered;
	s3 =	sadd.s32 s3, s5;
	[dreg:$0x0] =	wrdreg $0x0  }
0xa8: {  	s5 =	sshll.u32 s28, $0x1;
	[dreg:$0x2] =	wrdreg s3  }
0xa9: {  	[dreg:$0x3] =	wrdreg s5  }
0xaa: {  	[dreg:$0x4] =	wrdreg $0xC0  }
0xab: {  	_ =	task [dreg:s7], $0x5FFFF  }
0xac: {  	[dreg:$0x1] =	wrdreg $0xFFFFFFFF  }
0xad: {  	[dreg:$0x0] =	wrdreg $0x60  }
0xae: {  	[dreg:$0x2] =	wrdreg s24  }
0xaf: {  	[dreg:$0x3] =	wrdreg s2  }
0xb0: {  	[dreg:$0x4] =	wrdreg $0x93800  }
0xb1: {  	[dreg:$0x5] =	wrdreg $0x1D3800  }
0xb2: {  	[dreg:$0x6] =	wrdreg $0x9  }
0xb3: {  	_ =	task.clear_ibuf [dreg:s7], $0x7FFFF;
	_ =	strace $0x90000049  }
0xb4: {  	s29 =	simm.s32 $0x9;
	_ =	strace $0x8000004B  }
0xb5: {  	_ =	swait.ge [sflag:s29], $0x1  }
0xb6: {  	[sflag:s29] =	ssyncadd.s32 $0xFFFFFFFF  }
0xb7: {  	_ =	strace $0x9000004B  }
0xb8: {  	_ =	sfence  }
0xb9: {  	s30 =	sld [smem:$0x0];
	_ =	sdelay $0x2  }
0xba: {  	s31 =	sshll.u32 s1, $0xD;
	s1 =	sshrl.u32 s1, $0x2  }
0xbb: {  	s3 =	sand.u32 $0x4000, s31;
	s1 =	sadd.s32 s1, s30  }
0xbc: {  	s0 =	sor.u32 s3, s0;
	s1 =	sshll.u32 s1, $0x11  }
0xbd: {  	s0 =	sor.u32 s1, s0  }
0xbe: {  	s0 =	sadd.s32 $0x8F2B, s0  }
0xbf: {  	[sflag:s0] =	ssyncadd.remote.s32 $0x1  }
0xc0: {  	_ =	sfence.sel $0xFFFF  }
0xc1: {  	[dreg:$0x0] =	wrdreg $0xFFFFFFFF;
	(pc) =	sbr.abs _section_cstart, $3  }
0xc2: {  	[dreg:$0x1] =	wrdreg $0xFFFFFFFF  }
0xc3: {  	_ =	task.clear_ibuf [dreg:s7], $0x2FFFF;
	_ =	strace $0x9FFFFFFF  }
0xc4: {  	(tm) =	ssettm $0x7FFFFFFF  }
0xc5: {  	_ =	shalt  }
tec
execute0_lowered:
.L_overlay_start_1:
0x0: {  	(tag) =	ssettag $0x1  }
0x1: {  	s0 =	rddreg [dreg:$0x0]  }
0x2: {  	s1 =	rddreg [dreg:$0x1];
	s3 =	srdreg.scid  }
0x3: {  	s14 =	stileid.u32;
	s2 =	rddreg [dreg:$0x2];
	s28 =	simm.s32 $0x5  }
0x4: {  	s29 =	simm.s32 $0x7;
	s30 =	simm.s32 $0x40;
	s10 =	smul.u32 $0x50000, s14  }
0x5: {  	s31 =	simm.s32 $0x9000;
	s9 =	sand.u32 $0x1, s3;
	s12 =	smul.u32 $0xA00, s14  }
0x6: {  	s4 =	sshll.u32 s14, $0x1;
	s3 =	rddreg [dreg:$0x3];
	s17 =	smul.u32 $0x2800, s14  }
0x7: {  	s6 =	sadd.s32 $0x3FC00, s0;
	s18 =	smul.u32 $0xA0, s14;
	s14 =	simm.s32 $0x4F00  }
0x8: {  	s5 =	sor.u32 s9, s4;
	s4 =	simm.s32 $0x0;
	s8 =	smul.u32 $0x28000, s9  }
0x9: {  	s11 =	ssub.s32 $0x2, s9;
	s9 =	sshll.u32 s9, $0x4;
	s7 =	smul.u32 $0x500, s5  }
0xa: {  	[smem:$0x7FF] =	sst s4;
	s5 =	sadd.s32 $0x17C00, s0;
	s10 =	sshrl.u32 s10, $0x2  }
0xb: {  	s12 =	sshrl.u32 s12, $0x2;
	s1 =	sadd.s32 s1, s9;
	s13 =	sadd.s32 s7, s0  }
0xc: {  	s9 =	simm.s32 $0x3;
	_ =	strace $0x8000004A;
	s15 =	sadd.s32 $0x3C00, s13  }
0xd: {  	s7 =	sadd.s32 s10, s2;
	s16 =	sadd.s32 $0xDC00, s13;
	[dreg:$0x5] =	wrdreg s15  }
0xe: {  	s0 =	sadd.s32 s8, s0;
	s19 =	sadd.s32 $0x2000, s7;
	[dreg:$0x6] =	wrdreg s16  }
0xf: {  	s8 =	sshrl.u32 s11, $0x1;
	s20 =	sadd.s32 $0x4000, s7;
	[dreg:$0x8] =	wrdreg s19  }
0x10: {  	s10 =	simm.s32 $0x2;
	s21 =	sadd.s32 $0x6000, s7;
	[dreg:$0x9] =	wrdreg s20  }
0x11: {  	s11 =	ssub.s32 s11, s8;
	s22 =	sadd.s32 $0x8000, s7;
	[dreg:$0xa] =	wrdreg s21  }
0x12: {  	s8 =	sadd.s32 s12, s3;
	s23 =	sadd.s32 $0xA000, s7;
	[dreg:$0xb] =	wrdreg s22  }
0x13: {  	s0 =	sadd.s32 $0x40200, s0;
	s24 =	sadd.s32 $0xC000, s7;
	[dreg:$0xc] =	wrdreg s23  }
0x14: {  	s25 =	sadd.s32 $0xE000, s7;
	s26 =	sadd.s32 $0x10000, s7;
	[dreg:$0xd] =	wrdreg s24  }
0x15: {  	s12 =	simm.s32 $0x6;
	s13 =	simm.s32 $0x8;
	[dreg:$0xe] =	wrdreg s25  }
0x16: {  	s11 =	smax.u32 s11, $0x1;
	[dreg:$0xf] =	wrdreg s26;
	s20 =	sadd.s32 $0x12000, s7  }
0x17: {  	s21 =	simm.s32 $0x5000;
	s22 =	sadd.s32 s17, s0;
	s24 =	sadd.s32 s18, s1  }
0x18: {  	s25 =	simm.s32 $0x9;
	s1 =	simm.s32 $0x80;
	s23 =	simm.s32 $0x7000  }
0x19: {  	s26 =	simm.s32 $0x9080;
	s0 =	simm.s32 $0x1;
	s15 =	simm.s32 $0x4F80  }
0x1a: {  	v0 =	vimm.f32 $0.0e+00;
	s19 =	simm.s32 $0x10;
	[dreg:$0x7] =	wrdreg s11;
	s11 =	simm.s32 $0x4  }
.LBB2_1:
0x1b: {  	s16 =	simm.s32 $0x0;
	s17 =	simm.s32 $0x200  }
.LBB2_2:
0x1c: {  	p0 =	sne.s32 s17, $0x7E00;
	[tilespmem:s16+$0x5070] =	vst v0  }
0x1d: {  	[tilespmem:s16+$0x5000] =	vst v0  }
0x1e: {  	[tilespmem:s16+$0x5010] =	vst v0  }
.Ltmp0:
0x1f: {  	[tilespmem:s16+$0x5020] =	vst v0;
	(pc) =	sbr.rel @p0 .LBB2_2-.Ltmp0, $4  }
0x20: {  	[tilespmem:s16+$0x5030] =	vst v0  }
0x21: {  	[tilespmem:s16+$0x5040] =	vst v0  }
0x22: {  	[tilespmem:s16+$0x5050] =	vst v0  }
0x23: {  	[tilespmem:s16+$0x5060] =	vst v0;
	s16 =	sshra.s32 s17, $0x2;
	s17 =	sadd.s32 $0x200, s17  }
0x24: {  	[tilespmem:s16+$0x5070] =	vst v0  }
0x25: {  	[tilespmem:s16+$0x5000] =	vst v0  }
0x26: {  	[tilespmem:s16+$0x5010] =	vst v0  }
0x27: {  	[tilespmem:s16+$0x5020] =	vst v0  }
0x28: {  	[tilespmem:s16+$0x5030] =	vst v0  }
0x29: {  	[tilespmem:s16+$0x5040] =	vst v0  }
0x2a: {  	[tilespmem:s16+$0x5050] =	vst v0  }
0x2b: {  	[tilespmem:s16+$0x5060] =	vst v0  }
0x2c: {  	[tilespmem:$0x9100] =	vst v0  }
0x2d: {  	[tilespmem:$0x9110] =	vst v0  }
0x2e: {  	[tilespmem:$0x9120] =	vst v0  }
0x2f: {  	[tilespmem:$0x9130] =	vst v0  }
0x30: {  	[tilespmem:$0x9140] =	vst v0  }
0x31: {  	[tilespmem:$0x9150] =	vst v0  }
0x32: {  	[tilespmem:$0x9160] =	vst v0  }
0x33: {  	[tilespmem:$0x9170] =	vst v0  }
0x34: {  	[tilespmem:$0x9180] =	vst v0  }
0x35: {  	[tilespmem:$0x9190] =	vst v0  }
0x36: {  	[tilespmem:$0x91A0] =	vst v0  }
0x37: {  	[tilespmem:$0x91B0] =	vst v0  }
0x38: {  	[tilespmem:$0x91C0] =	vst v0  }
0x39: {  	[tilespmem:$0x91D0] =	vst v0  }
0x3a: {  	[tilespmem:$0x91E0] =	vst v0  }
0x3b: {  	[tilespmem:$0x91F0] =	vst v0  }
0x3c: {  	[tilespmem:$0x9200] =	vst v0  }
0x3d: {  	[tilespmem:$0x9210] =	vst v0  }
0x3e: {  	[tilespmem:$0x9220] =	vst v0  }
0x3f: {  	[tilespmem:$0x9230] =	vst v0  }
0x40: {  	[tilespmem:$0x9240] =	vst v0  }
0x41: {  	[tilespmem:$0x9250] =	vst v0  }
0x42: {  	[tilespmem:$0x9260] =	vst v0  }
0x43: {  	[tilespmem:$0x9270] =	vst v0  }
0x44: {  	[tilespmem:$0x9280] =	vst v0  }
0x45: {  	[tilespmem:$0x9290] =	vst v0  }
0x46: {  	[tilespmem:$0x92A0] =	vst v0  }
0x47: {  	[tilespmem:$0x92B0] =	vst v0  }
0x48: {  	[tilespmem:$0x92C0] =	vst v0  }
0x49: {  	[tilespmem:$0x92D0] =	vst v0  }
0x4a: {  	[tilespmem:$0x92E0] =	vst v0  }
0x4b: {  	[tilespmem:$0x92F0] =	vst v0  }
0x4c: {  	[tilespmem:$0x9300] =	vst v0  }
0x4d: {  	[tilespmem:$0x9310] =	vst v0  }
0x4e: {  	[tilespmem:$0x9320] =	vst v0  }
0x4f: {  	[tilespmem:$0x9330] =	vst v0  }
0x50: {  	[tilespmem:$0x9340] =	vst v0  }
0x51: {  	[tilespmem:$0x9350] =	vst v0  }
0x52: {  	[tilespmem:$0x9360] =	vst v0  }
0x53: {  	[tilespmem:$0x9370] =	vst v0  }
0x54: {  	[spmem:s7] =	stream.linear.scatter [tilespmem:s21], [sflag:$0x5], $0x2000, $0x38;
	[tilespmem:$0x1D600] =	vst v63  }
0x55: {  	s17 =	rddreg [dreg:$0x8]  }
0x56: {  	[spmem:s17] =	stream.linear.scatter [tilespmem:s21], [sflag:$0x5], $0x2000, $0x38;
	[tilespmem:$0x1D600] =	vst v63  }
0x57: {  	s18 =	rddreg [dreg:$0x9]  }
0x58: {  	[spmem:s18] =	stream.linear.scatter [tilespmem:s21], [sflag:$0x5], $0x2000, $0x38;
	[tilespmem:$0x1D600] =	vst v63  }
0x59: {  	s17 =	rddreg [dreg:$0xa]  }
0x5a: {  	[spmem:s17] =	stream.linear.scatter [tilespmem:s21], [sflag:$0x5], $0x2000, $0x38;
	[tilespmem:$0x1D600] =	vst v63  }
0x5b: {  	s18 =	rddreg [dreg:$0xb]  }
0x5c: {  	[spmem:s18] =	stream.linear.scatter [tilespmem:s21], [sflag:$0x5], $0x2000, $0x38;
	[tilespmem:$0x1D600] =	vst v63  }
0x5d: {  	s17 =	rddreg [dreg:$0xc]  }
0x5e: {  	[spmem:s17] =	stream.linear.scatter [tilespmem:s21], [sflag:$0x5], $0x2000, $0x38;
	[tilespmem:$0x1D600] =	vst v63  }
0x5f: {  	s18 =	rddreg [dreg:$0xd]  }
0x60: {  	[spmem:s18] =	stream.linear.scatter [tilespmem:s21], [sflag:$0x5], $0x2000, $0x38;
	[tilespmem:$0x1D600] =	vst v63  }
0x61: {  	s17 =	rddreg [dreg:$0xe]  }
0x62: {  	[spmem:s17] =	stream.linear.scatter [tilespmem:s21], [sflag:$0x5], $0x2000, $0x38;
	[tilespmem:$0x1D600] =	vst v63  }
0x63: {  	s18 =	rddreg [dreg:$0xf]  }
0x64: {  	[spmem:s18] =	stream.linear.scatter [tilespmem:s21], [sflag:$0x5], $0x2000, $0x38;
	[tilespmem:$0x1D600] =	vst v63  }
0x65: {  	_ = 	snop  }
0x66: {  	[spmem:s20] =	stream.linear.scatter [tilespmem:s21], [sflag:$0x5], $0x2000, $0x38;
	[tilespmem:$0x1D600] =	vst v63  }
0x67: {  	s17 =	simm.s32 $0x9100  }
0x68: {  	[spmem:s8] =	stream.linear.scatter [tilespmem:s17], [sflag:$0x7], $0x280, $0x38;
	[tilespmem:$0x1D600] =	vst v63  }
0x69: {  	s16 =	simm.s32 $0x0;
	s17 =	rddreg [dreg:$0x5]  }
0x6a: {  	[tilespmem:s16], [sflag:$0x9] =	stream.linear.gather [hbm4b:s17+s16], $0x2800, $0x38;
	[tilespmem:$0x1D600] =	vst v63  }
0x6b: {  	_ =	swait.ge [sflag:s25], $0x2800  }
0x6c: {  	[sflag:s25] =	ssyncset.done $0x0  }
0x6d: {  	s18 =	simm.s32 $0x2800;
	s17 =	rddreg [dreg:$0x6];
	[sflag:s25] =	ssyncadd.s32 $0xFFFFD800  }
0x6e: {  	[tilespmem:s18], [sflag:$0x9] =	stream.linear.gather [hbm4b:s17+s16], $0x2800, $0x38;
	[tilespmem:$0x1D600] =	vst v63  }
0x6f: {  	_ =	swait.ge [sflag:s25], $0x2800  }
0x70: {  	[sflag:s25] =	ssyncset.done $0x0  }
0x71: {  	[sflag:s25] =	ssyncadd.s32 $0xFFFFD800  }
0x72: {  	_ =	swait.ge [sflag:s28], $0x2000  }
0x73: {  	[sflag:s28] =	ssyncset.done $0x0  }
0x74: {  	[sflag:s28] =	ssyncadd.s32 $0xFFFFE000  }
0x75: {  	_ =	swait.ge [sflag:s28], $0x2000  }
0x76: {  	[sflag:s28] =	ssyncset.done $0x0  }
0x77: {  	[sflag:s28] =	ssyncadd.s32 $0xFFFFE000  }
0x78: {  	_ =	swait.ge [sflag:s28], $0x2000  }
0x79: {  	[sflag:s28] =	ssyncset.done $0x0  }
0x7a: {  	[sflag:s28] =	ssyncadd.s32 $0xFFFFE000  }
0x7b: {  	_ =	swait.ge [sflag:s28], $0x2000  }
0x7c: {  	[sflag:s28] =	ssyncset.done $0x0  }
0x7d: {  	[sflag:s28] =	ssyncadd.s32 $0xFFFFE000  }
0x7e: {  	_ =	swait.ge [sflag:s28], $0x2000  }
0x7f: {  	[sflag:s28] =	ssyncset.done $0x0  }
0x80: {  	[sflag:s28] =	ssyncadd.s32 $0xFFFFE000  }
0x81: {  	_ =	swait.ge [sflag:s28], $0x2000  }
0x82: {  	[sflag:s28] =	ssyncset.done $0x0  }
0x83: {  	[sflag:s28] =	ssyncadd.s32 $0xFFFFE000  }
0x84: {  	_ =	swait.ge [sflag:s28], $0x2000  }
0x85: {  	[sflag:s28] =	ssyncset.done $0x0  }
0x86: {  	[sflag:s28] =	ssyncadd.s32 $0xFFFFE000  }
0x87: {  	_ =	swait.ge [sflag:s28], $0x2000  }
0x88: {  	[sflag:s28] =	ssyncset.done $0x0  }
0x89: {  	[sflag:s28] =	ssyncadd.s32 $0xFFFFE000  }
0x8a: {  	_ =	swait.ge [sflag:s28], $0x2000  }
0x8b: {  	[sflag:s28] =	ssyncset.done $0x0  }
0x8c: {  	[sflag:s28] =	ssyncadd.s32 $0xFFFFE000  }
0x8d: {  	_ =	swait.ge [sflag:s28], $0x2000  }
0x8e: {  	[sflag:s28] =	ssyncset.done $0x0  }
0x8f: {  	[sflag:s28] =	ssyncadd.s32 $0xFFFFE000  }
0x90: {  	_ =	swait.ge [sflag:s29], $0x280  }
0x91: {  	[sflag:s29] =	ssyncset.done $0x0  }
0x92: {  	[sflag:s29] =	ssyncadd.s32 $0xFFFFFD80  }
0x93: {  	[bflag:$0x0] =	sbarrier.arrive $0xFFFF  }
0x94: {  	[tilespmem:s21], [sflag:$0x1] =	stream.indirect.gather [hbm4b:s5+s30], $0x80, s16, s30, $0xb8;
	[tilespmem:$0x1D600] =	vst v63  }
0x95: {  	_ = 	snop  }
0x96: {  	[tilespmem:s31], [sflag:$0x3] =	stream.indirect.gather [hbm4b:s6+s30], $0x1, s16, s30, $0xb8;
	[tilespmem:$0x1D600] =	vst v63  }
0x97: {  	_ = 	snop  }
0x98: {  	[tilespmem:s23], [sflag:$0x2] =	stream.indirect.gather [hbm4b:s5+s30], $0x80, s1, s30, $0xb8;
	[tilespmem:$0x1D600] =	vst v63  }
0x99: {  	_ = 	snop  }
0x9a: {  	[tilespmem:s26], [sflag:$0x4] =	stream.indirect.gather [hbm4b:s6+s30], $0x1, s1, s30, $0xb8;
	[tilespmem:$0x1D600] =	vst v63  }
0x9b: {  	_ =	swait.ge [sflag:s0], $0x2000  }
0x9c: {  	[sflag:s0] =	ssyncset.done $0x0  }
0x9d: {  	[sflag:s0] =	ssyncadd.s32 $0xFFFFE000  }
0x9e: {  	_ =	swait.ge [sflag:s9], $0x40  }
0x9f: {  	[sflag:s9] =	ssyncset.done $0x0  }
0xa0: {  	s18 =	simm.s32 $0x2800;
	[sflag:s9] =	ssyncadd.s32 $0xFFFFFFC0  }
0xa1: {  	[spmem:s2] =	stream.indirect.scatter.add.f32 [tilespmem:s21], [sflag:$0x5], $0x80, s18, s30, $0xb8;
	[tilespmem:$0x1D600] =	vst v63  }
0xa2: {  	_ = 	snop  }
0xa3: {  	[spmem:s3] =	stream.indirect.scatter.add.f32 [tilespmem:s31], [sflag:$0x7], $0x1, s18, s30, $0xb8;
	[tilespmem:$0x1D600] =	vst v63  }
0xa4: {  	_ =	swait.ge [sflag:s28], $0x2000  }
0xa5: {  	[sflag:s28] =	ssyncset.done $0x0  }
0xa6: {  	[sflag:s28] =	ssyncadd.s32 $0xFFFFE000  }
0xa7: {  	_ =	swait.ge [sflag:s29], $0x40  }
0xa8: {  	[sflag:s29] =	ssyncset.done $0x0  }
0xa9: {  	s17 =	simm.s32 $0x100;
	[sflag:s29] =	ssyncadd.s32 $0xFFFFFFC0  }
0xaa: {  	[tilespmem:s21], [sflag:$0x1] =	stream.indirect.gather [hbm4b:s5+s30], $0x80, s17, s30, $0xb8;
	[tilespmem:$0x1D600] =	vst v63  }
0xab: {  	_ = 	snop  }
0xac: {  	[tilespmem:s31], [sflag:$0x3] =	stream.indirect.gather [hbm4b:s6+s30], $0x1, s17, s30, $0xb8;
	[tilespmem:$0x1D600] =	vst v63  }
0xad: {  	_ =	swait.ge [sflag:s10], $0x2000  }
0xae: {  	[sflag:s10] =	ssyncset.done $0x0  }
0xaf: {  	[sflag:s10] =	ssyncadd.s32 $0xFFFFE000  }
0xb0: {  	_ =	swait.ge [sflag:s11], $0x40  }
0xb1: {  	[sflag:s11] =	ssyncset.done $0x0  }
0xb2: {  	s18 =	simm.s32 $0x2880;
	[sflag:s11] =	ssyncadd.s32 $0xFFFFFFC0  }
0xb3: {  	[spmem:s2] =	stream.indirect.scatter.add.f32 [tilespmem:s23], [sflag:$0x6], $0x80, s18, s30, $0xb8;
	[tilespmem:$0x1D600] =	vst v63  }
0xb4: {  	_ = 	snop  }
0xb5: {  	[spmem:s3] =	stream.indirect.scatter.add.f32 [tilespmem:s26], [sflag:$0x8], $0x1, s18, s30, $0xb8;
	[tilespmem:$0x1D600] =	vst v63  }
0xb6: {  	_ =	swait.ge [sflag:s12], $0x2000  }
0xb7: {  	[sflag:s12] =	ssyncset.done $0x0  }
0xb8: {  	[sflag:s12] =	ssyncadd.s32 $0xFFFFE000  }
0xb9: {  	_ =	swait.ge [sflag:s13], $0x40  }
0xba: {  	[sflag:s13] =	ssyncset.done $0x0  }
0xbb: {  	s16 =	simm.s32 $0x400;
	s17 =	simm.s32 $0x180;
	[sflag:s13] =	ssyncadd.s32 $0xFFFFFFC0  }
0xbc: {  	[tilespmem:s23], [sflag:$0x2] =	stream.indirect.gather [hbm4b:s5+s30], $0x80, s17, s30, $0xb8;
	[tilespmem:$0x1D600] =	vst v63  }
.LBB2_4:
0xbd: {  	[tilespmem:s26], [sflag:$0x4] =	stream.indirect.gather [hbm4b:s6+s30], $0x1, s17, s30, $0xb8;
	[tilespmem:$0x1D600] =	vst v63  }
0xbe: {  	s17 =	smov.u32 s16  }
0xbf: {  	p0 =	sne.s32 s16, $0x9800;
	s16 =	sadd.s32 $0x400, s16;
	_ =	swait.ge [sflag:s0], $0x2000  }
0xc0: {  	[sflag:s0] =	ssyncset.done $0x0  }
0xc1: {  	[sflag:s0] =	ssyncadd.s32 $0xFFFFE000  }
0xc2: {  	_ =	swait.ge [sflag:s9], $0x40  }
0xc3: {  	s17 =	sshra.s32 s17, $0x2;
	[sflag:s9] =	ssyncset.done $0x0  }
0xc4: {  	s18 =	sadd.s32 $0x2800, s17;
	[sflag:s9] =	ssyncadd.s32 $0xFFFFFFC0  }
0xc5: {  	[spmem:s2] =	stream.indirect.scatter.add.f32 [tilespmem:s21], [sflag:$0x5], $0x80, s18, s30, $0xb8;
	[tilespmem:$0x1D600] =	vst v63  }
0xc6: {  	_ = 	snop  }
0xc7: {  	[spmem:s3] =	stream.indirect.scatter.add.f32 [tilespmem:s31], [sflag:$0x7], $0x1, s18, s30, $0xb8;
	[tilespmem:$0x1D600] =	vst v63  }
0xc8: {  	_ =	swait.ge [sflag:s28], $0x2000  }
0xc9: {  	[sflag:s28] =	ssyncset.done $0x0  }
0xca: {  	[sflag:s28] =	ssyncadd.s32 $0xFFFFE000  }
0xcb: {  	_ =	swait.ge [sflag:s29], $0x40  }
0xcc: {  	[sflag:s29] =	ssyncset.done $0x0  }
0xcd: {  	s18 =	sadd.s32 $0x100, s17;
	[sflag:s29] =	ssyncadd.s32 $0xFFFFFFC0  }
0xce: {  	[tilespmem:s21], [sflag:$0x1] =	stream.indirect.gather [hbm4b:s5+s30], $0x80, s18, s30, $0xb8;
	[tilespmem:$0x1D600] =	vst v63  }
0xcf: {  	_ = 	snop  }
0xd0: {  	[tilespmem:s31], [sflag:$0x3] =	stream.indirect.gather [hbm4b:s6+s30], $0x1, s18, s30, $0xb8;
	[tilespmem:$0x1D600] =	vst v63  }
0xd1: {  	_ =	swait.ge [sflag:s10], $0x2000  }
0xd2: {  	[sflag:s10] =	ssyncset.done $0x0  }
0xd3: {  	[sflag:s10] =	ssyncadd.s32 $0xFFFFE000  }
0xd4: {  	_ =	swait.ge [sflag:s11], $0x40  }
0xd5: {  	[sflag:s11] =	ssyncset.done $0x0  }
0xd6: {  	s18 =	sadd.s32 $0x2880, s17;
	[sflag:s11] =	ssyncadd.s32 $0xFFFFFFC0  }
0xd7: {  	[spmem:s2] =	stream.indirect.scatter.add.f32 [tilespmem:s23], [sflag:$0x6], $0x80, s18, s30, $0xb8;
	[tilespmem:$0x1D600] =	vst v63  }
0xd8: {  	_ = 	snop  }
0xd9: {  	[spmem:s3] =	stream.indirect.scatter.add.f32 [tilespmem:s26], [sflag:$0x8], $0x1, s18, s30, $0xb8;
	[tilespmem:$0x1D600] =	vst v63  }
0xda: {  	_ =	swait.ge [sflag:s12], $0x2000  }
0xdb: {  	[sflag:s12] =	ssyncset.done $0x0  }
.Ltmp1:
0xdc: {  	[sflag:s12] =	ssyncadd.s32 $0xFFFFE000;
	(pc) =	sbr.rel @p0 .LBB2_4-.Ltmp1, $4  }
0xdd: {  	_ =	swait.ge [sflag:s13], $0x40  }
0xde: {  	[sflag:s13] =	ssyncset.done $0x0  }
0xdf: {  	s17 =	sadd.s32 $0x180, s17;
	[sflag:s13] =	ssyncadd.s32 $0xFFFFFFC0  }
0xe0: {  	[tilespmem:s23], [sflag:$0x2] =	stream.indirect.gather [hbm4b:s5+s30], $0x80, s17, s30, $0xb8;
	[tilespmem:$0x1D600] =	vst v63  }
0xe1: {  	[tilespmem:s26], [sflag:$0x4] =	stream.indirect.gather [hbm4b:s6+s30], $0x1, s17, s30, $0xb8;
	[tilespmem:$0x1D600] =	vst v63  }
0xe2: {  	_ =	swait.ge [sflag:s0], $0x2000  }
0xe3: {  	[sflag:s0] =	ssyncset.done $0x0  }
0xe4: {  	[sflag:s0] =	ssyncadd.s32 $0xFFFFE000  }
0xe5: {  	_ =	swait.ge [sflag:s9], $0x40  }
0xe6: {  	[sflag:s9] =	ssyncset.done $0x0  }
0xe7: {  	[sflag:s9] =	ssyncadd.s32 $0xFFFFFFC0  }
0xe8: {  	[spmem:s2] =	stream.indirect.scatter.add.f32 [tilespmem:s21], [sflag:$0x5], $0x80, s14, s30, $0xb8;
	[tilespmem:$0x1D600] =	vst v63  }
0xe9: {  	_ = 	snop  }
0xea: {  	[spmem:s3] =	stream.indirect.scatter.add.f32 [tilespmem:s31], [sflag:$0x7], $0x1, s14, s30, $0xb8;
	[tilespmem:$0x1D600] =	vst v63  }
0xeb: {  	_ =	swait.ge [sflag:s28], $0x2000  }
0xec: {  	[sflag:s28] =	ssyncset.done $0x0  }
0xed: {  	[sflag:s28] =	ssyncadd.s32 $0xFFFFE000  }
0xee: {  	_ =	swait.ge [sflag:s29], $0x40  }
0xef: {  	[sflag:s29] =	ssyncset.done $0x0  }
0xf0: {  	[sflag:s29] =	ssyncadd.s32 $0xFFFFFFC0  }
0xf1: {  	_ =	swait.ge [sflag:s10], $0x2000  }
0xf2: {  	[sflag:s10] =	ssyncset.done $0x0  }
0xf3: {  	[sflag:s10] =	ssyncadd.s32 $0xFFFFE000  }
0xf4: {  	_ =	swait.ge [sflag:s11], $0x40  }
0xf5: {  	[sflag:s11] =	ssyncset.done $0x0  }
0xf6: {  	[sflag:s11] =	ssyncadd.s32 $0xFFFFFFC0  }
0xf7: {  	[spmem:s2] =	stream.indirect.scatter.add.f32 [tilespmem:s23], [sflag:$0x6], $0x80, s15, s30, $0xb8;
	[tilespmem:$0x1D600] =	vst v63  }
0xf8: {  	_ = 	snop  }
0xf9: {  	[spmem:s3] =	stream.indirect.scatter.add.f32 [tilespmem:s26], [sflag:$0x8], $0x1, s15, s30, $0xb8;
	[tilespmem:$0x1D600] =	vst v63  }
0xfa: {  	_ =	swait.ge [sflag:s12], $0x2000  }
0xfb: {  	[sflag:s12] =	ssyncset.done $0x0  }
0xfc: {  	[sflag:s12] =	ssyncadd.s32 $0xFFFFE000  }
0xfd: {  	_ =	swait.ge [sflag:s13], $0x40  }
0xfe: {  	s16 =	stileid.u32;
	[sflag:s13] =	ssyncset.done $0x0  }
0xff: {  	s16 =	sshll.u32 s16, $0x6;
	[sflag:s13] =	ssyncadd.s32 $0xFFFFFFC0  }
0x100: {  	s18 =	sshrl.u32 s7, $0x3;
	s16 =	sor.u32 $0x1C09, s16;
	[bflag:$0x0] =	sbarrier.arrive $0xFFFF  }
0x101: {  	[hbm:s22], [sflag:s16] =	dma.local [spmem:s18], $0x2800  }
0x102: {  	_ =	swait.ge [sflag:s25], $0x2800  }
0x103: {  	[sflag:s25] =	ssyncset.done $0x0  }
0x104: {  	s17 =	sshrl.u32 s8, $0x3;
	s18 =	simm.s32 $0x20;
	[sflag:s25] =	ssyncadd.s32 $0xFFFFD800  }
0x105: {  	[hbm:s24@s18], [sflag:s16] =	dma.strided [spmem:s17@s19], $0x50, s0, $0x10   }
0x106: {  	_ =	swait.ge [sflag:s25], $0x50  }
0x107: {  	s4 =	sadd.s32 $0x1, s4;
	s18 =	rddreg [dreg:$0x7]  }
0x108: {  	p0 =	sne.s32 s4, s18  }
.Ltmp2:
0x109: {  	_ = 	snop;
	(pc) =	sbr.rel @p0 .LBB2_1-.Ltmp2, $3  }
0x10a: {  	_ =	sdelay $0x1  }
0x10b: {  	[sflag:s25] =	ssyncset.done $0x0  }
0x10c: {  	[sflag:s25] =	ssyncadd.s32 $0xFFFFFFB0  }
0x10d: {  	_ =	sfence.sel $0x180000  }
0x10e: {  	[bflag:$0x0] =	sbarrier.arrive $0xFFFF  }
0x10f: {  	_ =	strace $0x9000004A  }
0x110: {  	s0 =	stileid.u32;
	[bflag:$0x2] =	sbarrier.arrive $0xFFFF  }
0x111: {  	p0 =	sne.s32 s0, $0x0;
	s0 =	rddreg [dreg:$0x4]  }
0x112: {  	s0 =	sadd.s32 @!p0 $0x100000, s0  }
0x113: {  	[sflag:s0] =	ssyncadd.tile.s32 @!p0 $0x1;
	_ =	shalt  }
.Lfunc_end2:
_tile_overlayer_lowered:
.L_overlay_start_2:
0x114: {  	(tag) =	ssettag $0x2  }
0x115: {  	s0 =	rddreg [dreg:$0x0];
	s2 =	stileid.u32  }
0x116: {  	s1 =	rddreg [dreg:$0x1];
	p0 =	sne.s32 s2, $0x0  }
0x117: {  	s3 =	rddreg [dreg:$0x2];
	[bflag:$0x3] =	sbarrier.arrive $0xFFFF;
	s2 =	simm.s32 @!p0 $0x1C09  }
0x118: {  	[timem:s3], [sflag:s2] =	dma.local @!p0 [hbm:s0], s1  }
0x119: {  	s0 =	simm.s32 @!p0 $0x9  }
0x11a: {  	_ =	swait.ge @!p0 [sflag:s0], s1  }
0x11b: {  	s1 =	ssub.s32 @!p0 $0x0, s1;
	[sflag:s0] =	ssyncset.done @!p0 $0x0  }
0x11c: {  	[sflag:s0] =	ssyncadd.s32 @!p0 s1  }
0x11d: {  	[bflag:$0x3] =	sbarrier.arrive $0xFFFF  }
0x11e: {  	_ =	shalt  }

// kernel: kernel.15.cloned.1.call-start
scs
__scs_entry_jumppad:
0x0: {  	(pc) =	sbr.rel $0x88, $3  }
0x1: {  	(tag) =	ssettag $0x0;
	lr =	simm.s32 $0x1  }
0x2: {  	[smem:$0x3F92] =	sst lr;
	_ =	strace $0xD0000000  }
0x3: {  	_ = 	snop  }
0x4: {  	_ = 	snop  }
0x5: {  	_ = 	snop  }
0x6: {  	_ = 	snop  }
0x7: {  	_ = 	snop  }
__scs_overlays_trampoline_lowered:
0x8: {  	[smem:$0x3FA1] =	sst s0  }
0x9: {  	[smem:$0x3FA2] =	sst s1  }
0xa: {  	[smem:$0x3FA3] =	sst s2  }
0xb: {  	[smem:$0x3FA4] =	sst s3  }
0xc: {  	[smem:$0x3FA5] =	sst s4  }
0xd: {  	[smem:$0x3FA6] =	sst s5  }
0xe: {  	[smem:$0x3FA7] =	sst s6  }
0xf: {  	[smem:$0x3FA8] =	sst s7  }
0x10: {  	[smem:$0x3FA9] =	sst s8  }
0x11: {  	[smem:$0x3FAA] =	sst s9;
	s0 =	simm.s32 @!p0 $0x0  }
0x12: {  	s1 =	sld [smem:$0x3F90];
	s0 =	simm.s32 @p0 $0x1  }
0x13: {  	[smem:$0x3FAB] =	sst s0;
	s0 =	simm.s32 @!p1 $0x0  }
0x14: {  	s2 =	sld [smem:$0x3F8F];
	s0 =	simm.s32 @p1 $0x1  }
0x15: {  	[smem:$0x3FAC] =	sst s0;
	s0 =	simm.s32 @!p2 $0x0  }
0x16: {  	s3 =	sld [smem:$0x3FDB];
	s0 =	simm.s32 @p2 $0x1  }
0x17: {  	s4 =	simm.s32 $0x1BF5;
	[smem:$0x3FAE] =	sst s0  }
0x18: {  	s0 =	sld [smem:$0x3F91];
	_ =	swait.ge [sflag:s4], $0x0  }
0x19: {  	s7 =	sld [smem:$0x3F92]  }
0x1a: {  	s8 =	sadd.s32 $0xFFFFE003, lr  }
0x1b: {  	s9 =	sadd.s32 $0xFFFFFEF7, lr;
	s5 =	simm.s32 $0xFFFFFFFF;
	p2 =	slt.u32 s8, $0xFFFFF086  }
0x1c: {  	p1 =	slt.u32 s9, $0xF7A;
	s5 =	simm.s32 @!p2 $0x0  }
0x1d: {  	s5 =	simm.s32 @p1 $0x1;
	p0 =	seq.s32 s7, s2  }
0x1e: {  	s7 =	smul.u32 @!p0 $0xF7A, s2;
	p2 =	seq.s32 @!p0 s5, $0x0  }
0x1f: {  	s9 =	smul.u32 $0xF7A, s1;
	s8 =	simm.s32 @!p0 $0x1BF5;
	p2 =	por !p2, p0  }
0x20: {  	[sflag:s8] =	ssyncset.s32 @!p0 $0xFFFFF086;
	s6 =	sadd.s32 @!p0 s3, s7;
	s7 =	simm.s32 @!p0 $0x108  }
0x21: {  	s3 =	sadd.s32 s3, s9;
	s6 =	sadd.s32 @!p0 $0x88, s6;
	s7 =	simm.s32 @p2 $0x1082  }
0x22: {  	[simem:s7], [sflag:s8] =	dma.local @!p0 [hbm:s6], $0xF7A  }
0x23: {  	s9 =	sor.u32 $0xD0000000, s2;
	s6 =	simm.s32 $0x108;
	_ =	swait.ge @!p0 [sflag:s8], $0x0  }
0x24: {  	s3 =	sadd.s32 $0x88, s3;
	s6 =	simm.s32 @!p1 $0x1082;
	[sflag:s4] =	ssyncset.s32 $0xFFFFF086  }
0x25: {  	[simem:s6], [sflag:s4] =	dma.local [hbm:s3], $0xF7A  }
0x26: {  	[smem:$0x3F92] =	sst s1;
	(tag) =	ssettag s2;
	_ =	strace s9  }
0x27: {  	s1 =	sld [smem:$0x3FA2]  }
0x28: {  	s2 =	sld [smem:$0x3FA3]  }
0x29: {  	s4 =	sld [smem:$0x3FA5]  }
0x2a: {  	p0 =	seq.s32 s5, $0x0;
	s5 =	sld [smem:$0x3FA6]  }
0x2b: {  	s6 =	sld [smem:$0x3FA7]  }
0x2c: {  	s7 =	sld [smem:$0x3FA8]  }
0x2d: {  	s3 =	simm.s32 $0x108;
	s8 =	sld [smem:$0x3FA9]  }
0x2e: {  	s3 =	simm.s32 @!p0 $0x1082;
	s9 =	sld [smem:$0x3FAA]  }
0x2f: {  	lr =	sadd.s32 s0, s3;
	s0 =	sld [smem:$0x3FA1]  }
0x30: {  	s3 =	sld [smem:$0x3FA4]  }
0x31: {  	[smem:$0x3FAD] =	sst s10  }
0x32: {  	s10 =	sld [smem:$0x3FAB];
	_ =	sdelay $0x3  }
0x33: {  	p0 =	seq.s32 s10, $0x1;
	s10 =	sld [smem:$0x3FAD];
	_ =	sdelay $0x3  }
0x34: {  	[smem:$0x3FAD] =	sst s10  }
0x35: {  	s10 =	sld [smem:$0x3FAC];
	_ =	sdelay $0x3  }
0x36: {  	p1 =	seq.s32 s10, $0x1;
	s10 =	sld [smem:$0x3FAD];
	_ =	sdelay $0x3  }
0x37: {  	[smem:$0x3FAD] =	sst s10  }
0x38: {  	s10 =	sld [smem:$0x3FAE]  }
0x39: {  	_ = 	snop;
	(pc) =	sbr.ind lr, $3  }
0x3a: {  	_ = 	snop  }
0x3b: {  	_ = 	snop  }
0x3c: {  	p2 =	seq.s32 s10, $0x1;
	s10 =	sld [smem:$0x3FAD]  }
0x3d: {  	_ =	shalt  }
0x3e: {  	_ =	shalt  }
0x3f: {  	_ =	shalt  }
0x40: {  	_ =	shalt  }
0x41: {  	_ =	shalt  }
0x42: {  	_ =	shalt  }
0x43: {  	_ =	shalt  }
0x44: {  	_ =	shalt  }
0x45: {  	_ =	shalt  }
0x46: {  	_ =	shalt  }
0x47: {  	_ =	shalt  }
0x48: {  	_ =	shalt  }
0x49: {  	_ =	shalt  }
0x4a: {  	_ =	shalt  }
0x4b: {  	_ =	shalt  }
0x4c: {  	_ =	shalt  }
0x4d: {  	_ =	shalt  }
0x4e: {  	_ =	shalt  }
0x4f: {  	_ =	shalt  }
0x50: {  	_ =	shalt  }
0x51: {  	_ =	shalt  }
0x52: {  	_ =	shalt  }
0x53: {  	_ =	shalt  }
0x54: {  	_ =	shalt  }
0x55: {  	_ =	shalt  }
0x56: {  	_ =	shalt  }
0x57: {  	_ =	shalt  }
0x58: {  	_ =	shalt  }
0x59: {  	_ =	shalt  }
0x5a: {  	_ =	shalt  }
0x5b: {  	_ =	shalt  }
0x5c: {  	_ =	shalt  }
0x5d: {  	_ =	shalt  }
0x5e: {  	_ =	shalt  }
0x5f: {  	_ =	shalt  }
0x60: {  	_ =	shalt  }
0x61: {  	_ =	shalt  }
0x62: {  	_ =	shalt  }
0x63: {  	_ =	shalt  }
0x64: {  	_ =	shalt  }
0x65: {  	_ =	shalt  }
0x66: {  	_ =	shalt  }
0x67: {  	_ =	shalt  }
0x68: {  	_ =	shalt  }
0x69: {  	_ =	shalt  }
0x6a: {  	_ =	shalt  }
0x6b: {  	_ =	shalt  }
0x6c: {  	_ =	shalt  }
0x6d: {  	_ =	shalt  }
0x6e: {  	_ =	shalt  }
0x6f: {  	_ =	shalt  }
0x70: {  	_ =	shalt  }
0x71: {  	_ =	shalt  }
0x72: {  	_ =	shalt  }
0x73: {  	_ =	shalt  }
0x74: {  	_ =	shalt  }
0x75: {  	_ =	shalt  }
0x76: {  	_ =	shalt  }
0x77: {  	_ =	shalt  }
0x78: {  	_ =	shalt  }
0x79: {  	_ =	shalt  }
0x7a: {  	_ =	shalt  }
0x7b: {  	_ =	shalt  }
0x7c: {  	_ =	shalt  }
0x7d: {  	_ =	shalt  }
0x7e: {  	_ =	shalt  }
0x7f: {  	_ =	shalt  }
0x80: {  	_ =	shalt  }
0x81: {  	_ =	shalt  }
0x82: {  	_ =	shalt  }
0x83: {  	_ =	shalt  }
0x84: {  	_ =	shalt  }
0x85: {  	_ =	shalt  }
0x86: {  	_ =	shalt  }
0x87: {  	_ =	shalt  }
.Lfunc_end0:
.L_simem_size_0:
called_computation.2_lowered:
.L_overlay_start_0:
0x88: {  	s2 =	sld [smem:$0x3FD9]  }
0x89: {  	s3 =	sld [smem:$0x3FFE];
	_ =	sdelay $0x1  }
0x8a: {  	s1 =	srdreg.scid  }
0x8b: {  	s0 =	sand.u32 $0x1, s1  }
0x8c: {  	s17 =	sshll.u32 s0, $0xA;
	s2 =	sadd.s32 s3, s2  }
0x8d: {  	s2 =	sadd.s32 s2, s17  }
0x8e: {  	[smem:$0x3FB9] =	sst s2  }
0x8f: {  	_ = 	snop  }
0x90: {  	s2 =	sld [smem:$0x3FD0];
	(tm) =	ssettm $0x1  }
0x91: {  	s18 =	sld [smem:$0x3FFB];
	_ =	sdelay $0x3  }
0x92: {  	_ =	strace s18  }
0x93: {  	s3 =	sld [smem:$0x3FFC];
	_ =	sdelay $0x3  }
0x94: {  	_ =	strace s3  }
0x95: {  	s3 =	sld [smem:$0x3FFD];
	_ =	sdelay $0x3  }
0x96: {  	_ =	strace s3  }
0x97: {  	_ =	strace $0x8FFFFFFF  }
0x98: {  	s19 =	sld [smem:$0x3FDB];
	_ =	sdelay $0x1  }
0x99: {  	s4 =	simm.s32 $_scs_section_size  }
0x9a: {  	s5 =	simm.s32 $_size__tile_overlayer_lowered;
	s6 =	simm.s32 $_tile_overlayer_lowered  }
0x9b: {  	s22 =	simm.s32 $0x1BFF;
	s21 =	sshll.u32 s6, $0x1;
	s3 =	sadd.s32 s4, s19  }
0x9c: {  	s7 =	simm.s32 $0x0;
	s20 =	sshll.u32 s5, $0x1;
	s5 =	sadd.s32 s21, s3  }
0x9d: {  	[timem:s7], [sflag:s22] =	dma.local [hbm:s5], s20  }
0x9e: {  	_ =	swait.ge [sflag:s22], s20  }
0x9f: {  	s4 =	ssub.s32 $0x0, s20;
	[sflag:s22] =	ssyncset.done $0x0  }
0xa0: {  	[sflag:s22] =	ssyncadd.s32 s4;
	_ =	sdelay $0x1  }
0xa1: {  	s23 =	simm.s32 $0x1B8B  }
0xa2: {  	_ =	swait.ge [sflag:s23], $0x1  }
0xa3: {  	[sflag:s23] =	ssyncset.done $0x0  }
0xa4: {  	s25 =	simm.s32 $0x1B8E;
	s24 =	sld [smem:$0x3FFE];
	[sflag:s23] =	ssyncadd.s32 $0xFFFFFFFF  }
0xa5: {  	s26 =	simm.s32 $execute0_lowered;
	[smem:$0x3FD2] =	sst s25  }
0xa6: {  	s5 =	sshll.u32 s26, $0x1;
	_ =	strace $0x8000004C;
	[dreg:$0x1] =	wrdreg $0xFFFFFFFF  }
0xa7: {  	s28 =	simm.s32 $_size_execute0_lowered;
	s3 =	sadd.s32 s3, s5;
	[dreg:$0x0] =	wrdreg $0x0  }
0xa8: {  	s5 =	sshll.u32 s28, $0x1;
	[dreg:$0x2] =	wrdreg s3  }
0xa9: {  	[dreg:$0x3] =	wrdreg s5  }
0xaa: {  	[dreg:$0x4] =	wrdreg $0xC0  }
0xab: {  	_ =	task [dreg:s7], $0x5FFFF  }
0xac: {  	[dreg:$0x1] =	wrdreg $0xFFFFFFFF  }
0xad: {  	[dreg:$0x0] =	wrdreg $0x60  }
0xae: {  	[dreg:$0x2] =	wrdreg s24  }
0xaf: {  	[dreg:$0x3] =	wrdreg s2  }
0xb0: {  	[dreg:$0x4] =	wrdreg $0x93800  }
0xb1: {  	[dreg:$0x5] =	wrdreg $0x1D3800  }
0xb2: {  	[dreg:$0x6] =	wrdreg $0x9  }
0xb3: {  	_ =	task.clear_ibuf [dreg:s7], $0x7FFFF;
	_ =	strace $0x9000004C  }
0xb4: {  	s29 =	simm.s32 $0x9;
	_ =	strace $0x8000004E  }
0xb5: {  	_ =	swait.ge [sflag:s29], $0x1  }
0xb6: {  	[sflag:s29] =	ssyncadd.s32 $0xFFFFFFFF  }
0xb7: {  	_ =	strace $0x9000004E  }
0xb8: {  	_ =	sfence  }
0xb9: {  	s30 =	sld [smem:$0x0];
	_ =	sdelay $0x2  }
0xba: {  	s31 =	sshll.u32 s1, $0xD;
	s1 =	sshrl.u32 s1, $0x2  }
0xbb: {  	s3 =	sand.u32 $0x4000, s31;
	s1 =	sadd.s32 s1, s30  }
0xbc: {  	s0 =	sor.u32 s3, s0;
	s1 =	sshll.u32 s1, $0x11  }
0xbd: {  	s0 =	sor.u32 s1, s0  }
0xbe: {  	s0 =	sadd.s32 $0x8F2B, s0  }
0xbf: {  	[sflag:s0] =	ssyncadd.remote.s32 $0x1  }
0xc0: {  	_ =	sfence.sel $0xFFFF  }
0xc1: {  	[dreg:$0x0] =	wrdreg $0xFFFFFFFF;
	(pc) =	sbr.abs _section_cstart, $3  }
0xc2: {  	[dreg:$0x1] =	wrdreg $0xFFFFFFFF  }
0xc3: {  	_ =	task.clear_ibuf [dreg:s7], $0x2FFFF;
	_ =	strace $0x9FFFFFFF  }
0xc4: {  	(tm) =	ssettm $0x7FFFFFFF  }
0xc5: {  	_ =	shalt  }
tec
execute0_lowered:
.L_overlay_start_1:
0x0: {  	(tag) =	ssettag $0x1  }
0x1: {  	s0 =	rddreg [dreg:$0x0]  }
0x2: {  	s1 =	rddreg [dreg:$0x1];
	s3 =	srdreg.scid  }
0x3: {  	s14 =	stileid.u32;
	s2 =	rddreg [dreg:$0x2];
	s28 =	simm.s32 $0x5  }
0x4: {  	s29 =	simm.s32 $0x7;
	s30 =	simm.s32 $0x40;
	s10 =	smul.u32 $0x50000, s14  }
0x5: {  	s31 =	simm.s32 $0x9000;
	s9 =	sand.u32 $0x1, s3;
	s12 =	smul.u32 $0xA00, s14  }
0x6: {  	s4 =	sshll.u32 s14, $0x1;
	s3 =	rddreg [dreg:$0x3];
	s17 =	smul.u32 $0x2800, s14  }
0x7: {  	s6 =	sadd.s32 $0x3FC00, s0;
	s18 =	smul.u32 $0xA0, s14;
	s14 =	simm.s32 $0x4F00  }
0x8: {  	s5 =	sor.u32 s9, s4;
	s4 =	simm.s32 $0x0;
	s8 =	smul.u32 $0x28000, s9  }
0x9: {  	s11 =	ssub.s32 $0x2, s9;
	s9 =	sshll.u32 s9, $0x4;
	s7 =	smul.u32 $0x500, s5  }
0xa: {  	[smem:$0x7FF] =	sst s4;
	s5 =	sadd.s32 $0x17C00, s0;
	s10 =	sshrl.u32 s10, $0x2  }
0xb: {  	s12 =	sshrl.u32 s12, $0x2;
	s1 =	sadd.s32 s1, s9;
	s13 =	sadd.s32 s7, s0  }
0xc: {  	s9 =	simm.s32 $0x3;
	_ =	strace $0x8000004D;
	s15 =	sadd.s32 $0x3C00, s13  }
0xd: {  	s7 =	sadd.s32 s10, s2;
	s16 =	sadd.s32 $0xDC00, s13;
	[dreg:$0x5] =	wrdreg s15  }
0xe: {  	s0 =	sadd.s32 s8, s0;
	s19 =	sadd.s32 $0x2000, s7;
	[dreg:$0x6] =	wrdreg s16  }
0xf: {  	s8 =	sshrl.u32 s11, $0x1;
	s20 =	sadd.s32 $0x4000, s7;
	[dreg:$0x8] =	wrdreg s19  }
0x10: {  	s10 =	simm.s32 $0x2;
	s21 =	sadd.s32 $0x6000, s7;
	[dreg:$0x9] =	wrdreg s20  }
0x11: {  	s11 =	ssub.s32 s11, s8;
	s22 =	sadd.s32 $0x8000, s7;
	[dreg:$0xa] =	wrdreg s21  }
0x12: {  	s8 =	sadd.s32 s12, s3;
	s23 =	sadd.s32 $0xA000, s7;
	[dreg:$0xb] =	wrdreg s22  }
0x13: {  	s0 =	sadd.s32 $0x40200, s0;
	s24 =	sadd.s32 $0xC000, s7;
	[dreg:$0xc] =	wrdreg s23  }
0x14: {  	s25 =	sadd.s32 $0xE000, s7;
	s26 =	sadd.s32 $0x10000, s7;
	[dreg:$0xd] =	wrdreg s24  }
0x15: {  	s12 =	simm.s32 $0x6;
	s13 =	simm.s32 $0x8;
	[dreg:$0xe] =	wrdreg s25  }
0x16: {  	s11 =	smax.u32 s11, $0x1;
	[dreg:$0xf] =	wrdreg s26;
	s20 =	sadd.s32 $0x12000, s7  }
0x17: {  	s21 =	simm.s32 $0x5000;
	s22 =	sadd.s32 s17, s0;
	s24 =	sadd.s32 s18, s1  }
0x18: {  	s25 =	simm.s32 $0x9;
	s1 =	simm.s32 $0x80;
	s23 =	simm.s32 $0x7000  }
0x19: {  	s26 =	simm.s32 $0x9080;
	s0 =	simm.s32 $0x1;
	s15 =	simm.s32 $0x4F80  }
0x1a: {  	v0 =	vimm.f32 $0.0e+00;
	s19 =	simm.s32 $0x10;
	[dreg:$0x7] =	wrdreg s11;
	s11 =	simm.s32 $0x4  }
.LBB2_1:
0x1b: {  	s16 =	simm.s32 $0x0;
	s17 =	simm.s32 $0x200  }
.LBB2_2:
0x1c: {  	p0 =	sne.s32 s17, $0x7E00;
	[tilespmem:s16+$0x5070] =	vst v0  }
0x1d: {  	[tilespmem:s16+$0x5000] =	vst v0  }
0x1e: {  	[tilespmem:s16+$0x5010] =	vst v0  }
.Ltmp0:
0x1f: {  	[tilespmem:s16+$0x5020] =	vst v0;
	(pc) =	sbr.rel @p0 .LBB2_2-.Ltmp0, $4  }
0x20: {  	[tilespmem:s16+$0x5030] =	vst v0  }
0x21: {  	[tilespmem:s16+$0x5040] =	vst v0  }
0x22: {  	[tilespmem:s16+$0x5050] =	vst v0  }
0x23: {  	[tilespmem:s16+$0x5060] =	vst v0;
	s16 =	sshra.s32 s17, $0x2;
	s17 =	sadd.s32 $0x200, s17  }
0x24: {  	[tilespmem:s16+$0x5070] =	vst v0  }
0x25: {  	[tilespmem:s16+$0x5000] =	vst v0  }
0x26: {  	[tilespmem:s16+$0x5010] =	vst v0  }
0x27: {  	[tilespmem:s16+$0x5020] =	vst v0  }
0x28: {  	[tilespmem:s16+$0x5030] =	vst v0  }
0x29: {  	[tilespmem:s16+$0x5040] =	vst v0  }
0x2a: {  	[tilespmem:s16+$0x5050] =	vst v0  }
0x2b: {  	[tilespmem:s16+$0x5060] =	vst v0  }
0x2c: {  	[tilespmem:$0x9100] =	vst v0  }
0x2d: {  	[tilespmem:$0x9110] =	vst v0  }
0x2e: {  	[tilespmem:$0x9120] =	vst v0  }
0x2f: {  	[tilespmem:$0x9130] =	vst v0  }
0x30: {  	[tilespmem:$0x9140] =	vst v0  }
0x31: {  	[tilespmem:$0x9150] =	vst v0  }
0x32: {  	[tilespmem:$0x9160] =	vst v0  }
0x33: {  	[tilespmem:$0x9170] =	vst v0  }
0x34: {  	[tilespmem:$0x9180] =	vst v0  }
0x35: {  	[tilespmem:$0x9190] =	vst v0  }
0x36: {  	[tilespmem:$0x91A0] =	vst v0  }
0x37: {  	[tilespmem:$0x91B0] =	vst v0  }
0x38: {  	[tilespmem:$0x91C0] =	vst v0  }
0x39: {  	[tilespmem:$0x91D0] =	vst v0  }
0x3a: {  	[tilespmem:$0x91E0] =	vst v0  }
0x3b: {  	[tilespmem:$0x91F0] =	vst v0  }
0x3c: {  	[tilespmem:$0x9200] =	vst v0  }
0x3d: {  	[tilespmem:$0x9210] =	vst v0  }
0x3e: {  	[tilespmem:$0x9220] =	vst v0  }
0x3f: {  	[tilespmem:$0x9230] =	vst v0  }
0x40: {  	[tilespmem:$0x9240] =	vst v0  }
0x41: {  	[tilespmem:$0x9250] =	vst v0  }
0x42: {  	[tilespmem:$0x9260] =	vst v0  }
0x43: {  	[tilespmem:$0x9270] =	vst v0  }
0x44: {  	[tilespmem:$0x9280] =	vst v0  }
0x45: {  	[tilespmem:$0x9290] =	vst v0  }
0x46: {  	[tilespmem:$0x92A0] =	vst v0  }
0x47: {  	[tilespmem:$0x92B0] =	vst v0  }
0x48: {  	[tilespmem:$0x92C0] =	vst v0  }
0x49: {  	[tilespmem:$0x92D0] =	vst v0  }
0x4a: {  	[tilespmem:$0x92E0] =	vst v0  }
0x4b: {  	[tilespmem:$0x92F0] =	vst v0  }
0x4c: {  	[tilespmem:$0x9300] =	vst v0  }
0x4d: {  	[tilespmem:$0x9310] =	vst v0  }
0x4e: {  	[tilespmem:$0x9320] =	vst v0  }
0x4f: {  	[tilespmem:$0x9330] =	vst v0  }
0x50: {  	[tilespmem:$0x9340] =	vst v0  }
0x51: {  	[tilespmem:$0x9350] =	vst v0  }
0x52: {  	[tilespmem:$0x9360] =	vst v0  }
0x53: {  	[tilespmem:$0x9370] =	vst v0  }
0x54: {  	[spmem:s7] =	stream.linear.scatter [tilespmem:s21], [sflag:$0x5], $0x2000, $0x38;
	[tilespmem:$0x1D600] =	vst v63  }
0x55: {  	s17 =	rddreg [dreg:$0x8]  }
0x56: {  	[spmem:s17] =	stream.linear.scatter [tilespmem:s21], [sflag:$0x5], $0x2000, $0x38;
	[tilespmem:$0x1D600] =	vst v63  }
0x57: {  	s18 =	rddreg [dreg:$0x9]  }
0x58: {  	[spmem:s18] =	stream.linear.scatter [tilespmem:s21], [sflag:$0x5], $0x2000, $0x38;
	[tilespmem:$0x1D600] =	vst v63  }
0x59: {  	s17 =	rddreg [dreg:$0xa]  }
0x5a: {  	[spmem:s17] =	stream.linear.scatter [tilespmem:s21], [sflag:$0x5], $0x2000, $0x38;
	[tilespmem:$0x1D600] =	vst v63  }
0x5b: {  	s18 =	rddreg [dreg:$0xb]  }
0x5c: {  	[spmem:s18] =	stream.linear.scatter [tilespmem:s21], [sflag:$0x5], $0x2000, $0x38;
	[tilespmem:$0x1D600] =	vst v63  }
0x5d: {  	s17 =	rddreg [dreg:$0xc]  }
0x5e: {  	[spmem:s17] =	stream.linear.scatter [tilespmem:s21], [sflag:$0x5], $0x2000, $0x38;
	[tilespmem:$0x1D600] =	vst v63  }
0x5f: {  	s18 =	rddreg [dreg:$0xd]  }
0x60: {  	[spmem:s18] =	stream.linear.scatter [tilespmem:s21], [sflag:$0x5], $0x2000, $0x38;
	[tilespmem:$0x1D600] =	vst v63  }
0x61: {  	s17 =	rddreg [dreg:$0xe]  }
0x62: {  	[spmem:s17] =	stream.linear.scatter [tilespmem:s21], [sflag:$0x5], $0x2000, $0x38;
	[tilespmem:$0x1D600] =	vst v63  }
0x63: {  	s18 =	rddreg [dreg:$0xf]  }
0x64: {  	[spmem:s18] =	stream.linear.scatter [tilespmem:s21], [sflag:$0x5], $0x2000, $0x38;
	[tilespmem:$0x1D600] =	vst v63  }
0x65: {  	_ = 	snop  }
0x66: {  	[spmem:s20] =	stream.linear.scatter [tilespmem:s21], [sflag:$0x5], $0x2000, $0x38;
	[tilespmem:$0x1D600] =	vst v63  }
0x67: {  	s17 =	simm.s32 $0x9100  }
0x68: {  	[spmem:s8] =	stream.linear.scatter [tilespmem:s17], [sflag:$0x7], $0x280, $0x38;
	[tilespmem:$0x1D600] =	vst v63  }
0x69: {  	s16 =	simm.s32 $0x0;
	s17 =	rddreg [dreg:$0x5]  }
0x6a: {  	[tilespmem:s16], [sflag:$0x9] =	stream.linear.gather [hbm4b:s17+s16], $0x2800, $0x38;
	[tilespmem:$0x1D600] =	vst v63  }
0x6b: {  	_ =	swait.ge [sflag:s25], $0x2800  }
0x6c: {  	[sflag:s25] =	ssyncset.done $0x0  }
0x6d: {  	s18 =	simm.s32 $0x2800;
	s17 =	rddreg [dreg:$0x6];
	[sflag:s25] =	ssyncadd.s32 $0xFFFFD800  }
0x6e: {  	[tilespmem:s18], [sflag:$0x9] =	stream.linear.gather [hbm4b:s17+s16], $0x2800, $0x38;
	[tilespmem:$0x1D600] =	vst v63  }
0x6f: {  	_ =	swait.ge [sflag:s25], $0x2800  }
0x70: {  	[sflag:s25] =	ssyncset.done $0x0  }
0x71: {  	[sflag:s25] =	ssyncadd.s32 $0xFFFFD800  }
0x72: {  	_ =	swait.ge [sflag:s28], $0x2000  }
0x73: {  	[sflag:s28] =	ssyncset.done $0x0  }
0x74: {  	[sflag:s28] =	ssyncadd.s32 $0xFFFFE000  }
0x75: {  	_ =	swait.ge [sflag:s28], $0x2000  }
0x76: {  	[sflag:s28] =	ssyncset.done $0x0  }
0x77: {  	[sflag:s28] =	ssyncadd.s32 $0xFFFFE000  }
0x78: {  	_ =	swait.ge [sflag:s28], $0x2000  }
0x79: {  	[sflag:s28] =	ssyncset.done $0x0  }
0x7a: {  	[sflag:s28] =	ssyncadd.s32 $0xFFFFE000  }
0x7b: {  	_ =	swait.ge [sflag:s28], $0x2000  }
0x7c: {  	[sflag:s28] =	ssyncset.done $0x0  }
0x7d: {  	[sflag:s28] =	ssyncadd.s32 $0xFFFFE000  }
0x7e: {  	_ =	swait.ge [sflag:s28], $0x2000  }
0x7f: {  	[sflag:s28] =	ssyncset.done $0x0  }
0x80: {  	[sflag:s28] =	ssyncadd.s32 $0xFFFFE000  }
0x81: {  	_ =	swait.ge [sflag:s28], $0x2000  }
0x82: {  	[sflag:s28] =	ssyncset.done $0x0  }
0x83: {  	[sflag:s28] =	ssyncadd.s32 $0xFFFFE000  }
0x84: {  	_ =	swait.ge [sflag:s28], $0x2000  }
0x85: {  	[sflag:s28] =	ssyncset.done $0x0  }
0x86: {  	[sflag:s28] =	ssyncadd.s32 $0xFFFFE000  }
0x87: {  	_ =	swait.ge [sflag:s28], $0x2000  }
0x88: {  	[sflag:s28] =	ssyncset.done $0x0  }
0x89: {  	[sflag:s28] =	ssyncadd.s32 $0xFFFFE000  }
0x8a: {  	_ =	swait.ge [sflag:s28], $0x2000  }
0x8b: {  	[sflag:s28] =	ssyncset.done $0x0  }
0x8c: {  	[sflag:s28] =	ssyncadd.s32 $0xFFFFE000  }
0x8d: {  	_ =	swait.ge [sflag:s28], $0x2000  }
0x8e: {  	[sflag:s28] =	ssyncset.done $0x0  }
0x8f: {  	[sflag:s28] =	ssyncadd.s32 $0xFFFFE000  }
0x90: {  	_ =	swait.ge [sflag:s29], $0x280  }
0x91: {  	[sflag:s29] =	ssyncset.done $0x0  }
0x92: {  	[sflag:s29] =	ssyncadd.s32 $0xFFFFFD80  }
0x93: {  	[bflag:$0x0] =	sbarrier.arrive $0xFFFF  }
0x94: {  	[tilespmem:s21], [sflag:$0x1] =	stream.indirect.gather [hbm4b:s5+s30], $0x80, s16, s30, $0xb8;
	[tilespmem:$0x1D600] =	vst v63  }
0x95: {  	_ = 	snop  }
0x96: {  	[tilespmem:s31], [sflag:$0x3] =	stream.indirect.gather [hbm4b:s6+s30], $0x1, s16, s30, $0xb8;
	[tilespmem:$0x1D600] =	vst v63  }
0x97: {  	_ = 	snop  }
0x98: {  	[tilespmem:s23], [sflag:$0x2] =	stream.indirect.gather [hbm4b:s5+s30], $0x80, s1, s30, $0xb8;
	[tilespmem:$0x1D600] =	vst v63  }
0x99: {  	_ = 	snop  }
0x9a: {  	[tilespmem:s26], [sflag:$0x4] =	stream.indirect.gather [hbm4b:s6+s30], $0x1, s1, s30, $0xb8;
	[tilespmem:$0x1D600] =	vst v63  }
0x9b: {  	_ =	swait.ge [sflag:s0], $0x2000  }
0x9c: {  	[sflag:s0] =	ssyncset.done $0x0  }
0x9d: {  	[sflag:s0] =	ssyncadd.s32 $0xFFFFE000  }
0x9e: {  	_ =	swait.ge [sflag:s9], $0x40  }
0x9f: {  	[sflag:s9] =	ssyncset.done $0x0  }
0xa0: {  	s18 =	simm.s32 $0x2800;
	[sflag:s9] =	ssyncadd.s32 $0xFFFFFFC0  }
0xa1: {  	[spmem:s2] =	stream.indirect.scatter.add.f32 [tilespmem:s21], [sflag:$0x5], $0x80, s18, s30, $0xb8;
	[tilespmem:$0x1D600] =	vst v63  }
0xa2: {  	_ = 	snop  }
0xa3: {  	[spmem:s3] =	stream.indirect.scatter.add.f32 [tilespmem:s31], [sflag:$0x7], $0x1, s18, s30, $0xb8;
	[tilespmem:$0x1D600] =	vst v63  }
0xa4: {  	_ =	swait.ge [sflag:s28], $0x2000  }
0xa5: {  	[sflag:s28] =	ssyncset.done $0x0  }
0xa6: {  	[sflag:s28] =	ssyncadd.s32 $0xFFFFE000  }
0xa7: {  	_ =	swait.ge [sflag:s29], $0x40  }
0xa8: {  	[sflag:s29] =	ssyncset.done $0x0  }
0xa9: {  	s17 =	simm.s32 $0x100;
	[sflag:s29] =	ssyncadd.s32 $0xFFFFFFC0  }
0xaa: {  	[tilespmem:s21], [sflag:$0x1] =	stream.indirect.gather [hbm4b:s5+s30], $0x80, s17, s30, $0xb8;
	[tilespmem:$0x1D600] =	vst v63  }
0xab: {  	_ = 	snop  }
0xac: {  	[tilespmem:s31], [sflag:$0x3] =	stream.indirect.gather [hbm4b:s6+s30], $0x1, s17, s30, $0xb8;
	[tilespmem:$0x1D600] =	vst v63  }
0xad: {  	_ =	swait.ge [sflag:s10], $0x2000  }
0xae: {  	[sflag:s10] =	ssyncset.done $0x0  }
0xaf: {  	[sflag:s10] =	ssyncadd.s32 $0xFFFFE000  }
0xb0: {  	_ =	swait.ge [sflag:s11], $0x40  }
0xb1: {  	[sflag:s11] =	ssyncset.done $0x0  }
0xb2: {  	s18 =	simm.s32 $0x2880;
	[sflag:s11] =	ssyncadd.s32 $0xFFFFFFC0  }
0xb3: {  	[spmem:s2] =	stream.indirect.scatter.add.f32 [tilespmem:s23], [sflag:$0x6], $0x80, s18, s30, $0xb8;
	[tilespmem:$0x1D600] =	vst v63  }
0xb4: {  	_ = 	snop  }
0xb5: {  	[spmem:s3] =	stream.indirect.scatter.add.f32 [tilespmem:s26], [sflag:$0x8], $0x1, s18, s30, $0xb8;
	[tilespmem:$0x1D600] =	vst v63  }
0xb6: {  	_ =	swait.ge [sflag:s12], $0x2000  }
0xb7: {  	[sflag:s12] =	ssyncset.done $0x0  }
0xb8: {  	[sflag:s12] =	ssyncadd.s32 $0xFFFFE000  }
0xb9: {  	_ =	swait.ge [sflag:s13], $0x40  }
0xba: {  	[sflag:s13] =	ssyncset.done $0x0  }
0xbb: {  	s16 =	simm.s32 $0x400;
	s17 =	simm.s32 $0x180;
	[sflag:s13] =	ssyncadd.s32 $0xFFFFFFC0  }
0xbc: {  	[tilespmem:s23], [sflag:$0x2] =	stream.indirect.gather [hbm4b:s5+s30], $0x80, s17, s30, $0xb8;
	[tilespmem:$0x1D600] =	vst v63  }
.LBB2_4:
0xbd: {  	[tilespmem:s26], [sflag:$0x4] =	stream.indirect.gather [hbm4b:s6+s30], $0x1, s17, s30, $0xb8;
	[tilespmem:$0x1D600] =	vst v63  }
0xbe: {  	s17 =	smov.u32 s16  }
0xbf: {  	p0 =	sne.s32 s16, $0x9800;
	s16 =	sadd.s32 $0x400, s16;
	_ =	swait.ge [sflag:s0], $0x2000  }
0xc0: {  	[sflag:s0] =	ssyncset.done $0x0  }
0xc1: {  	[sflag:s0] =	ssyncadd.s32 $0xFFFFE000  }
0xc2: {  	_ =	swait.ge [sflag:s9], $0x40  }
0xc3: {  	s17 =	sshra.s32 s17, $0x2;
	[sflag:s9] =	ssyncset.done $0x0  }
0xc4: {  	s18 =	sadd.s32 $0x2800, s17;
	[sflag:s9] =	ssyncadd.s32 $0xFFFFFFC0  }
0xc5: {  	[spmem:s2] =	stream.indirect.scatter.add.f32 [tilespmem:s21], [sflag:$0x5], $0x80, s18, s30, $0xb8;
	[tilespmem:$0x1D600] =	vst v63  }
0xc6: {  	_ = 	snop  }
0xc7: {  	[spmem:s3] =	stream.indirect.scatter.add.f32 [tilespmem:s31], [sflag:$0x7], $0x1, s18, s30, $0xb8;
	[tilespmem:$0x1D600] =	vst v63  }
0xc8: {  	_ =	swait.ge [sflag:s28], $0x2000  }
0xc9: {  	[sflag:s28] =	ssyncset.done $0x0  }
0xca: {  	[sflag:s28] =	ssyncadd.s32 $0xFFFFE000  }
0xcb: {  	_ =	swait.ge [sflag:s29], $0x40  }
0xcc: {  	[sflag:s29] =	ssyncset.done $0x0  }
0xcd: {  	s18 =	sadd.s32 $0x100, s17;
	[sflag:s29] =	ssyncadd.s32 $0xFFFFFFC0  }
0xce: {  	[tilespmem:s21], [sflag:$0x1] =	stream.indirect.gather [hbm4b:s5+s30], $0x80, s18, s30, $0xb8;
	[tilespmem:$0x1D600] =	vst v63  }
0xcf: {  	_ = 	snop  }
0xd0: {  	[tilespmem:s31], [sflag:$0x3] =	stream.indirect.gather [hbm4b:s6+s30], $0x1, s18, s30, $0xb8;
	[tilespmem:$0x1D600] =	vst v63  }
0xd1: {  	_ =	swait.ge [sflag:s10], $0x2000  }
0xd2: {  	[sflag:s10] =	ssyncset.done $0x0  }
0xd3: {  	[sflag:s10] =	ssyncadd.s32 $0xFFFFE000  }
0xd4: {  	_ =	swait.ge [sflag:s11], $0x40  }
0xd5: {  	[sflag:s11] =	ssyncset.done $0x0  }
0xd6: {  	s18 =	sadd.s32 $0x2880, s17;
	[sflag:s11] =	ssyncadd.s32 $0xFFFFFFC0  }
0xd7: {  	[spmem:s2] =	stream.indirect.scatter.add.f32 [tilespmem:s23], [sflag:$0x6], $0x80, s18, s30, $0xb8;
	[tilespmem:$0x1D600] =	vst v63  }
0xd8: {  	_ = 	snop  }
0xd9: {  	[spmem:s3] =	stream.indirect.scatter.add.f32 [tilespmem:s26], [sflag:$0x8], $0x1, s18, s30, $0xb8;
	[tilespmem:$0x1D600] =	vst v63  }
0xda: {  	_ =	swait.ge [sflag:s12], $0x2000  }
0xdb: {  	[sflag:s12] =	ssyncset.done $0x0  }
.Ltmp1:
0xdc: {  	[sflag:s12] =	ssyncadd.s32 $0xFFFFE000;
	(pc) =	sbr.rel @p0 .LBB2_4-.Ltmp1, $4  }
0xdd: {  	_ =	swait.ge [sflag:s13], $0x40  }
0xde: {  	[sflag:s13] =	ssyncset.done $0x0  }
0xdf: {  	s17 =	sadd.s32 $0x180, s17;
	[sflag:s13] =	ssyncadd.s32 $0xFFFFFFC0  }
0xe0: {  	[tilespmem:s23], [sflag:$0x2] =	stream.indirect.gather [hbm4b:s5+s30], $0x80, s17, s30, $0xb8;
	[tilespmem:$0x1D600] =	vst v63  }
0xe1: {  	[tilespmem:s26], [sflag:$0x4] =	stream.indirect.gather [hbm4b:s6+s30], $0x1, s17, s30, $0xb8;
	[tilespmem:$0x1D600] =	vst v63  }
0xe2: {  	_ =	swait.ge [sflag:s0], $0x2000  }
0xe3: {  	[sflag:s0] =	ssyncset.done $0x0  }
0xe4: {  	[sflag:s0] =	ssyncadd.s32 $0xFFFFE000  }
0xe5: {  	_ =	swait.ge [sflag:s9], $0x40  }
0xe6: {  	[sflag:s9] =	ssyncset.done $0x0  }
0xe7: {  	[sflag:s9] =	ssyncadd.s32 $0xFFFFFFC0  }
0xe8: {  	[spmem:s2] =	stream.indirect.scatter.add.f32 [tilespmem:s21], [sflag:$0x5], $0x80, s14, s30, $0xb8;
	[tilespmem:$0x1D600] =	vst v63  }
0xe9: {  	_ = 	snop  }
0xea: {  	[spmem:s3] =	stream.indirect.scatter.add.f32 [tilespmem:s31], [sflag:$0x7], $0x1, s14, s30, $0xb8;
	[tilespmem:$0x1D600] =	vst v63  }
0xeb: {  	_ =	swait.ge [sflag:s28], $0x2000  }
0xec: {  	[sflag:s28] =	ssyncset.done $0x0  }
0xed: {  	[sflag:s28] =	ssyncadd.s32 $0xFFFFE000  }
0xee: {  	_ =	swait.ge [sflag:s29], $0x40  }
0xef: {  	[sflag:s29] =	ssyncset.done $0x0  }
0xf0: {  	[sflag:s29] =	ssyncadd.s32 $0xFFFFFFC0  }
0xf1: {  	_ =	swait.ge [sflag:s10], $0x2000  }
0xf2: {  	[sflag:s10] =	ssyncset.done $0x0  }
0xf3: {  	[sflag:s10] =	ssyncadd.s32 $0xFFFFE000  }
0xf4: {  	_ =	swait.ge [sflag:s11], $0x40  }
0xf5: {  	[sflag:s11] =	ssyncset.done $0x0  }
0xf6: {  	[sflag:s11] =	ssyncadd.s32 $0xFFFFFFC0  }
0xf7: {  	[spmem:s2] =	stream.indirect.scatter.add.f32 [tilespmem:s23], [sflag:$0x6], $0x80, s15, s30, $0xb8;
	[tilespmem:$0x1D600] =	vst v63  }
0xf8: {  	_ = 	snop  }
0xf9: {  	[spmem:s3] =	stream.indirect.scatter.add.f32 [tilespmem:s26], [sflag:$0x8], $0x1, s15, s30, $0xb8;
	[tilespmem:$0x1D600] =	vst v63  }
0xfa: {  	_ =	swait.ge [sflag:s12], $0x2000  }
0xfb: {  	[sflag:s12] =	ssyncset.done $0x0  }
0xfc: {  	[sflag:s12] =	ssyncadd.s32 $0xFFFFE000  }
0xfd: {  	_ =	swait.ge [sflag:s13], $0x40  }
0xfe: {  	s16 =	stileid.u32;
	[sflag:s13] =	ssyncset.done $0x0  }
0xff: {  	s16 =	sshll.u32 s16, $0x6;
	[sflag:s13] =	ssyncadd.s32 $0xFFFFFFC0  }
0x100: {  	s18 =	sshrl.u32 s7, $0x3;
	s16 =	sor.u32 $0x1C09, s16;
	[bflag:$0x0] =	sbarrier.arrive $0xFFFF  }
0x101: {  	[hbm:s22], [sflag:s16] =	dma.local [spmem:s18], $0x2800  }
0x102: {  	_ =	swait.ge [sflag:s25], $0x2800  }
0x103: {  	[sflag:s25] =	ssyncset.done $0x0  }
0x104: {  	s17 =	sshrl.u32 s8, $0x3;
	s18 =	simm.s32 $0x20;
	[sflag:s25] =	ssyncadd.s32 $0xFFFFD800  }
0x105: {  	[hbm:s24@s18], [sflag:s16] =	dma.strided [spmem:s17@s19], $0x50, s0, $0x10   }
0x106: {  	_ =	swait.ge [sflag:s25], $0x50  }
0x107: {  	s4 =	sadd.s32 $0x1, s4;
	s18 =	rddreg [dreg:$0x7]  }
0x108: {  	p0 =	sne.s32 s4, s18  }
.Ltmp2:
0x109: {  	_ = 	snop;
	(pc) =	sbr.rel @p0 .LBB2_1-.Ltmp2, $3  }
0x10a: {  	_ =	sdelay $0x1  }
0x10b: {  	[sflag:s25] =	ssyncset.done $0x0  }
0x10c: {  	[sflag:s25] =	ssyncadd.s32 $0xFFFFFFB0  }
0x10d: {  	_ =	sfence.sel $0x180000  }
0x10e: {  	[bflag:$0x0] =	sbarrier.arrive $0xFFFF  }
0x10f: {  	_ =	strace $0x9000004D  }
0x110: {  	s0 =	stileid.u32;
	[bflag:$0x2] =	sbarrier.arrive $0xFFFF  }
0x111: {  	p0 =	sne.s32 s0, $0x0;
	s0 =	rddreg [dreg:$0x4]  }
0x112: {  	s0 =	sadd.s32 @!p0 $0x100000, s0  }
0x113: {  	[sflag:s0] =	ssyncadd.tile.s32 @!p0 $0x1;
	_ =	shalt  }
.Lfunc_end2:
_tile_overlayer_lowered:
.L_overlay_start_2:
0x114: {  	(tag) =	ssettag $0x2  }
0x115: {  	s0 =	rddreg [dreg:$0x0];
	s2 =	stileid.u32  }
0x116: {  	s1 =	rddreg [dreg:$0x1];
	p0 =	sne.s32 s2, $0x0  }
0x117: {  	s3 =	rddreg [dreg:$0x2];
	[bflag:$0x3] =	sbarrier.arrive $0xFFFF;
	s2 =	simm.s32 @!p0 $0x1C09  }
0x118: {  	[timem:s3], [sflag:s2] =	dma.local @!p0 [hbm:s0], s1  }
0x119: {  	s0 =	simm.s32 @!p0 $0x9  }
0x11a: {  	_ =	swait.ge @!p0 [sflag:s0], s1  }
0x11b: {  	s1 =	ssub.s32 @!p0 $0x0, s1;
	[sflag:s0] =	ssyncset.done @!p0 $0x0  }
0x11c: {  	[sflag:s0] =	ssyncadd.s32 @!p0 s1  }
0x11d: {  	[bflag:$0x3] =	sbarrier.arrive $0xFFFF  }
0x11e: {  	_ =	shalt  }

// kernel: kernel.9.cloned.1.call-start
scs
__scs_entry_jumppad:
0x0: {  	(pc) =	sbr.rel $0x88, $3  }
0x1: {  	(tag) =	ssettag $0x0;
	lr =	simm.s32 $0x1  }
0x2: {  	[smem:$0x3F92] =	sst lr;
	_ =	strace $0xD0000000  }
0x3: {  	_ = 	snop  }
0x4: {  	_ = 	snop  }
0x5: {  	_ = 	snop  }
0x6: {  	_ = 	snop  }
0x7: {  	_ = 	snop  }
__scs_overlays_trampoline_lowered:
0x8: {  	[smem:$0x3FA1] =	sst s0  }
0x9: {  	[smem:$0x3FA2] =	sst s1  }
0xa: {  	[smem:$0x3FA3] =	sst s2  }
0xb: {  	[smem:$0x3FA4] =	sst s3  }
0xc: {  	[smem:$0x3FA5] =	sst s4  }
0xd: {  	[smem:$0x3FA6] =	sst s5  }
0xe: {  	[smem:$0x3FA7] =	sst s6  }
0xf: {  	[smem:$0x3FA8] =	sst s7  }
0x10: {  	[smem:$0x3FA9] =	sst s8  }
0x11: {  	[smem:$0x3FAA] =	sst s9;
	s0 =	simm.s32 @!p0 $0x0  }
0x12: {  	s1 =	sld [smem:$0x3F90];
	s0 =	simm.s32 @p0 $0x1  }
0x13: {  	[smem:$0x3FAB] =	sst s0;
	s0 =	simm.s32 @!p1 $0x0  }
0x14: {  	s2 =	sld [smem:$0x3F8F];
	s0 =	simm.s32 @p1 $0x1  }
0x15: {  	[smem:$0x3FAC] =	sst s0;
	s0 =	simm.s32 @!p2 $0x0  }
0x16: {  	s3 =	sld [smem:$0x3FDB];
	s0 =	simm.s32 @p2 $0x1  }
0x17: {  	s4 =	simm.s32 $0x1BF5;
	[smem:$0x3FAE] =	sst s0  }
0x18: {  	s0 =	sld [smem:$0x3F91];
	_ =	swait.ge [sflag:s4], $0x0  }
0x19: {  	s7 =	sld [smem:$0x3F92]  }
0x1a: {  	s8 =	sadd.s32 $0xFFFFE003, lr  }
0x1b: {  	s9 =	sadd.s32 $0xFFFFFEF7, lr;
	s5 =	simm.s32 $0xFFFFFFFF;
	p2 =	slt.u32 s8, $0xFFFFF086  }
0x1c: {  	p1 =	slt.u32 s9, $0xF7A;
	s5 =	simm.s32 @!p2 $0x0  }
0x1d: {  	s5 =	simm.s32 @p1 $0x1;
	p0 =	seq.s32 s7, s2  }
0x1e: {  	s7 =	smul.u32 @!p0 $0xF7A, s2;
	p2 =	seq.s32 @!p0 s5, $0x0  }
0x1f: {  	s9 =	smul.u32 $0xF7A, s1;
	s8 =	simm.s32 @!p0 $0x1BF5;
	p2 =	por !p2, p0  }
0x20: {  	[sflag:s8] =	ssyncset.s32 @!p0 $0xFFFFF086;
	s6 =	sadd.s32 @!p0 s3, s7;
	s7 =	simm.s32 @!p0 $0x108  }
0x21: {  	s3 =	sadd.s32 s3, s9;
	s6 =	sadd.s32 @!p0 $0x88, s6;
	s7 =	simm.s32 @p2 $0x1082  }
0x22: {  	[simem:s7], [sflag:s8] =	dma.local @!p0 [hbm:s6], $0xF7A  }
0x23: {  	s9 =	sor.u32 $0xD0000000, s2;
	s6 =	simm.s32 $0x108;
	_ =	swait.ge @!p0 [sflag:s8], $0x0  }
0x24: {  	s3 =	sadd.s32 $0x88, s3;
	s6 =	simm.s32 @!p1 $0x1082;
	[sflag:s4] =	ssyncset.s32 $0xFFFFF086  }
0x25: {  	[simem:s6], [sflag:s4] =	dma.local [hbm:s3], $0xF7A  }
0x26: {  	[smem:$0x3F92] =	sst s1;
	(tag) =	ssettag s2;
	_ =	strace s9  }
0x27: {  	s1 =	sld [smem:$0x3FA2]  }
0x28: {  	s2 =	sld [smem:$0x3FA3]  }
0x29: {  	s4 =	sld [smem:$0x3FA5]  }
0x2a: {  	p0 =	seq.s32 s5, $0x0;
	s5 =	sld [smem:$0x3FA6]  }
0x2b: {  	s6 =	sld [smem:$0x3FA7]  }
0x2c: {  	s7 =	sld [smem:$0x3FA8]  }
0x2d: {  	s3 =	simm.s32 $0x108;
	s8 =	sld [smem:$0x3FA9]  }
0x2e: {  	s3 =	simm.s32 @!p0 $0x1082;
	s9 =	sld [smem:$0x3FAA]  }
0x2f: {  	lr =	sadd.s32 s0, s3;
	s0 =	sld [smem:$0x3FA1]  }
0x30: {  	s3 =	sld [smem:$0x3FA4]  }
0x31: {  	[smem:$0x3FAD] =	sst s10  }
0x32: {  	s10 =	sld [smem:$0x3FAB];
	_ =	sdelay $0x3  }
0x33: {  	p0 =	seq.s32 s10, $0x1;
	s10 =	sld [smem:$0x3FAD];
	_ =	sdelay $0x3  }
0x34: {  	[smem:$0x3FAD] =	sst s10  }
0x35: {  	s10 =	sld [smem:$0x3FAC];
	_ =	sdelay $0x3  }
0x36: {  	p1 =	seq.s32 s10, $0x1;
	s10 =	sld [smem:$0x3FAD];
	_ =	sdelay $0x3  }
0x37: {  	[smem:$0x3FAD] =	sst s10  }
0x38: {  	s10 =	sld [smem:$0x3FAE]  }
0x39: {  	_ = 	snop;
	(pc) =	sbr.ind lr, $3  }
0x3a: {  	_ = 	snop  }
0x3b: {  	_ = 	snop  }
0x3c: {  	p2 =	seq.s32 s10, $0x1;
	s10 =	sld [smem:$0x3FAD]  }
0x3d: {  	_ =	shalt  }
0x3e: {  	_ =	shalt  }
0x3f: {  	_ =	shalt  }
0x40: {  	_ =	shalt  }
0x41: {  	_ =	shalt  }
0x42: {  	_ =	shalt  }
0x43: {  	_ =	shalt  }
0x44: {  	_ =	shalt  }
0x45: {  	_ =	shalt  }
0x46: {  	_ =	shalt  }
0x47: {  	_ =	shalt  }
0x48: {  	_ =	shalt  }
0x49: {  	_ =	shalt  }
0x4a: {  	_ =	shalt  }
0x4b: {  	_ =	shalt  }
0x4c: {  	_ =	shalt  }
0x4d: {  	_ =	shalt  }
0x4e: {  	_ =	shalt  }
0x4f: {  	_ =	shalt  }
0x50: {  	_ =	shalt  }
0x51: {  	_ =	shalt  }
0x52: {  	_ =	shalt  }
0x53: {  	_ =	shalt  }
0x54: {  	_ =	shalt  }
0x55: {  	_ =	shalt  }
0x56: {  	_ =	shalt  }
0x57: {  	_ =	shalt  }
0x58: {  	_ =	shalt  }
0x59: {  	_ =	shalt  }
0x5a: {  	_ =	shalt  }
0x5b: {  	_ =	shalt  }
0x5c: {  	_ =	shalt  }
0x5d: {  	_ =	shalt  }
0x5e: {  	_ =	shalt  }
0x5f: {  	_ =	shalt  }
0x60: {  	_ =	shalt  }
0x61: {  	_ =	shalt  }
0x62: {  	_ =	shalt  }
0x63: {  	_ =	shalt  }
0x64: {  	_ =	shalt  }
0x65: {  	_ =	shalt  }
0x66: {  	_ =	shalt  }
0x67: {  	_ =	shalt  }
0x68: {  	_ =	shalt  }
0x69: {  	_ =	shalt  }
0x6a: {  	_ =	shalt  }
0x6b: {  	_ =	shalt  }
0x6c: {  	_ =	shalt  }
0x6d: {  	_ =	shalt  }
0x6e: {  	_ =	shalt  }
0x6f: {  	_ =	shalt  }
0x70: {  	_ =	shalt  }
0x71: {  	_ =	shalt  }
0x72: {  	_ =	shalt  }
0x73: {  	_ =	shalt  }
0x74: {  	_ =	shalt  }
0x75: {  	_ =	shalt  }
0x76: {  	_ =	shalt  }
0x77: {  	_ =	shalt  }
0x78: {  	_ =	shalt  }
0x79: {  	_ =	shalt  }
0x7a: {  	_ =	shalt  }
0x7b: {  	_ =	shalt  }
0x7c: {  	_ =	shalt  }
0x7d: {  	_ =	shalt  }
0x7e: {  	_ =	shalt  }
0x7f: {  	_ =	shalt  }
0x80: {  	_ =	shalt  }
0x81: {  	_ =	shalt  }
0x82: {  	_ =	shalt  }
0x83: {  	_ =	shalt  }
0x84: {  	_ =	shalt  }
0x85: {  	_ =	shalt  }
0x86: {  	_ =	shalt  }
0x87: {  	_ =	shalt  }
.Lfunc_end0:
.L_simem_size_0:
called_computation_lowered:
.L_overlay_start_0:
0x88: {  	s2 =	sld [smem:$0x3FD9]  }
0x89: {  	s3 =	sld [smem:$0x3FFE];
	_ =	sdelay $0x1  }
0x8a: {  	s1 =	srdreg.scid  }
0x8b: {  	s0 =	sand.u32 $0x1, s1  }
0x8c: {  	s17 =	sshll.u32 s0, $0xA;
	s2 =	sadd.s32 s3, s2  }
0x8d: {  	s2 =	sadd.s32 s2, s17  }
0x8e: {  	[smem:$0x3FB9] =	sst s2  }
0x8f: {  	_ = 	snop  }
0x90: {  	s2 =	sld [smem:$0x3FD0];
	(tm) =	ssettm $0x1  }
0x91: {  	s18 =	sld [smem:$0x3FFB];
	_ =	sdelay $0x3  }
0x92: {  	_ =	strace s18  }
0x93: {  	s3 =	sld [smem:$0x3FFC];
	_ =	sdelay $0x3  }
0x94: {  	_ =	strace s3  }
0x95: {  	s3 =	sld [smem:$0x3FFD];
	_ =	sdelay $0x3  }
0x96: {  	_ =	strace s3  }
0x97: {  	_ =	strace $0x8FFFFFFF  }
0x98: {  	s19 =	sld [smem:$0x3FDB];
	_ =	sdelay $0x1  }
0x99: {  	s4 =	simm.s32 $_scs_section_size  }
0x9a: {  	s5 =	simm.s32 $_size__tile_overlayer_lowered;
	s6 =	simm.s32 $_tile_overlayer_lowered  }
0x9b: {  	s22 =	simm.s32 $0x1BFF;
	s21 =	sshll.u32 s6, $0x1;
	s3 =	sadd.s32 s4, s19  }
0x9c: {  	s7 =	simm.s32 $0x0;
	s20 =	sshll.u32 s5, $0x1;
	s5 =	sadd.s32 s21, s3  }
0x9d: {  	[timem:s7], [sflag:s22] =	dma.local [hbm:s5], s20  }
0x9e: {  	_ =	swait.ge [sflag:s22], s20  }
0x9f: {  	s4 =	ssub.s32 $0x0, s20;
	[sflag:s22] =	ssyncset.done $0x0  }
0xa0: {  	[sflag:s22] =	ssyncadd.s32 s4;
	_ =	sdelay $0x1  }
0xa1: {  	s23 =	simm.s32 $0x1B8B  }
0xa2: {  	_ =	swait.ge [sflag:s23], $0x1  }
0xa3: {  	[sflag:s23] =	ssyncset.done $0x0  }
0xa4: {  	s25 =	simm.s32 $0x1B8E;
	s24 =	sld [smem:$0x3FFE];
	[sflag:s23] =	ssyncadd.s32 $0xFFFFFFFF  }
0xa5: {  	s26 =	simm.s32 $execute0_lowered;
	[smem:$0x3FD2] =	sst s25  }
0xa6: {  	s5 =	sshll.u32 s26, $0x1;
	_ =	strace $0x80000046;
	[dreg:$0x1] =	wrdreg $0xFFFFFFFF  }
0xa7: {  	s28 =	simm.s32 $_size_execute0_lowered;
	s3 =	sadd.s32 s3, s5;
	[dreg:$0x0] =	wrdreg $0x0  }
0xa8: {  	s5 =	sshll.u32 s28, $0x1;
	[dreg:$0x2] =	wrdreg s3  }
0xa9: {  	[dreg:$0x3] =	wrdreg s5  }
0xaa: {  	[dreg:$0x4] =	wrdreg $0xC0  }
0xab: {  	_ =	task [dreg:s7], $0x5FFFF  }
0xac: {  	[dreg:$0x1] =	wrdreg $0xFFFFFFFF  }
0xad: {  	[dreg:$0x0] =	wrdreg $0x60  }
0xae: {  	[dreg:$0x2] =	wrdreg s24  }
0xaf: {  	[dreg:$0x3] =	wrdreg s2  }
0xb0: {  	[dreg:$0x4] =	wrdreg $0x93800  }
0xb1: {  	[dreg:$0x5] =	wrdreg $0x1D3800  }
0xb2: {  	[dreg:$0x6] =	wrdreg $0x9  }
0xb3: {  	_ =	task.clear_ibuf [dreg:s7], $0x7FFFF;
	_ =	strace $0x90000046  }
0xb4: {  	s29 =	simm.s32 $0x9;
	_ =	strace $0x80000048  }
0xb5: {  	_ =	swait.ge [sflag:s29], $0x1  }
0xb6: {  	[sflag:s29] =	ssyncadd.s32 $0xFFFFFFFF  }
0xb7: {  	_ =	strace $0x90000048  }
0xb8: {  	_ =	sfence  }
0xb9: {  	s30 =	sld [smem:$0x0];
	_ =	sdelay $0x2  }
0xba: {  	s31 =	sshll.u32 s1, $0xD;
	s1 =	sshrl.u32 s1, $0x2  }
0xbb: {  	s3 =	sand.u32 $0x4000, s31;
	s1 =	sadd.s32 s1, s30  }
0xbc: {  	s0 =	sor.u32 s3, s0;
	s1 =	sshll.u32 s1, $0x11  }
0xbd: {  	s0 =	sor.u32 s1, s0  }
0xbe: {  	s0 =	sadd.s32 $0x8F2B, s0  }
0xbf: {  	[sflag:s0] =	ssyncadd.remote.s32 $0x1  }
0xc0: {  	_ =	sfence.sel $0xFFFF  }
0xc1: {  	[dreg:$0x0] =	wrdreg $0xFFFFFFFF;
	(pc) =	sbr.abs _section_cstart, $3  }
0xc2: {  	[dreg:$0x1] =	wrdreg $0xFFFFFFFF  }
0xc3: {  	_ =	task.clear_ibuf [dreg:s7], $0x2FFFF;
	_ =	strace $0x9FFFFFFF  }
0xc4: {  	(tm) =	ssettm $0x7FFFFFFF  }
0xc5: {  	_ =	shalt  }
tec
execute0_lowered:
.L_overlay_start_1:
0x0: {  	(tag) =	ssettag $0x1  }
0x1: {  	s0 =	rddreg [dreg:$0x0]  }
0x2: {  	s1 =	rddreg [dreg:$0x1];
	s3 =	srdreg.scid  }
0x3: {  	s14 =	stileid.u32;
	s2 =	rddreg [dreg:$0x2];
	s28 =	simm.s32 $0x5  }
0x4: {  	s29 =	simm.s32 $0x7;
	s30 =	simm.s32 $0x40;
	s10 =	smul.u32 $0x50000, s14  }
0x5: {  	s31 =	simm.s32 $0x9000;
	s9 =	sand.u32 $0x1, s3;
	s12 =	smul.u32 $0xA00, s14  }
0x6: {  	s4 =	sshll.u32 s14, $0x1;
	s3 =	rddreg [dreg:$0x3];
	s17 =	smul.u32 $0x2800, s14  }
0x7: {  	s6 =	sadd.s32 $0x3FC00, s0;
	s18 =	smul.u32 $0xA0, s14;
	s14 =	simm.s32 $0x4F00  }
0x8: {  	s5 =	sor.u32 s9, s4;
	s4 =	simm.s32 $0x0;
	s8 =	smul.u32 $0x28000, s9  }
0x9: {  	s11 =	ssub.s32 $0x2, s9;
	s9 =	sshll.u32 s9, $0x4;
	s7 =	smul.u32 $0x500, s5  }
0xa: {  	[smem:$0x7FF] =	sst s4;
	s5 =	sadd.s32 $0x17C00, s0;
	s10 =	sshrl.u32 s10, $0x2  }
0xb: {  	s12 =	sshrl.u32 s12, $0x2;
	s1 =	sadd.s32 s1, s9;
	s13 =	sadd.s32 s7, s0  }
0xc: {  	s9 =	simm.s32 $0x3;
	_ =	strace $0x80000047;
	s15 =	sadd.s32 $0x3C00, s13  }
0xd: {  	s7 =	sadd.s32 s10, s2;
	s16 =	sadd.s32 $0xDC00, s13;
	[dreg:$0x5] =	wrdreg s15  }
0xe: {  	s0 =	sadd.s32 s8, s0;
	s19 =	sadd.s32 $0x2000, s7;
	[dreg:$0x6] =	wrdreg s16  }
0xf: {  	s8 =	sshrl.u32 s11, $0x1;
	s20 =	sadd.s32 $0x4000, s7;
	[dreg:$0x8] =	wrdreg s19  }
0x10: {  	s10 =	simm.s32 $0x2;
	s21 =	sadd.s32 $0x6000, s7;
	[dreg:$0x9] =	wrdreg s20  }
0x11: {  	s11 =	ssub.s32 s11, s8;
	s22 =	sadd.s32 $0x8000, s7;
	[dreg:$0xa] =	wrdreg s21  }
0x12: {  	s8 =	sadd.s32 s12, s3;
	s23 =	sadd.s32 $0xA000, s7;
	[dreg:$0xb] =	wrdreg s22  }
0x13: {  	s0 =	sadd.s32 $0x40200, s0;
	s24 =	sadd.s32 $0xC000, s7;
	[dreg:$0xc] =	wrdreg s23  }
0x14: {  	s25 =	sadd.s32 $0xE000, s7;
	s26 =	sadd.s32 $0x10000, s7;
	[dreg:$0xd] =	wrdreg s24  }
0x15: {  	s12 =	simm.s32 $0x6;
	s13 =	simm.s32 $0x8;
	[dreg:$0xe] =	wrdreg s25  }
0x16: {  	s11 =	smax.u32 s11, $0x1;
	[dreg:$0xf] =	wrdreg s26;
	s20 =	sadd.s32 $0x12000, s7  }
0x17: {  	s21 =	simm.s32 $0x5000;
	s22 =	sadd.s32 s17, s0;
	s24 =	sadd.s32 s18, s1  }
0x18: {  	s25 =	simm.s32 $0x9;
	s1 =	simm.s32 $0x80;
	s23 =	simm.s32 $0x7000  }
0x19: {  	s26 =	simm.s32 $0x9080;
	s0 =	simm.s32 $0x1;
	s15 =	simm.s32 $0x4F80  }
0x1a: {  	v0 =	vimm.f32 $0.0e+00;
	s19 =	simm.s32 $0x10;
	[dreg:$0x7] =	wrdreg s11;
	s11 =	simm.s32 $0x4  }
.LBB2_1:
0x1b: {  	s16 =	simm.s32 $0x0;
	s17 =	simm.s32 $0x200  }
.LBB2_2:
0x1c: {  	p0 =	sne.s32 s17, $0x7E00;
	[tilespmem:s16+$0x5070] =	vst v0  }
0x1d: {  	[tilespmem:s16+$0x5000] =	vst v0  }
0x1e: {  	[tilespmem:s16+$0x5010] =	vst v0  }
.Ltmp0:
0x1f: {  	[tilespmem:s16+$0x5020] =	vst v0;
	(pc) =	sbr.rel @p0 .LBB2_2-.Ltmp0, $4  }
0x20: {  	[tilespmem:s16+$0x5030] =	vst v0  }
0x21: {  	[tilespmem:s16+$0x5040] =	vst v0  }
0x22: {  	[tilespmem:s16+$0x5050] =	vst v0  }
0x23: {  	[tilespmem:s16+$0x5060] =	vst v0;
	s16 =	sshra.s32 s17, $0x2;
	s17 =	sadd.s32 $0x200, s17  }
0x24: {  	[tilespmem:s16+$0x5070] =	vst v0  }
0x25: {  	[tilespmem:s16+$0x5000] =	vst v0  }
0x26: {  	[tilespmem:s16+$0x5010] =	vst v0  }
0x27: {  	[tilespmem:s16+$0x5020] =	vst v0  }
0x28: {  	[tilespmem:s16+$0x5030] =	vst v0  }
0x29: {  	[tilespmem:s16+$0x5040] =	vst v0  }
0x2a: {  	[tilespmem:s16+$0x5050] =	vst v0  }
0x2b: {  	[tilespmem:s16+$0x5060] =	vst v0  }
0x2c: {  	[tilespmem:$0x9100] =	vst v0  }
0x2d: {  	[tilespmem:$0x9110] =	vst v0  }
0x2e: {  	[tilespmem:$0x9120] =	vst v0  }
0x2f: {  	[tilespmem:$0x9130] =	vst v0  }
0x30: {  	[tilespmem:$0x9140] =	vst v0  }
0x31: {  	[tilespmem:$0x9150] =	vst v0  }
0x32: {  	[tilespmem:$0x9160] =	vst v0  }
0x33: {  	[tilespmem:$0x9170] =	vst v0  }
0x34: {  	[tilespmem:$0x9180] =	vst v0  }
0x35: {  	[tilespmem:$0x9190] =	vst v0  }
0x36: {  	[tilespmem:$0x91A0] =	vst v0  }
0x37: {  	[tilespmem:$0x91B0] =	vst v0  }
0x38: {  	[tilespmem:$0x91C0] =	vst v0  }
0x39: {  	[tilespmem:$0x91D0] =	vst v0  }
0x3a: {  	[tilespmem:$0x91E0] =	vst v0  }
0x3b: {  	[tilespmem:$0x91F0] =	vst v0  }
0x3c: {  	[tilespmem:$0x9200] =	vst v0  }
0x3d: {  	[tilespmem:$0x9210] =	vst v0  }
0x3e: {  	[tilespmem:$0x9220] =	vst v0  }
0x3f: {  	[tilespmem:$0x9230] =	vst v0  }
0x40: {  	[tilespmem:$0x9240] =	vst v0  }
0x41: {  	[tilespmem:$0x9250] =	vst v0  }
0x42: {  	[tilespmem:$0x9260] =	vst v0  }
0x43: {  	[tilespmem:$0x9270] =	vst v0  }
0x44: {  	[tilespmem:$0x9280] =	vst v0  }
0x45: {  	[tilespmem:$0x9290] =	vst v0  }
0x46: {  	[tilespmem:$0x92A0] =	vst v0  }
0x47: {  	[tilespmem:$0x92B0] =	vst v0  }
0x48: {  	[tilespmem:$0x92C0] =	vst v0  }
0x49: {  	[tilespmem:$0x92D0] =	vst v0  }
0x4a: {  	[tilespmem:$0x92E0] =	vst v0  }
0x4b: {  	[tilespmem:$0x92F0] =	vst v0  }
0x4c: {  	[tilespmem:$0x9300] =	vst v0  }
0x4d: {  	[tilespmem:$0x9310] =	vst v0  }
0x4e: {  	[tilespmem:$0x9320] =	vst v0  }
0x4f: {  	[tilespmem:$0x9330] =	vst v0  }
0x50: {  	[tilespmem:$0x9340] =	vst v0  }
0x51: {  	[tilespmem:$0x9350] =	vst v0  }
0x52: {  	[tilespmem:$0x9360] =	vst v0  }
0x53: {  	[tilespmem:$0x9370] =	vst v0  }
0x54: {  	[spmem:s7] =	stream.linear.scatter [tilespmem:s21], [sflag:$0x5], $0x2000, $0x38;
	[tilespmem:$0x1D600] =	vst v63  }
0x55: {  	s17 =	rddreg [dreg:$0x8]  }
0x56: {  	[spmem:s17] =	stream.linear.scatter [tilespmem:s21], [sflag:$0x5], $0x2000, $0x38;
	[tilespmem:$0x1D600] =	vst v63  }
0x57: {  	s18 =	rddreg [dreg:$0x9]  }
0x58: {  	[spmem:s18] =	stream.linear.scatter [tilespmem:s21], [sflag:$0x5], $0x2000, $0x38;
	[tilespmem:$0x1D600] =	vst v63  }
0x59: {  	s17 =	rddreg [dreg:$0xa]  }
0x5a: {  	[spmem:s17] =	stream.linear.scatter [tilespmem:s21], [sflag:$0x5], $0x2000, $0x38;
	[tilespmem:$0x1D600] =	vst v63  }
0x5b: {  	s18 =	rddreg [dreg:$0xb]  }
0x5c: {  	[spmem:s18] =	stream.linear.scatter [tilespmem:s21], [sflag:$0x5], $0x2000, $0x38;
	[tilespmem:$0x1D600] =	vst v63  }
0x5d: {  	s17 =	rddreg [dreg:$0xc]  }
0x5e: {  	[spmem:s17] =	stream.linear.scatter [tilespmem:s21], [sflag:$0x5], $0x2000, $0x38;
	[tilespmem:$0x1D600] =	vst v63  }
0x5f: {  	s18 =	rddreg [dreg:$0xd]  }
0x60: {  	[spmem:s18] =	stream.linear.scatter [tilespmem:s21], [sflag:$0x5], $0x2000, $0x38;
	[tilespmem:$0x1D600] =	vst v63  }
0x61: {  	s17 =	rddreg [dreg:$0xe]  }
0x62: {  	[spmem:s17] =	stream.linear.scatter [tilespmem:s21], [sflag:$0x5], $0x2000, $0x38;
	[tilespmem:$0x1D600] =	vst v63  }
0x63: {  	s18 =	rddreg [dreg:$0xf]  }
0x64: {  	[spmem:s18] =	stream.linear.scatter [tilespmem:s21], [sflag:$0x5], $0x2000, $0x38;
	[tilespmem:$0x1D600] =	vst v63  }
0x65: {  	_ = 	snop  }
0x66: {  	[spmem:s20] =	stream.linear.scatter [tilespmem:s21], [sflag:$0x5], $0x2000, $0x38;
	[tilespmem:$0x1D600] =	vst v63  }
0x67: {  	s17 =	simm.s32 $0x9100  }
0x68: {  	[spmem:s8] =	stream.linear.scatter [tilespmem:s17], [sflag:$0x7], $0x280, $0x38;
	[tilespmem:$0x1D600] =	vst v63  }
0x69: {  	s16 =	simm.s32 $0x0;
	s17 =	rddreg [dreg:$0x5]  }
0x6a: {  	[tilespmem:s16], [sflag:$0x9] =	stream.linear.gather [hbm4b:s17+s16], $0x2800, $0x38;
	[tilespmem:$0x1D600] =	vst v63  }
0x6b: {  	_ =	swait.ge [sflag:s25], $0x2800  }
0x6c: {  	[sflag:s25] =	ssyncset.done $0x0  }
0x6d: {  	s18 =	simm.s32 $0x2800;
	s17 =	rddreg [dreg:$0x6];
	[sflag:s25] =	ssyncadd.s32 $0xFFFFD800  }
0x6e: {  	[tilespmem:s18], [sflag:$0x9] =	stream.linear.gather [hbm4b:s17+s16], $0x2800, $0x38;
	[tilespmem:$0x1D600] =	vst v63  }
0x6f: {  	_ =	swait.ge [sflag:s25], $0x2800  }
0x70: {  	[sflag:s25] =	ssyncset.done $0x0  }
0x71: {  	[sflag:s25] =	ssyncadd.s32 $0xFFFFD800  }
0x72: {  	_ =	swait.ge [sflag:s28], $0x2000  }
0x73: {  	[sflag:s28] =	ssyncset.done $0x0  }
0x74: {  	[sflag:s28] =	ssyncadd.s32 $0xFFFFE000  }
0x75: {  	_ =	swait.ge [sflag:s28], $0x2000  }
0x76: {  	[sflag:s28] =	ssyncset.done $0x0  }
0x77: {  	[sflag:s28] =	ssyncadd.s32 $0xFFFFE000  }
0x78: {  	_ =	swait.ge [sflag:s28], $0x2000  }
0x79: {  	[sflag:s28] =	ssyncset.done $0x0  }
0x7a: {  	[sflag:s28] =	ssyncadd.s32 $0xFFFFE000  }
0x7b: {  	_ =	swait.ge [sflag:s28], $0x2000  }
0x7c: {  	[sflag:s28] =	ssyncset.done $0x0  }
0x7d: {  	[sflag:s28] =	ssyncadd.s32 $0xFFFFE000  }
0x7e: {  	_ =	swait.ge [sflag:s28], $0x2000  }
0x7f: {  	[sflag:s28] =	ssyncset.done $0x0  }
0x80: {  	[sflag:s28] =	ssyncadd.s32 $0xFFFFE000  }
0x81: {  	_ =	swait.ge [sflag:s28], $0x2000  }
0x82: {  	[sflag:s28] =	ssyncset.done $0x0  }
0x83: {  	[sflag:s28] =	ssyncadd.s32 $0xFFFFE000  }
0x84: {  	_ =	swait.ge [sflag:s28], $0x2000  }
0x85: {  	[sflag:s28] =	ssyncset.done $0x0  }
0x86: {  	[sflag:s28] =	ssyncadd.s32 $0xFFFFE000  }
0x87: {  	_ =	swait.ge [sflag:s28], $0x2000  }
0x88: {  	[sflag:s28] =	ssyncset.done $0x0  }
0x89: {  	[sflag:s28] =	ssyncadd.s32 $0xFFFFE000  }
0x8a: {  	_ =	swait.ge [sflag:s28], $0x2000  }
0x8b: {  	[sflag:s28] =	ssyncset.done $0x0  }
0x8c: {  	[sflag:s28] =	ssyncadd.s32 $0xFFFFE000  }
0x8d: {  	_ =	swait.ge [sflag:s28], $0x2000  }
0x8e: {  	[sflag:s28] =	ssyncset.done $0x0  }
0x8f: {  	[sflag:s28] =	ssyncadd.s32 $0xFFFFE000  }
0x90: {  	_ =	swait.ge [sflag:s29], $0x280  }
0x91: {  	[sflag:s29] =	ssyncset.done $0x0  }
0x92: {  	[sflag:s29] =	ssyncadd.s32 $0xFFFFFD80  }
0x93: {  	[bflag:$0x0] =	sbarrier.arrive $0xFFFF  }
0x94: {  	[tilespmem:s21], [sflag:$0x1] =	stream.indirect.gather [hbm4b:s5+s30], $0x80, s16, s30, $0xb8;
	[tilespmem:$0x1D600] =	vst v63  }
0x95: {  	_ = 	snop  }
0x96: {  	[tilespmem:s31], [sflag:$0x3] =	stream.indirect.gather [hbm4b:s6+s30], $0x1, s16, s30, $0xb8;
	[tilespmem:$0x1D600] =	vst v63  }
0x97: {  	_ = 	snop  }
0x98: {  	[tilespmem:s23], [sflag:$0x2] =	stream.indirect.gather [hbm4b:s5+s30], $0x80, s1, s30, $0xb8;
	[tilespmem:$0x1D600] =	vst v63  }
0x99: {  	_ = 	snop  }
0x9a: {  	[tilespmem:s26], [sflag:$0x4] =	stream.indirect.gather [hbm4b:s6+s30], $0x1, s1, s30, $0xb8;
	[tilespmem:$0x1D600] =	vst v63  }
0x9b: {  	_ =	swait.ge [sflag:s0], $0x2000  }
0x9c: {  	[sflag:s0] =	ssyncset.done $0x0  }
0x9d: {  	[sflag:s0] =	ssyncadd.s32 $0xFFFFE000  }
0x9e: {  	_ =	swait.ge [sflag:s9], $0x40  }
0x9f: {  	[sflag:s9] =	ssyncset.done $0x0  }
0xa0: {  	s18 =	simm.s32 $0x2800;
	[sflag:s9] =	ssyncadd.s32 $0xFFFFFFC0  }
0xa1: {  	[spmem:s2] =	stream.indirect.scatter.add.f32 [tilespmem:s21], [sflag:$0x5], $0x80, s18, s30, $0xb8;
	[tilespmem:$0x1D600] =	vst v63  }
0xa2: {  	_ = 	snop  }
0xa3: {  	[spmem:s3] =	stream.indirect.scatter.add.f32 [tilespmem:s31], [sflag:$0x7], $0x1, s18, s30, $0xb8;
	[tilespmem:$0x1D600] =	vst v63  }
0xa4: {  	_ =	swait.ge [sflag:s28], $0x2000  }
0xa5: {  	[sflag:s28] =	ssyncset.done $0x0  }
0xa6: {  	[sflag:s28] =	ssyncadd.s32 $0xFFFFE000  }
0xa7: {  	_ =	swait.ge [sflag:s29], $0x40  }
0xa8: {  	[sflag:s29] =	ssyncset.done $0x0  }
0xa9: {  	s17 =	simm.s32 $0x100;
	[sflag:s29] =	ssyncadd.s32 $0xFFFFFFC0  }
0xaa: {  	[tilespmem:s21], [sflag:$0x1] =	stream.indirect.gather [hbm4b:s5+s30], $0x80, s17, s30, $0xb8;
	[tilespmem:$0x1D600] =	vst v63  }
0xab: {  	_ = 	snop  }
0xac: {  	[tilespmem:s31], [sflag:$0x3] =	stream.indirect.gather [hbm4b:s6+s30], $0x1, s17, s30, $0xb8;
	[tilespmem:$0x1D600] =	vst v63  }
0xad: {  	_ =	swait.ge [sflag:s10], $0x2000  }
0xae: {  	[sflag:s10] =	ssyncset.done $0x0  }
0xaf: {  	[sflag:s10] =	ssyncadd.s32 $0xFFFFE000  }
0xb0: {  	_ =	swait.ge [sflag:s11], $0x40  }
0xb1: {  	[sflag:s11] =	ssyncset.done $0x0  }
0xb2: {  	s18 =	simm.s32 $0x2880;
	[sflag:s11] =	ssyncadd.s32 $0xFFFFFFC0  }
0xb3: {  	[spmem:s2] =	stream.indirect.scatter.add.f32 [tilespmem:s23], [sflag:$0x6], $0x80, s18, s30, $0xb8;
	[tilespmem:$0x1D600] =	vst v63  }
0xb4: {  	_ = 	snop  }
0xb5: {  	[spmem:s3] =	stream.indirect.scatter.add.f32 [tilespmem:s26], [sflag:$0x8], $0x1, s18, s30, $0xb8;
	[tilespmem:$0x1D600] =	vst v63  }
0xb6: {  	_ =	swait.ge [sflag:s12], $0x2000  }
0xb7: {  	[sflag:s12] =	ssyncset.done $0x0  }
0xb8: {  	[sflag:s12] =	ssyncadd.s32 $0xFFFFE000  }
0xb9: {  	_ =	swait.ge [sflag:s13], $0x40  }
0xba: {  	[sflag:s13] =	ssyncset.done $0x0  }
0xbb: {  	s16 =	simm.s32 $0x400;
	s17 =	simm.s32 $0x180;
	[sflag:s13] =	ssyncadd.s32 $0xFFFFFFC0  }
0xbc: {  	[tilespmem:s23], [sflag:$0x2] =	stream.indirect.gather [hbm4b:s5+s30], $0x80, s17, s30, $0xb8;
	[tilespmem:$0x1D600] =	vst v63  }
.LBB2_4:
0xbd: {  	[tilespmem:s26], [sflag:$0x4] =	stream.indirect.gather [hbm4b:s6+s30], $0x1, s17, s30, $0xb8;
	[tilespmem:$0x1D600] =	vst v63  }
0xbe: {  	s17 =	smov.u32 s16  }
0xbf: {  	p0 =	sne.s32 s16, $0x9800;
	s16 =	sadd.s32 $0x400, s16;
	_ =	swait.ge [sflag:s0], $0x2000  }
0xc0: {  	[sflag:s0] =	ssyncset.done $0x0  }
0xc1: {  	[sflag:s0] =	ssyncadd.s32 $0xFFFFE000  }
0xc2: {  	_ =	swait.ge [sflag:s9], $0x40  }
0xc3: {  	s17 =	sshra.s32 s17, $0x2;
	[sflag:s9] =	ssyncset.done $0x0  }
0xc4: {  	s18 =	sadd.s32 $0x2800, s17;
	[sflag:s9] =	ssyncadd.s32 $0xFFFFFFC0  }
0xc5: {  	[spmem:s2] =	stream.indirect.scatter.add.f32 [tilespmem:s21], [sflag:$0x5], $0x80, s18, s30, $0xb8;
	[tilespmem:$0x1D600] =	vst v63  }
0xc6: {  	_ = 	snop  }
0xc7: {  	[spmem:s3] =	stream.indirect.scatter.add.f32 [tilespmem:s31], [sflag:$0x7], $0x1, s18, s30, $0xb8;
	[tilespmem:$0x1D600] =	vst v63  }
0xc8: {  	_ =	swait.ge [sflag:s28], $0x2000  }
0xc9: {  	[sflag:s28] =	ssyncset.done $0x0  }
0xca: {  	[sflag:s28] =	ssyncadd.s32 $0xFFFFE000  }
0xcb: {  	_ =	swait.ge [sflag:s29], $0x40  }
0xcc: {  	[sflag:s29] =	ssyncset.done $0x0  }
0xcd: {  	s18 =	sadd.s32 $0x100, s17;
	[sflag:s29] =	ssyncadd.s32 $0xFFFFFFC0  }
0xce: {  	[tilespmem:s21], [sflag:$0x1] =	stream.indirect.gather [hbm4b:s5+s30], $0x80, s18, s30, $0xb8;
	[tilespmem:$0x1D600] =	vst v63  }
0xcf: {  	_ = 	snop  }
0xd0: {  	[tilespmem:s31], [sflag:$0x3] =	stream.indirect.gather [hbm4b:s6+s30], $0x1, s18, s30, $0xb8;
	[tilespmem:$0x1D600] =	vst v63  }
0xd1: {  	_ =	swait.ge [sflag:s10], $0x2000  }
0xd2: {  	[sflag:s10] =	ssyncset.done $0x0  }
0xd3: {  	[sflag:s10] =	ssyncadd.s32 $0xFFFFE000  }
0xd4: {  	_ =	swait.ge [sflag:s11], $0x40  }
0xd5: {  	[sflag:s11] =	ssyncset.done $0x0  }
0xd6: {  	s18 =	sadd.s32 $0x2880, s17;
	[sflag:s11] =	ssyncadd.s32 $0xFFFFFFC0  }
0xd7: {  	[spmem:s2] =	stream.indirect.scatter.add.f32 [tilespmem:s23], [sflag:$0x6], $0x80, s18, s30, $0xb8;
	[tilespmem:$0x1D600] =	vst v63  }
0xd8: {  	_ = 	snop  }
0xd9: {  	[spmem:s3] =	stream.indirect.scatter.add.f32 [tilespmem:s26], [sflag:$0x8], $0x1, s18, s30, $0xb8;
	[tilespmem:$0x1D600] =	vst v63  }
0xda: {  	_ =	swait.ge [sflag:s12], $0x2000  }
0xdb: {  	[sflag:s12] =	ssyncset.done $0x0  }
.Ltmp1:
0xdc: {  	[sflag:s12] =	ssyncadd.s32 $0xFFFFE000;
	(pc) =	sbr.rel @p0 .LBB2_4-.Ltmp1, $4  }
0xdd: {  	_ =	swait.ge [sflag:s13], $0x40  }
0xde: {  	[sflag:s13] =	ssyncset.done $0x0  }
0xdf: {  	s17 =	sadd.s32 $0x180, s17;
	[sflag:s13] =	ssyncadd.s32 $0xFFFFFFC0  }
0xe0: {  	[tilespmem:s23], [sflag:$0x2] =	stream.indirect.gather [hbm4b:s5+s30], $0x80, s17, s30, $0xb8;
	[tilespmem:$0x1D600] =	vst v63  }
0xe1: {  	[tilespmem:s26], [sflag:$0x4] =	stream.indirect.gather [hbm4b:s6+s30], $0x1, s17, s30, $0xb8;
	[tilespmem:$0x1D600] =	vst v63  }
0xe2: {  	_ =	swait.ge [sflag:s0], $0x2000  }
0xe3: {  	[sflag:s0] =	ssyncset.done $0x0  }
0xe4: {  	[sflag:s0] =	ssyncadd.s32 $0xFFFFE000  }
0xe5: {  	_ =	swait.ge [sflag:s9], $0x40  }
0xe6: {  	[sflag:s9] =	ssyncset.done $0x0  }
0xe7: {  	[sflag:s9] =	ssyncadd.s32 $0xFFFFFFC0  }
0xe8: {  	[spmem:s2] =	stream.indirect.scatter.add.f32 [tilespmem:s21], [sflag:$0x5], $0x80, s14, s30, $0xb8;
	[tilespmem:$0x1D600] =	vst v63  }
0xe9: {  	_ = 	snop  }
0xea: {  	[spmem:s3] =	stream.indirect.scatter.add.f32 [tilespmem:s31], [sflag:$0x7], $0x1, s14, s30, $0xb8;
	[tilespmem:$0x1D600] =	vst v63  }
0xeb: {  	_ =	swait.ge [sflag:s28], $0x2000  }
0xec: {  	[sflag:s28] =	ssyncset.done $0x0  }
0xed: {  	[sflag:s28] =	ssyncadd.s32 $0xFFFFE000  }
0xee: {  	_ =	swait.ge [sflag:s29], $0x40  }
0xef: {  	[sflag:s29] =	ssyncset.done $0x0  }
0xf0: {  	[sflag:s29] =	ssyncadd.s32 $0xFFFFFFC0  }
0xf1: {  	_ =	swait.ge [sflag:s10], $0x2000  }
0xf2: {  	[sflag:s10] =	ssyncset.done $0x0  }
0xf3: {  	[sflag:s10] =	ssyncadd.s32 $0xFFFFE000  }
0xf4: {  	_ =	swait.ge [sflag:s11], $0x40  }
0xf5: {  	[sflag:s11] =	ssyncset.done $0x0  }
0xf6: {  	[sflag:s11] =	ssyncadd.s32 $0xFFFFFFC0  }
0xf7: {  	[spmem:s2] =	stream.indirect.scatter.add.f32 [tilespmem:s23], [sflag:$0x6], $0x80, s15, s30, $0xb8;
	[tilespmem:$0x1D600] =	vst v63  }
0xf8: {  	_ = 	snop  }
0xf9: {  	[spmem:s3] =	stream.indirect.scatter.add.f32 [tilespmem:s26], [sflag:$0x8], $0x1, s15, s30, $0xb8;
	[tilespmem:$0x1D600] =	vst v63  }
0xfa: {  	_ =	swait.ge [sflag:s12], $0x2000  }
0xfb: {  	[sflag:s12] =	ssyncset.done $0x0  }
0xfc: {  	[sflag:s12] =	ssyncadd.s32 $0xFFFFE000  }
0xfd: {  	_ =	swait.ge [sflag:s13], $0x40  }
0xfe: {  	s16 =	stileid.u32;
	[sflag:s13] =	ssyncset.done $0x0  }
0xff: {  	s16 =	sshll.u32 s16, $0x6;
	[sflag:s13] =	ssyncadd.s32 $0xFFFFFFC0  }
0x100: {  	s18 =	sshrl.u32 s7, $0x3;
	s16 =	sor.u32 $0x1C09, s16;
	[bflag:$0x0] =	sbarrier.arrive $0xFFFF  }
0x101: {  	[hbm:s22], [sflag:s16] =	dma.local [spmem:s18], $0x2800  }
0x102: {  	_ =	swait.ge [sflag:s25], $0x2800  }
0x103: {  	[sflag:s25] =	ssyncset.done $0x0  }
0x104: {  	s17 =	sshrl.u32 s8, $0x3;
	s18 =	simm.s32 $0x20;
	[sflag:s25] =	ssyncadd.s32 $0xFFFFD800  }
0x105: {  	[hbm:s24@s18], [sflag:s16] =	dma.strided [spmem:s17@s19], $0x50, s0, $0x10   }
0x106: {  	_ =	swait.ge [sflag:s25], $0x50  }
0x107: {  	s4 =	sadd.s32 $0x1, s4;
	s18 =	rddreg [dreg:$0x7]  }
0x108: {  	p0 =	sne.s32 s4, s18  }
.Ltmp2:
0x109: {  	_ = 	snop;
	(pc) =	sbr.rel @p0 .LBB2_1-.Ltmp2, $3  }
0x10a: {  	_ =	sdelay $0x1  }
0x10b: {  	[sflag:s25] =	ssyncset.done $0x0  }
0x10c: {  	[sflag:s25] =	ssyncadd.s32 $0xFFFFFFB0  }
0x10d: {  	_ =	sfence.sel $0x180000  }
0x10e: {  	[bflag:$0x0] =	sbarrier.arrive $0xFFFF  }
0x10f: {  	_ =	strace $0x90000047  }
0x110: {  	s0 =	stileid.u32;
	[bflag:$0x2] =	sbarrier.arrive $0xFFFF  }
0x111: {  	p0 =	sne.s32 s0, $0x0;
	s0 =	rddreg [dreg:$0x4]  }
0x112: {  	s0 =	sadd.s32 @!p0 $0x100000, s0  }
0x113: {  	[sflag:s0] =	ssyncadd.tile.s32 @!p0 $0x1;
	_ =	shalt  }
.Lfunc_end2:
_tile_overlayer_lowered:
.L_overlay_start_2:
0x114: {  	(tag) =	ssettag $0x2  }
0x115: {  	s0 =	rddreg [dreg:$0x0];
	s2 =	stileid.u32  }
0x116: {  	s1 =	rddreg [dreg:$0x1];
	p0 =	sne.s32 s2, $0x0  }
0x117: {  	s3 =	rddreg [dreg:$0x2];
	[bflag:$0x3] =	sbarrier.arrive $0xFFFF;
	s2 =	simm.s32 @!p0 $0x1C09  }
0x118: {  	[timem:s3], [sflag:s2] =	dma.local @!p0 [hbm:s0], s1  }
0x119: {  	s0 =	simm.s32 @!p0 $0x9  }
0x11a: {  	_ =	swait.ge @!p0 [sflag:s0], s1  }
0x11b: {  	s1 =	ssub.s32 @!p0 $0x0, s1;
	[sflag:s0] =	ssyncset.done @!p0 $0x0  }
0x11c: {  	[sflag:s0] =	ssyncadd.s32 @!p0 s1  }
0x11d: {  	[bflag:$0x3] =	sbarrier.arrive $0xFFFF  }
0x11e: {  	_ =	shalt  }

</sc_bundles>
